<compile_context>
chip_gen: v7x
topology: tpu7x:2x2x1
jax: 0.10.2.dev20260603
libtpu: 0.0.44.dev20260713+nightly
codegen_flags: <defaults>
</compile_context>

<pallas_src>
import functools

import jax
import jax.numpy as jnp
from jax import lax
from jax.experimental import pallas as pl
from jax.experimental.pallas import tpu as pltpu
from jax.experimental.pallas import tpu_sc as plsc

N = 10000
E = 320000
D = 128
L = 3

NC = 2
NS = 16
NW = NC * NS
EPT = E // NW
CH = 80
NCHUNK = EPT // CH
NP = 10240
RPS = NP // NS
ZROWS = 128
DEG_W = 16

DH = D // NC
EPC = E // NS
NCHUNK2 = EPC // CH
DEPTH = 5
NSLOT = DEPTH

def _zero_fill(ref, rows, width):
    @pl.loop(0, rows)
    def _(r):
        @pl.loop(0, width, step=16)
        def _(c0):
            ref[r, pl.ds(c0, 16)] = jnp.zeros((16,), jnp.float32)


@functools.cache
def _make_sc_segment_sum():
    mesh = plsc.VectorSubcoreMesh(core_axis_name="c", subcore_axis_name="s")

    @functools.partial(
        pl.kernel,
        out_type=jax.ShapeDtypeStruct((NP, D), jnp.float32),
        mesh=mesh,
        compiler_params=pltpu.CompilerParams(use_tc_tiling_on_sc=False),
        scratch_types=[
            pltpu.VMEM((NCHUNK2, CH), jnp.int32),
            pltpu.VMEM((NCHUNK2, CH), jnp.int32),
            [pltpu.VMEM((CH, DH), jnp.float32)] * NSLOT,
            pltpu.VMEM((ZROWS, DH), jnp.float32),
            pltpu.VMEM_SHARED((NP, DH), jnp.float32),
            pltpu.SemaphoreType.DMA,
            pltpu.SemaphoreType.DMA,
            [pltpu.SemaphoreType.DMA] * NSLOT,
        ],
    )
    def sc_segment_sum(h_hbm, src_hbm, dst_hbm, out_hbm,
                       src_v, dst_v, gbufs, zbuf, acc, isem0, isem1,
                       gsems):
        c = lax.axis_index("c")
        s = lax.axis_index("s")
        w = c * NS + s
        d_src = pltpu.async_copy(src_hbm.at[w], src_v, isem0)
        d_dst = pltpu.async_copy(dst_hbm.at[s], dst_v, isem1)
        _zero_fill(zbuf, ZROWS, DH)

        @pl.loop(0, RPS, step=ZROWS)
        def _(r0):
            pltpu.sync_copy(zbuf, acc.at[pl.ds(s * RPS + r0, ZROWS)])

        d_src.wait()
        d_dst.wait()
        plsc.subcore_barrier()

        for b in range(DEPTH):
            pltpu.async_copy(h_hbm.at[src_v.at[b]], gbufs[b], gsems[b])

        @pl.loop(0, NCHUNK2, step=NSLOT)
        def _(g):
            for b in range(NSLOT):
                j = g + b
                pltpu.make_async_copy(h_hbm.at[src_v.at[j]],
                                      gbufs[b], gsems[b]).wait()
                pltpu.sync_copy(gbufs[b], acc.at[dst_v.at[j]], add=True)

                @pl.when(j + DEPTH < NCHUNK2)
                def _():
                    pltpu.async_copy(h_hbm.at[src_v.at[j + DEPTH]],
                                     gbufs[b], gsems[b])

        plsc.subcore_barrier()
        pltpu.sync_copy(acc.at[pl.ds(s * RPS, RPS)],
                        out_hbm.at[pl.ds(s * RPS, RPS), pl.ds(c * DH, DH)])

    return sc_segment_sum


@functools.cache
def _make_sc_degree():
    mesh = plsc.VectorSubcoreMesh(core_axis_name="c", subcore_axis_name="s")

    @functools.partial(
        pl.kernel,
        out_type=jax.ShapeDtypeStruct((NW, NP), jnp.float32),
        mesh=mesh,
        compiler_params=pltpu.CompilerParams(use_tc_tiling_on_sc=False,
                                             needs_layout_passes=False),
        scratch_types=[
            pltpu.VMEM((EPT,), jnp.int32),
            pltpu.VMEM((NP,), jnp.float32),
            pltpu.SemaphoreType.DMA,
        ],
    )
    def sc_degree(dst_hbm, out_hbm, dst_v, acc_v, isem):
        c = lax.axis_index("c")
        s = lax.axis_index("s")
        w = c * NS + s
        d_dst = pltpu.async_copy(dst_hbm.at[w], dst_v, isem)

        @pl.loop(0, NP, step=16)
        def _(i):
            acc_v[pl.ds(i, 16)] = jnp.zeros((16,), jnp.float32)

        d_dst.wait()
        ones = jnp.ones((16,), jnp.float32)

        @pl.loop(0, EPT, step=16)
        def _(i):
            plsc.addupdate_scatter(acc_v, [dst_v[pl.ds(i, 16)]], ones)

        pltpu.sync_copy(acc_v, out_hbm.at[w])

    return sc_degree


_BN = 1024


def _tc_encoder(x, W, b):
    def body(x_ref, w_ref, b_ref, o_ref):
        z = jnp.dot(x_ref[...], w_ref[...], preferred_element_type=jnp.float32)
        o_ref[...] = jnp.maximum(z + b_ref[...], 0.0)

    return pl.pallas_call(
        body,
        grid=(pl.cdiv(N, _BN),),
        in_specs=[
            pl.BlockSpec((_BN, D), lambda i: (i, 0)),
            pl.BlockSpec((D, D), lambda i: (0, 0)),
            pl.BlockSpec((1, D), lambda i: (0, 0)),
        ],
        out_specs=pl.BlockSpec((_BN, D), lambda i: (i, 0)),
        out_shape=jax.ShapeDtypeStruct((N, D), jnp.float32),
    )(x, W, b.reshape(1, D))


def _tc_layer(h, part, degp, Ws, Wn, b, Wh=None, bh=None):
    fuse_head = Wh is not None

    def body(h_ref, p_ref, g_ref, ws_ref, wn_ref, b_ref, *rest):
        h_blk = h_ref[...]
        psum = p_ref[...]
        deg = jnp.sum(g_ref[...], axis=0)[:, None]
        agg = psum * (1.0 / jnp.maximum(deg, 1.0))
        z = (jnp.dot(h_blk, ws_ref[...], preferred_element_type=jnp.float32)
             + jnp.dot(agg, wn_ref[...], preferred_element_type=jnp.float32)
             + b_ref[...])
        hn = jnp.maximum(z, 0.0) + h_blk
        if fuse_head:
            wh_ref, bh_ref, o_ref = rest
            o_ref[...] = (jnp.dot(hn, wh_ref[...],
                                  preferred_element_type=jnp.float32)
                          + bh_ref[...])
        else:
            (o_ref,) = rest
            o_ref[...] = hn

    in_specs = [
        pl.BlockSpec((_BN, D), lambda i: (i, 0)),
        pl.BlockSpec((_BN, D), lambda i: (i, 0)),
        pl.BlockSpec((NW, _BN), lambda i: (0, i)),
        pl.BlockSpec((D, D), lambda i: (0, 0)),
        pl.BlockSpec((D, D), lambda i: (0, 0)),
        pl.BlockSpec((1, D), lambda i: (0, 0)),
    ]
    args = [h, part, degp, Ws, Wn, b.reshape(1, D)]
    if fuse_head:
        in_specs += [pl.BlockSpec((D, D), lambda i: (0, 0)),
                     pl.BlockSpec((1, D), lambda i: (0, 0))]
        args += [Wh, bh.reshape(1, D)]
    out_specs = pl.BlockSpec((_BN, D), lambda i: (i, 0))
    out_shape = jax.ShapeDtypeStruct((N, D), jnp.float32)

    return pl.pallas_call(
        body,
        grid=(pl.cdiv(N, _BN),),
        in_specs=in_specs,
        out_specs=out_specs,
        out_shape=out_shape,
    )(*args)


def kernel(x, edge_index, W_enc, b_enc, W_self, W_neigh, b_conv, W_head, b_head):
    ei = edge_index.astype(jnp.int32)
    dst_deg = ei[1].reshape(NW, EPT)
    src_flat = ei[0]
    src_seg = jnp.stack([2 * src_flat, 2 * src_flat + 1]).reshape(
        NW, NCHUNK2, CH)
    dst_seg = ei[1].reshape(NS, NCHUNK2, CH)

    degp = _make_sc_degree()(dst_deg)
    x, degp = lax.optimization_barrier((x, degp))
    h = _tc_encoder(x, W_enc, b_enc)
    for l in range(L):
        part = _make_sc_segment_sum()(h.reshape(2 * N, DH), src_seg, dst_seg)
        if l == L - 1:
            h = _tc_layer(h, part, degp, W_self[l], W_neigh[l], b_conv[l],
                          W_head, b_head)
        else:
            h = _tc_layer(h, part, degp, W_self[l], W_neigh[l], b_conv[l])
    return h

# --- scband reference (transcript-rebuilt; emitter-appended) ---
"""Pipeline reference for scband-custom-tpu-gnn-6201932776076 (READ-ONLY COPY).

The authoritative reference and input builder live on the scoring server;
editing this copy changes nothing except your own understanding.
"""

import jax, jax.numpy as jnp
import numpy as np

N = 10000
E = 320000
D = 128
L = 3

def setup_inputs(seed: int = 0) -> dict:
    key = jax.random.key(seed)
    ks = jax.random.split(key, 10)
    x = jax.random.normal(ks[0], (N, D), dtype=jnp.float32)
    edge_index = jax.random.randint(ks[1], (2, E), 0, N, dtype=jnp.int64)
    s = 1.0 / np.sqrt(D)
    W_enc = jax.random.uniform(ks[2], (D, D), jnp.float32, -s, s)
    b_enc = jnp.zeros((D,), jnp.float32)
    W_self = jax.random.uniform(ks[3], (L, D, D), jnp.float32, -s, s)
    W_neigh = jax.random.uniform(ks[4], (L, D, D), jnp.float32, -s, s)
    b_conv = jnp.zeros((L, D), jnp.float32)
    W_head = jax.random.uniform(ks[5], (D, D), jnp.float32, -s, s)
    b_head = jnp.zeros((D,), jnp.float32)
    return {"x": x, "edge_index": edge_index, "W_enc": W_enc, "b_enc": b_enc,
            "W_self": W_self, "W_neigh": W_neigh, "b_conv": b_conv,
            "W_head": W_head, "b_head": b_head}

def _sage_mean_agg(h, src, dst):
    msg = jnp.take(h, src, axis=0)
    summed = jax.ops.segment_sum(msg, dst, num_segments=N)
    deg = jax.ops.segment_sum(jnp.ones((src.shape[0],), h.dtype), dst, num_segments=N)
    return summed / jnp.clip(deg, 1.0)[:, None]

def reference(x, edge_index, W_enc, b_enc, W_self, W_neigh, b_conv, W_head, b_head):
    src = edge_index[0]
    dst = edge_index[1]
    # encoder / pre_mp linear
    h = jax.nn.relu(x @ W_enc + b_enc)
    # message-passing layers (SAGEConv with mean aggregation, residual)
    for l in range(L):
        x_in = h
        agg = _sage_mean_agg(h, src, dst)
        h = h @ W_self[l] + agg @ W_neigh[l] + b_conv[l]
        h = jax.nn.relu(h)
        h = h + x_in
    # post_mp head (node-level linear head)
    out = h @ W_head + b_head
    return out

if __name__ == "__main__":
    import jax
    _d = setup_inputs()
    print(jax.jit(kernel)(*tuple(_d.values())))

</pallas_src>

<mosaic_0001>
#map = affine_map<(d0, d1) -> (0, 0)>
module attributes {stable_mosaic.version = 14 : i64} {
  func.func @sc_degree(%arg0: i32, %arg1: i32, %arg2: memref<32x10000xi32, #tpu.memory_space<hbm>>, %arg3: memref<32x10240xf32, #tpu.memory_space<hbm>>, %arg4: memref<10000xi32, #tpu.memory_space<vmem>>, %arg5: memref<10240xf32, #tpu.memory_space<vmem>>, %arg6: memref<!tpu.dma_semaphore, #tpu.memory_space<semaphore_mem>>) attributes {dimension_semantics = [#tpu.dimension_semantics<core_parallel>, #tpu.dimension_semantics<subcore_parallel>], iteration_bounds = array<i64: 2, 16>, scalar_prefetch = 0 : i64, scratch_operands = 3 : i64, tpu.core_type = #tpu.core_type<sc_vector_subcore>, window_params = [{transform_indices = #map}, {transform_indices = #map}]} {
    %mul3A = arith.constant 16 : i32
    %mul3A_0 = arith.muli %arg0, %mul3A : i32
    %add3A = arith.addi %mul3A_0, %arg1 : i32
    %dma_start3A = arith.constant 0 : i32
    %dma_start3A_1 = tpu.memref_slice %arg2[%add3A, %dma_start3A] : memref<32x10000xi32, #tpu.memory_space<hbm>> -> memref<1x10000xi32, #tpu.memory_space<hbm>>
    %dma_start3A_2 = tpu.memref_squeeze %dma_start3A_1 : memref<1x10000xi32, #tpu.memory_space<hbm>> -> memref<10000xi32, #tpu.memory_space<hbm>>
    %dma_start3A_3 = arith.constant 0 : i32
    %dma_start3A_4 = tpu.memref_slice %arg2[%add3A, %dma_start3A_3] : memref<32x10000xi32, #tpu.memory_space<hbm>> -> memref<1x10000xi32, #tpu.memory_space<hbm>>
    %dma_start3A_5 = tpu.memref_squeeze %dma_start3A_4 : memref<1x10000xi32, #tpu.memory_space<hbm>> -> memref<10000xi32, #tpu.memory_space<hbm>>
    tpu.enqueue_dma source(%dma_start3A_5 : memref<10000xi32, #tpu.memory_space<hbm>>) target(%arg4 : memref<10000xi32, #tpu.memory_space<vmem>>) target_semaphore(%arg6 : memref<!tpu.dma_semaphore, #tpu.memory_space<semaphore_mem>>)
    %scan3A = arith.constant 0 : i32
    %scan3A_6 = arith.constant 640 : i32
    %scan3A_7 = arith.addi %scan3A, %scan3A_6 : i32
    %scan3A_8 = arith.constant 1 : i32
    scf.for %scan3A_21 = %scan3A to %scan3A_7 step %scan3A_8  : i32 {
      %mul3A_22 = arith.constant 16 : i32
      %mul3A_23 = arith.muli %scan3A_21, %mul3A_22 : i32
      %add3A_24 = arith.constant 0 : i32
      %add3A_25 = arith.addi %add3A_24, %mul3A_23 : i32
      %broadcast_in_dim3A_26 = arith.constant 0.000000e+00 : f32
      %broadcast_in_dim3A_27 = vector.broadcast %broadcast_in_dim3A_26 : f32 to vector<16xf32>
      %swap3A = arith.index_cast %add3A_25 : i32 to index
      %swap3A_28 = tpu.vector_load %arg5[%swap3A] {strides = array<i32>} : memref<10240xf32, #tpu.memory_space<vmem>>, vector<16xf32>,
      tpu.vector_store %arg5[%swap3A], %broadcast_in_dim3A_27 {strides = array<i32>} : memref<10240xf32, #tpu.memory_space<vmem>>, vector<16xf32>,
    }
    %scan3A_9 = arith.constant 640 : i32
    %dma_wait3A = arith.constant 0 : i32
    %dma_wait3A_10 = tpu.memref_slice %arg2[%add3A, %dma_wait3A] : memref<32x10000xi32, #tpu.memory_space<hbm>> -> memref<1x10000xi32, #tpu.memory_space<hbm>>
    %dma_wait3A_11 = tpu.memref_squeeze %dma_wait3A_10 : memref<1x10000xi32, #tpu.memory_space<hbm>> -> memref<10000xi32, #tpu.memory_space<hbm>>
    %dma_wait3A_12 = arith.constant 0 : i32
    %dma_wait3A_13 = tpu.memref_slice %arg2[%add3A, %dma_wait3A_12] : memref<32x10000xi32, #tpu.memory_space<hbm>> -> memref<1x10000xi32, #tpu.memory_space<hbm>>
    %dma_wait3A_14 = tpu.memref_squeeze %dma_wait3A_13 : memref<1x10000xi32, #tpu.memory_space<hbm>> -> memref<10000xi32, #tpu.memory_space<hbm>>
    tpu.wait_dma2 semaphore(%arg6 : memref<!tpu.dma_semaphore, #tpu.memory_space<semaphore_mem>>) src(%dma_wait3A_14 : memref<10000xi32, #tpu.memory_space<hbm>>) dst(%arg4 : memref<10000xi32, #tpu.memory_space<vmem>>)
    %broadcast_in_dim3A = arith.constant 1.000000e+00 : f32
    %broadcast_in_dim3A_15 = vector.broadcast %broadcast_in_dim3A : f32 to vector<16xf32>
    %scan3A_16 = arith.constant 0 : i32
    %scan3A_17 = arith.constant 625 : i32
    %scan3A_18 = arith.addi %scan3A_16, %scan3A_17 : i32
    %scan3A_19 = arith.constant 1 : i32
    scf.for %scan3A_21 = %scan3A_16 to %scan3A_18 step %scan3A_19  : i32 {
      %mul3A_22 = arith.constant 16 : i32
      %mul3A_23 = arith.muli %scan3A_21, %mul3A_22 : i32
      %add3A_24 = arith.constant 0 : i32
      %add3A_25 = arith.addi %add3A_24, %mul3A_23 : i32
      %get3A = arith.index_cast %add3A_25 : i32 to index
      %get3A_26 = tpu.vector_load %arg4[%get3A] {strides = array<i32>} : memref<10000xi32, #tpu.memory_space<vmem>>, vector<16xi32>,
      tpu.vector_store_idx %arg5[%get3A_26], %broadcast_in_dim3A_15 {add = true} : memref<10240xf32, #tpu.memory_space<vmem>>[vector<16xi32>], vector<16xf32>,
    }
    %scan3A_20 = arith.constant 625 : i32
    "tpu.region"() ({
      %run_scoped3A = tpu.sem_alloc : memref<!tpu.dma_semaphore, #tpu.memory_space<semaphore_mem>>
      %dma_start3A_21 = arith.constant 0 : i32
      %dma_start3A_22 = tpu.memref_slice %arg3[%add3A, %dma_start3A_21] : memref<32x10240xf32, #tpu.memory_space<hbm>> -> memref<1x10240xf32, #tpu.memory_space<hbm>>
      %dma_start3A_23 = tpu.memref_squeeze %dma_start3A_22 : memref<1x10240xf32, #tpu.memory_space<hbm>> -> memref<10240xf32, #tpu.memory_space<hbm>>
      %dma_start3A_24 = arith.constant 0 : i32
      %dma_start3A_25 = tpu.memref_slice %arg3[%add3A, %dma_start3A_24] : memref<32x10240xf32, #tpu.memory_space<hbm>> -> memref<1x10240xf32, #tpu.memory_space<hbm>>
      %dma_start3A_26 = tpu.memref_squeeze %dma_start3A_25 : memref<1x10240xf32, #tpu.memory_space<hbm>> -> memref<10240xf32, #tpu.memory_space<hbm>>
      tpu.enqueue_dma source(%arg5 : memref<10240xf32, #tpu.memory_space<vmem>>) target(%dma_start3A_26 : memref<10240xf32, #tpu.memory_space<hbm>>) target_semaphore(%run_scoped3A : memref<!tpu.dma_semaphore, #tpu.memory_space<semaphore_mem>>)
      %dma_wait3A_27 = arith.constant 0 : i32
      %dma_wait3A_28 = tpu.memref_slice %arg3[%add3A, %dma_wait3A_27] : memref<32x10240xf32, #tpu.memory_space<hbm>> -> memref<1x10240xf32, #tpu.memory_space<hbm>>
      %dma_wait3A_29 = tpu.memref_squeeze %dma_wait3A_28 : memref<1x10240xf32, #tpu.memory_space<hbm>> -> memref<10240xf32, #tpu.memory_space<hbm>>
      %dma_wait3A_30 = arith.constant 0 : i32
      %dma_wait3A_31 = tpu.memref_slice %arg3[%add3A, %dma_wait3A_30] : memref<32x10240xf32, #tpu.memory_space<hbm>> -> memref<1x10240xf32, #tpu.memory_space<hbm>>
      %dma_wait3A_32 = tpu.memref_squeeze %dma_wait3A_31 : memref<1x10240xf32, #tpu.memory_space<hbm>> -> memref<10240xf32, #tpu.memory_space<hbm>>
      tpu.wait_dma2 semaphore(%run_scoped3A : memref<!tpu.dma_semaphore, #tpu.memory_space<semaphore_mem>>) src(%arg5 : memref<10240xf32, #tpu.memory_space<vmem>>) dst(%dma_wait3A_32 : memref<10240xf32, #tpu.memory_space<hbm>>)
      tpu.yield
    }) : () -> ()
    return
  }
}

#map = affine_map<(d0, d1) -> (0, 0)>
#map1 = affine_map<(d0, d1) -> (0, 0, 0)>
module attributes {stable_mosaic.version = 14 : i64} {
  func.func @sc_segment_sum(%arg0: i32, %arg1: i32, %arg2: memref<20000x64xf32, #tpu.memory_space<hbm>>, %arg3: memref<32x250x80xi32, #tpu.memory_space<hbm>>, %arg4: memref<16x250x80xi32, #tpu.memory_space<hbm>>, %arg5: memref<10240x128xf32, #tpu.memory_space<hbm>>, %arg6: memref<250x80xi32, #tpu.memory_space<vmem>>, %arg7: memref<250x80xi32, #tpu.memory_space<vmem>>, %arg8: memref<80x64xf32, #tpu.memory_space<vmem>>, %arg9: memref<80x64xf32, #tpu.memory_space<vmem>>, %arg10: memref<80x64xf32, #tpu.memory_space<vmem>>, %arg11: memref<80x64xf32, #tpu.memory_space<vmem>>, %arg12: memref<80x64xf32, #tpu.memory_space<vmem>>, %arg13: memref<128x64xf32, #tpu.memory_space<vmem>>, %arg14: memref<10240x64xf32, #tpu.memory_space<vmem_shared>>, %arg15: memref<!tpu.dma_semaphore, #tpu.memory_space<semaphore_mem>>, %arg16: memref<!tpu.dma_semaphore, #tpu.memory_space<semaphore_mem>>, %arg17: memref<!tpu.dma_semaphore, #tpu.memory_space<semaphore_mem>>, %arg18: memref<!tpu.dma_semaphore, #tpu.memory_space<semaphore_mem>>, %arg19: memref<!tpu.dma_semaphore, #tpu.memory_space<semaphore_mem>>, %arg20: memref<!tpu.dma_semaphore, #tpu.memory_space<semaphore_mem>>, %arg21: memref<!tpu.dma_semaphore, #tpu.memory_space<semaphore_mem>>) attributes {dimension_semantics = [#tpu.dimension_semantics<core_parallel>, #tpu.dimension_semantics<subcore_parallel>], iteration_bounds = array<i64: 2, 16>, scalar_prefetch = 0 : i64, scratch_operands = 16 : i64, tpu.core_type = #tpu.core_type<sc_vector_subcore>, window_params = [{transform_indices = #map}, {transform_indices = #map1}, {transform_indices = #map1}, {transform_indices = #map}]} {
    %mul3A = arith.constant 16 : i32
    %mul3A_0 = arith.muli %arg0, %mul3A : i32
    %add3A = arith.addi %mul3A_0, %arg1 : i32
    %dma_start3A = arith.constant 0 : i32
    %dma_start3A_1 = arith.constant 0 : i32
    %dma_start3A_2 = tpu.memref_slice %arg3[%add3A, %dma_start3A, %dma_start3A_1] : memref<32x250x80xi32, #tpu.memory_space<hbm>> -> memref<1x250x80xi32, #tpu.memory_space<hbm>>
    %dma_start3A_3 = tpu.memref_squeeze %dma_start3A_2 : memref<1x250x80xi32, #tpu.memory_space<hbm>> -> memref<250x80xi32, #tpu.memory_space<hbm>>
    %dma_start3A_4 = arith.constant 0 : i32
    %dma_start3A_5 = arith.constant 0 : i32
    %dma_start3A_6 = tpu.memref_slice %arg3[%add3A, %dma_start3A_4, %dma_start3A_5] : memref<32x250x80xi32, #tpu.memory_space<hbm>> -> memref<1x250x80xi32, #tpu.memory_space<hbm>>
    %dma_start3A_7 = tpu.memref_squeeze %dma_start3A_6 : memref<1x250x80xi32, #tpu.memory_space<hbm>> -> memref<250x80xi32, #tpu.memory_space<hbm>>
    tpu.enqueue_dma source(%dma_start3A_7 : memref<250x80xi32, #tpu.memory_space<hbm>>) target(%arg6 : memref<250x80xi32, #tpu.memory_space<vmem>>) target_semaphore(%arg15 : memref<!tpu.dma_semaphore, #tpu.memory_space<semaphore_mem>>)
    %dma_start3A_8 = arith.constant 0 : i32
    %dma_start3A_9 = arith.constant 0 : i32
    %dma_start3A_10 = tpu.memref_slice %arg4[%arg1, %dma_start3A_8, %dma_start3A_9] : memref<16x250x80xi32, #tpu.memory_space<hbm>> -> memref<1x250x80xi32, #tpu.memory_space<hbm>>
    %dma_start3A_11 = tpu.memref_squeeze %dma_start3A_10 : memref<1x250x80xi32, #tpu.memory_space<hbm>> -> memref<250x80xi32, #tpu.memory_space<hbm>>
    %dma_start3A_12 = arith.constant 0 : i32
    %dma_start3A_13 = arith.constant 0 : i32
    %dma_start3A_14 = tpu.memref_slice %arg4[%arg1, %dma_start3A_12, %dma_start3A_13] : memref<16x250x80xi32, #tpu.memory_space<hbm>> -> memref<1x250x80xi32, #tpu.memory_space<hbm>>
    %dma_start3A_15 = tpu.memref_squeeze %dma_start3A_14 : memref<1x250x80xi32, #tpu.memory_space<hbm>> -> memref<250x80xi32, #tpu.memory_space<hbm>>
    tpu.enqueue_dma source(%dma_start3A_15 : memref<250x80xi32, #tpu.memory_space<hbm>>) target(%arg7 : memref<250x80xi32, #tpu.memory_space<vmem>>) target_semaphore(%arg16 : memref<!tpu.dma_semaphore, #tpu.memory_space<semaphore_mem>>)
    %scan3A = arith.constant 0 : i32
    %scan3A_16 = arith.constant 128 : i32
    %scan3A_17 = arith.addi %scan3A, %scan3A_16 : i32
    %scan3A_18 = arith.constant 1 : i32
    scf.for %scan3A_87 = %scan3A to %scan3A_17 step %scan3A_18  : i32 {
      %mul3A_88 = arith.constant 1 : i32
      %mul3A_89 = arith.muli %scan3A_87, %mul3A_88 : i32
      %add3A_90 = arith.constant 0 : i32
      %add3A_91 = arith.addi %add3A_90, %mul3A_89 : i32
      %scan3A_92 = arith.constant 0 : i32
      %scan3A_93 = arith.constant 4 : i32
      %scan3A_94 = arith.addi %scan3A_92, %scan3A_93 : i32
      %scan3A_95 = arith.constant 1 : i32
      scf.for %scan3A_97 = %scan3A_92 to %scan3A_94 step %scan3A_95  : i32 {
        %mul3A_98 = arith.constant 16 : i32
        %mul3A_99 = arith.muli %scan3A_97, %mul3A_98 : i32
        %add3A_100 = arith.constant 0 : i32
        %add3A_101 = arith.addi %add3A_100, %mul3A_99 : i32
        %broadcast_in_dim3A = arith.constant 0.000000e+00 : f32
        %broadcast_in_dim3A_102 = vector.broadcast %broadcast_in_dim3A : f32 to vector<16xf32>
        %swap3A = arith.index_cast %add3A_91 : i32 to index
        %swap3A_103 = arith.index_cast %add3A_101 : i32 to index
        %swap3A_104 = tpu.vector_load %arg13[%swap3A, %swap3A_103] {strides = array<i32>} : memref<128x64xf32, #tpu.memory_space<vmem>>, vector<1x16xf32>,
        %swap3A_105 = vector.shape_cast %swap3A_104 : vector<1x16xf32> to vector<16xf32>
        %swap3A_106 = vector.shape_cast %broadcast_in_dim3A_102 : vector<16xf32> to vector<1x16xf32>
        tpu.vector_store %arg13[%swap3A, %swap3A_103], %swap3A_106 {strides = array<i32>} : memref<128x64xf32, #tpu.memory_space<vmem>>, vector<1x16xf32>,
      }
      %scan3A_96 = arith.constant 4 : i32
    }
    %scan3A_19 = arith.constant 128 : i32
    %scan3A_20 = arith.constant 0 : i32
    %scan3A_21 = arith.constant 5 : i32
    %scan3A_22 = arith.addi %scan3A_20, %scan3A_21 : i32
    %scan3A_23 = arith.constant 1 : i32
    scf.for %scan3A_87 = %scan3A_20 to %scan3A_22 step %scan3A_23  : i32 {
      %mul3A_88 = arith.constant 128 : i32
      %mul3A_89 = arith.muli %scan3A_87, %mul3A_88 : i32
      %add3A_90 = arith.constant 0 : i32
      %add3A_91 = arith.addi %add3A_90, %mul3A_89 : i32
      %mul3A_92 = arith.constant 640 : i32
      %mul3A_93 = arith.muli %arg1, %mul3A_92 : i32
      %add3A_94 = arith.addi %mul3A_93, %add3A_91 : i32
      "tpu.region"() ({
        %run_scoped3A = tpu.sem_alloc : memref<!tpu.dma_semaphore, #tpu.memory_space<semaphore_mem>>
        %dma_start3A_95 = arith.constant 0 : i32
        %dma_start3A_96 = tpu.memref_slice %arg14[%add3A_94, %dma_start3A_95] : memref<10240x64xf32, #tpu.memory_space<vmem_shared>> -> memref<128x64xf32, #tpu.memory_space<vmem_shared>>
        %dma_start3A_97 = arith.constant 0 : i32
        %dma_start3A_98 = tpu.memref_slice %arg14[%add3A_94, %dma_start3A_97] : memref<10240x64xf32, #tpu.memory_space<vmem_shared>> -> memref<128x64xf32, #tpu.memory_space<vmem_shared>>
        tpu.enqueue_dma source(%arg13 : memref<128x64xf32, #tpu.memory_space<vmem>>) target(%dma_start3A_98 : memref<128x64xf32, #tpu.memory_space<vmem_shared>>) target_semaphore(%run_scoped3A : memref<!tpu.dma_semaphore, #tpu.memory_space<semaphore_mem>>)
        %dma_wait3A_99 = arith.constant 0 : i32
        %dma_wait3A_100 = tpu.memref_slice %arg14[%add3A_94, %dma_wait3A_99] : memref<10240x64xf32, #tpu.memory_space<vmem_shared>> -> memref<128x64xf32, #tpu.memory_space<vmem_shared>>
        %dma_wait3A_101 = arith.constant 0 : i32
        %dma_wait3A_102 = tpu.memref_slice %arg14[%add3A_94, %dma_wait3A_101] : memref<10240x64xf32, #tpu.memory_space<vmem_shared>> -> memref<128x64xf32, #tpu.memory_space<vmem_shared>>
        tpu.wait_dma2 semaphore(%run_scoped3A : memref<!tpu.dma_semaphore, #tpu.memory_space<semaphore_mem>>) src(%arg13 : memref<128x64xf32, #tpu.memory_space<vmem>>) dst(%dma_wait3A_102 : memref<128x64xf32, #tpu.memory_space<vmem_shared>>)
        tpu.yield
      }) : () -> ()
    }
    %scan3A_24 = arith.constant 5 : i32
    %dma_wait3A = arith.constant 0 : i32
    %dma_wait3A_25 = arith.constant 0 : i32
    %dma_wait3A_26 = tpu.memref_slice %arg3[%add3A, %dma_wait3A, %dma_wait3A_25] : memref<32x250x80xi32, #tpu.memory_space<hbm>> -> memref<1x250x80xi32, #tpu.memory_space<hbm>>
    %dma_wait3A_27 = tpu.memref_squeeze %dma_wait3A_26 : memref<1x250x80xi32, #tpu.memory_space<hbm>> -> memref<250x80xi32, #tpu.memory_space<hbm>>
    %dma_wait3A_28 = arith.constant 0 : i32
    %dma_wait3A_29 = arith.constant 0 : i32
    %dma_wait3A_30 = tpu.memref_slice %arg3[%add3A, %dma_wait3A_28, %dma_wait3A_29] : memref<32x250x80xi32, #tpu.memory_space<hbm>> -> memref<1x250x80xi32, #tpu.memory_space<hbm>>
    %dma_wait3A_31 = tpu.memref_squeeze %dma_wait3A_30 : memref<1x250x80xi32, #tpu.memory_space<hbm>> -> memref<250x80xi32, #tpu.memory_space<hbm>>
    tpu.wait_dma2 semaphore(%arg15 : memref<!tpu.dma_semaphore, #tpu.memory_space<semaphore_mem>>) src(%dma_wait3A_31 : memref<250x80xi32, #tpu.memory_space<hbm>>) dst(%arg6 : memref<250x80xi32, #tpu.memory_space<vmem>>)
    %dma_wait3A_32 = arith.constant 0 : i32
    %dma_wait3A_33 = arith.constant 0 : i32
    %dma_wait3A_34 = tpu.memref_slice %arg4[%arg1, %dma_wait3A_32, %dma_wait3A_33] : memref<16x250x80xi32, #tpu.memory_space<hbm>> -> memref<1x250x80xi32, #tpu.memory_space<hbm>>
    %dma_wait3A_35 = tpu.memref_squeeze %dma_wait3A_34 : memref<1x250x80xi32, #tpu.memory_space<hbm>> -> memref<250x80xi32, #tpu.memory_space<hbm>>
    %dma_wait3A_36 = arith.constant 0 : i32
    %dma_wait3A_37 = arith.constant 0 : i32
    %dma_wait3A_38 = tpu.memref_slice %arg4[%arg1, %dma_wait3A_36, %dma_wait3A_37] : memref<16x250x80xi32, #tpu.memory_space<hbm>> -> memref<1x250x80xi32, #tpu.memory_space<hbm>>
    %dma_wait3A_39 = tpu.memref_squeeze %dma_wait3A_38 : memref<1x250x80xi32, #tpu.memory_space<hbm>> -> memref<250x80xi32, #tpu.memory_space<hbm>>
    tpu.wait_dma2 semaphore(%arg16 : memref<!tpu.dma_semaphore, #tpu.memory_space<semaphore_mem>>) src(%dma_wait3A_39 : memref<250x80xi32, #tpu.memory_space<hbm>>) dst(%arg7 : memref<250x80xi32, #tpu.memory_space<vmem>>)
    %barrier3A = arith.constant 0 : index
    tpu.barrier barrier_id(%barrier3A)
    %dma_start3A_40 = arith.constant 0 : i32
    %dma_start3A_41 = arith.constant 0 : i32
    %dma_start3A_42 = tpu.memref_slice %arg6[%dma_start3A_40, %dma_start3A_41] : memref<250x80xi32, #tpu.memory_space<vmem>> -> memref<1x80xi32, #tpu.memory_space<vmem>>
    %dma_start3A_43 = tpu.memref_squeeze %dma_start3A_42 : memref<1x80xi32, #tpu.memory_space<vmem>> -> memref<80xi32, #tpu.memory_space<vmem>>
    %dma_start3A_44 = arith.constant 0 : i32
    %dma_start3A_45 = arith.constant 0 : i32
    %dma_start3A_46 = tpu.memref_slice %arg2[%dma_start3A_44, %dma_start3A_45] : memref<20000x64xf32, #tpu.memory_space<hbm>> -> memref<20000x64xf32, #tpu.memory_space<hbm>>
    tpu.enqueue_indirect_dma source(%dma_start3A_46 : memref<20000x64xf32, #tpu.memory_space<hbm>>) target(%arg8 : memref<80x64xf32, #tpu.memory_space<vmem>>) offsets(%dma_start3A_43 : memref<80xi32, #tpu.memory_space<vmem>>) semaphore(%arg17 : memref<!tpu.dma_semaphore, #tpu.memory_space<semaphore_mem>>)
    %dma_start3A_47 = arith.constant 1 : i32
    %dma_start3A_48 = arith.constant 0 : i32
    %dma_start3A_49 = tpu.memref_slice %arg6[%dma_start3A_47, %dma_start3A_48] : memref<250x80xi32, #tpu.memory_space<vmem>> -> memref<1x80xi32, #tpu.memory_space<vmem>>
    %dma_start3A_50 = tpu.memref_squeeze %dma_start3A_49 : memref<1x80xi32, #tpu.memory_space<vmem>> -> memref<80xi32, #tpu.memory_space<vmem>>
    %dma_start3A_51 = arith.constant 0 : i32
    %dma_start3A_52 = arith.constant 0 : i32
    %dma_start3A_53 = tpu.memref_slice %arg2[%dma_start3A_51, %dma_start3A_52] : memref<20000x64xf32, #tpu.memory_space<hbm>> -> memref<20000x64xf32, #tpu.memory_space<hbm>>
    tpu.enqueue_indirect_dma source(%dma_start3A_53 : memref<20000x64xf32, #tpu.memory_space<hbm>>) target(%arg9 : memref<80x64xf32, #tpu.memory_space<vmem>>) offsets(%dma_start3A_50 : memref<80xi32, #tpu.memory_space<vmem>>) semaphore(%arg18 : memref<!tpu.dma_semaphore, #tpu.memory_space<semaphore_mem>>)
    %dma_start3A_54 = arith.constant 2 : i32
    %dma_start3A_55 = arith.constant 0 : i32
    %dma_start3A_56 = tpu.memref_slice %arg6[%dma_start3A_54, %dma_start3A_55] : memref<250x80xi32, #tpu.memory_space<vmem>> -> memref<1x80xi32, #tpu.memory_space<vmem>>
    %dma_start3A_57 = tpu.memref_squeeze %dma_start3A_56 : memref<1x80xi32, #tpu.memory_space<vmem>> -> memref<80xi32, #tpu.memory_space<vmem>>
    %dma_start3A_58 = arith.constant 0 : i32
    %dma_start3A_59 = arith.constant 0 : i32
    %dma_start3A_60 = tpu.memref_slice %arg2[%dma_start3A_58, %dma_start3A_59] : memref<20000x64xf32, #tpu.memory_space<hbm>> -> memref<20000x64xf32, #tpu.memory_space<hbm>>
    tpu.enqueue_indirect_dma source(%dma_start3A_60 : memref<20000x64xf32, #tpu.memory_space<hbm>>) target(%arg10 : memref<80x64xf32, #tpu.memory_space<vmem>>) offsets(%dma_start3A_57 : memref<80xi32, #tpu.memory_space<vmem>>) semaphore(%arg19 : memref<!tpu.dma_semaphore, #tpu.memory_space<semaphore_mem>>)
    %dma_start3A_61 = arith.constant 3 : i32
    %dma_start3A_62 = arith.constant 0 : i32
    %dma_start3A_63 = tpu.memref_slice %arg6[%dma_start3A_61, %dma_start3A_62] : memref<250x80xi32, #tpu.memory_space<vmem>> -> memref<1x80xi32, #tpu.memory_space<vmem>>
    %dma_start3A_64 = tpu.memref_squeeze %dma_start3A_63 : memref<1x80xi32, #tpu.memory_space<vmem>> -> memref<80xi32, #tpu.memory_space<vmem>>
    %dma_start3A_65 = arith.constant 0 : i32
    %dma_start3A_66 = arith.constant 0 : i32
    %dma_start3A_67 = tpu.memref_slice %arg2[%dma_start3A_65, %dma_start3A_66] : memref<20000x64xf32, #tpu.memory_space<hbm>> -> memref<20000x64xf32, #tpu.memory_space<hbm>>
    tpu.enqueue_indirect_dma source(%dma_start3A_67 : memref<20000x64xf32, #tpu.memory_space<hbm>>) target(%arg11 : memref<80x64xf32, #tpu.memory_space<vmem>>) offsets(%dma_start3A_64 : memref<80xi32, #tpu.memory_space<vmem>>) semaphore(%arg20 : memref<!tpu.dma_semaphore, #tpu.memory_space<semaphore_mem>>)
    %dma_start3A_68 = arith.constant 4 : i32
    %dma_start3A_69 = arith.constant 0 : i32
    %dma_start3A_70 = tpu.memref_slice %arg6[%dma_start3A_68, %dma_start3A_69] : memref<250x80xi32, #tpu.memory_space<vmem>> -> memref<1x80xi32, #tpu.memory_space<vmem>>
    %dma_start3A_71 = tpu.memref_squeeze %dma_start3A_70 : memref<1x80xi32, #tpu.memory_space<vmem>> -> memref<80xi32, #tpu.memory_space<vmem>>
    %dma_start3A_72 = arith.constant 0 : i32
    %dma_start3A_73 = arith.constant 0 : i32
    %dma_start3A_74 = tpu.memref_slice %arg2[%dma_start3A_72, %dma_start3A_73] : memref<20000x64xf32, #tpu.memory_space<hbm>> -> memref<20000x64xf32, #tpu.memory_space<hbm>>
    tpu.enqueue_indirect_dma source(%dma_start3A_74 : memref<20000x64xf32, #tpu.memory_space<hbm>>) target(%arg12 : memref<80x64xf32, #tpu.memory_space<vmem>>) offsets(%dma_start3A_71 : memref<80xi32, #tpu.memory_space<vmem>>) semaphore(%arg21 : memref<!tpu.dma_semaphore, #tpu.memory_space<semaphore_mem>>)
    %scan3A_75 = arith.constant 0 : i32
    %scan3A_76 = arith.constant 50 : i32
    %scan3A_77 = arith.addi %scan3A_75, %scan3A_76 : i32
    %scan3A_78 = arith.constant 1 : i32
    scf.for %scan3A_87 = %scan3A_75 to %scan3A_77 step %scan3A_78  : i32 {
      %mul3A_88 = arith.constant 5 : i32
      %mul3A_89 = arith.muli %scan3A_87, %mul3A_88 : i32
      %add3A_90 = arith.constant 0 : i32
      %add3A_91 = arith.addi %add3A_90, %mul3A_89 : i32
      %add3A_92 = arith.constant 0 : i32
      %add3A_93 = arith.addi %add3A_91, %add3A_92 : i32
      %dma_wait3A_94 = arith.constant 0 : i32
      %dma_wait3A_95 = tpu.memref_slice %arg6[%add3A_93, %dma_wait3A_94] : memref<250x80xi32, #tpu.memory_space<vmem>> -> memref<1x80xi32, #tpu.memory_space<vmem>>
      %dma_wait3A_96 = tpu.memref_squeeze %dma_wait3A_95 : memref<1x80xi32, #tpu.memory_space<vmem>> -> memref<80xi32, #tpu.memory_space<vmem>>
      %dma_wait3A_97 = arith.constant 0 : i32
      %dma_wait3A_98 = arith.constant 0 : i32
      %dma_wait3A_99 = tpu.memref_slice %arg2[%dma_wait3A_97, %dma_wait3A_98] : memref<20000x64xf32, #tpu.memory_space<hbm>> -> memref<20000x64xf32, #tpu.memory_space<hbm>>
      tpu.wait_indirect_dma semaphore(%arg17 : memref<!tpu.dma_semaphore, #tpu.memory_space<semaphore_mem>>) src(%dma_wait3A_99 : memref<20000x64xf32, #tpu.memory_space<hbm>>) dst(%arg8 : memref<80x64xf32, #tpu.memory_space<vmem>>)
      "tpu.region"() ({
        %run_scoped3A = tpu.sem_alloc : memref<!tpu.dma_semaphore, #tpu.memory_space<semaphore_mem>>
        %dma_start3A_164 = arith.constant 0 : i32
        %dma_start3A_165 = tpu.memref_slice %arg7[%add3A_93, %dma_start3A_164] : memref<250x80xi32, #tpu.memory_space<vmem>> -> memref<1x80xi32, #tpu.memory_space<vmem>>
        %dma_start3A_166 = tpu.memref_squeeze %dma_start3A_165 : memref<1x80xi32, #tpu.memory_space<vmem>> -> memref<80xi32, #tpu.memory_space<vmem>>
        %dma_start3A_167 = arith.constant 0 : i32
        %dma_start3A_168 = arith.constant 0 : i32
        %dma_start3A_169 = tpu.memref_slice %arg14[%dma_start3A_167, %dma_start3A_168] : memref<10240x64xf32, #tpu.memory_space<vmem_shared>> -> memref<10240x64xf32, #tpu.memory_space<vmem_shared>>
        tpu.enqueue_indirect_dma source(%arg8 : memref<80x64xf32, #tpu.memory_space<vmem>>) target(%dma_start3A_169 : memref<10240x64xf32, #tpu.memory_space<vmem_shared>>) offsets(%dma_start3A_166 : memref<80xi32, #tpu.memory_space<vmem>>) semaphore(%run_scoped3A : memref<!tpu.dma_semaphore, #tpu.memory_space<semaphore_mem>>) {add = true}
        %dma_wait3A_170 = arith.constant 0 : i32
        %dma_wait3A_171 = tpu.memref_slice %arg7[%add3A_93, %dma_wait3A_170] : memref<250x80xi32, #tpu.memory_space<vmem>> -> memref<1x80xi32, #tpu.memory_space<vmem>>
        %dma_wait3A_172 = tpu.memref_squeeze %dma_wait3A_171 : memref<1x80xi32, #tpu.memory_space<vmem>> -> memref<80xi32, #tpu.memory_space<vmem>>
        %dma_wait3A_173 = arith.constant 0 : i32
        %dma_wait3A_174 = arith.constant 0 : i32
        %dma_wait3A_175 = tpu.memref_slice %arg14[%dma_wait3A_173, %dma_wait3A_174] : memref<10240x64xf32, #tpu.memory_space<vmem_shared>> -> memref<10240x64xf32, #tpu.memory_space<vmem_shared>>
        tpu.wait_indirect_dma semaphore(%run_scoped3A : memref<!tpu.dma_semaphore, #tpu.memory_space<semaphore_mem>>) src(%arg8 : memref<80x64xf32, #tpu.memory_space<vmem>>) dst(%dma_wait3A_175 : memref<10240x64xf32, #tpu.memory_space<vmem_shared>>)
        tpu.yield
      }) : () -> ()
      %add3A_100 = arith.constant 5 : i32
      %add3A_101 = arith.addi %add3A_93, %add3A_100 : i32
      %lt3A = arith.constant 250 : i32
      %lt3A_102 = arith.cmpi slt, %add3A_101, %lt3A : i32
      %convert_element_type3A = arith.extui %lt3A_102 : i1 to i32
      %cond3A = arith.constant 0 : i32
      %cond3A_103 = arith.cmpi ne, %convert_element_type3A, %cond3A : i32
      scf.if %cond3A_103 {
        %add3A_164 = arith.constant 5 : i32
        %add3A_165 = arith.addi %add3A_93, %add3A_164 : i32
        %dma_start3A_166 = arith.constant 0 : i32
        %dma_start3A_167 = tpu.memref_slice %arg6[%add3A_165, %dma_start3A_166] : memref<250x80xi32, #tpu.memory_space<vmem>> -> memref<1x80xi32, #tpu.memory_space<vmem>>
        %dma_start3A_168 = tpu.memref_squeeze %dma_start3A_167 : memref<1x80xi32, #tpu.memory_space<vmem>> -> memref<80xi32, #tpu.memory_space<vmem>>
        %dma_start3A_169 = arith.constant 0 : i32
        %dma_start3A_170 = arith.constant 0 : i32
        %dma_start3A_171 = tpu.memref_slice %arg2[%dma_start3A_169, %dma_start3A_170] : memref<20000x64xf32, #tpu.memory_space<hbm>> -> memref<20000x64xf32, #tpu.memory_space<hbm>>
        tpu.enqueue_indirect_dma source(%dma_start3A_171 : memref<20000x64xf32, #tpu.memory_space<hbm>>) target(%arg8 : memref<80x64xf32, #tpu.memory_space<vmem>>) offsets(%dma_start3A_168 : memref<80xi32, #tpu.memory_space<vmem>>) semaphore(%arg17 : memref<!tpu.dma_semaphore, #tpu.memory_space<semaphore_mem>>)
      } else {
      }
      %add3A_104 = arith.constant 1 : i32
      %add3A_105 = arith.addi %add3A_91, %add3A_104 : i32
      %dma_wait3A_106 = arith.constant 0 : i32
      %dma_wait3A_107 = tpu.memref_slice %arg6[%add3A_105, %dma_wait3A_106] : memref<250x80xi32, #tpu.memory_space<vmem>> -> memref<1x80xi32, #tpu.memory_space<vmem>>
      %dma_wait3A_108 = tpu.memref_squeeze %dma_wait3A_107 : memref<1x80xi32, #tpu.memory_space<vmem>> -> memref<80xi32, #tpu.memory_space<vmem>>
      %dma_wait3A_109 = arith.constant 0 : i32
      %dma_wait3A_110 = arith.constant 0 : i32
      %dma_wait3A_111 = tpu.memref_slice %arg2[%dma_wait3A_109, %dma_wait3A_110] : memref<20000x64xf32, #tpu.memory_space<hbm>> -> memref<20000x64xf32, #tpu.memory_space<hbm>>
      tpu.wait_indirect_dma semaphore(%arg18 : memref<!tpu.dma_semaphore, #tpu.memory_space<semaphore_mem>>) src(%dma_wait3A_111 : memref<20000x64xf32, #tpu.memory_space<hbm>>) dst(%arg9 : memref<80x64xf32, #tpu.memory_space<vmem>>)
      "tpu.region"() ({
        %run_scoped3A = tpu.sem_alloc : memref<!tpu.dma_semaphore, #tpu.memory_space<semaphore_mem>>
        %dma_start3A_164 = arith.constant 0 : i32
        %dma_start3A_165 = tpu.memref_slice %arg7[%add3A_105, %dma_start3A_164] : memref<250x80xi32, #tpu.memory_space<vmem>> -> memref<1x80xi32, #tpu.memory_space<vmem>>
        %dma_start3A_166 = tpu.memref_squeeze %dma_start3A_165 : memref<1x80xi32, #tpu.memory_space<vmem>> -> memref<80xi32, #tpu.memory_space<vmem>>
        %dma_start3A_167 = arith.constant 0 : i32
        %dma_start3A_168 = arith.constant 0 : i32
        %dma_start3A_169 = tpu.memref_slice %arg14[%dma_start3A_167, %dma_start3A_168] : memref<10240x64xf32, #tpu.memory_space<vmem_shared>> -> memref<10240x64xf32, #tpu.memory_space<vmem_shared>>
        tpu.enqueue_indirect_dma source(%arg9 : memref<80x64xf32, #tpu.memory_space<vmem>>) target(%dma_start3A_169 : memref<10240x64xf32, #tpu.memory_space<vmem_shared>>) offsets(%dma_start3A_166 : memref<80xi32, #tpu.memory_space<vmem>>) semaphore(%run_scoped3A : memref<!tpu.dma_semaphore, #tpu.memory_space<semaphore_mem>>) {add = true}
        %dma_wait3A_170 = arith.constant 0 : i32
        %dma_wait3A_171 = tpu.memref_slice %arg7[%add3A_105, %dma_wait3A_170] : memref<250x80xi32, #tpu.memory_space<vmem>> -> memref<1x80xi32, #tpu.memory_space<vmem>>
        %dma_wait3A_172 = tpu.memref_squeeze %dma_wait3A_171 : memref<1x80xi32, #tpu.memory_space<vmem>> -> memref<80xi32, #tpu.memory_space<vmem>>
        %dma_wait3A_173 = arith.constant 0 : i32
        %dma_wait3A_174 = arith.constant 0 : i32
        %dma_wait3A_175 = tpu.memref_slice %arg14[%dma_wait3A_173, %dma_wait3A_174] : memref<10240x64xf32, #tpu.memory_space<vmem_shared>> -> memref<10240x64xf32, #tpu.memory_space<vmem_shared>>
        tpu.wait_indirect_dma semaphore(%run_scoped3A : memref<!tpu.dma_semaphore, #tpu.memory_space<semaphore_mem>>) src(%arg9 : memref<80x64xf32, #tpu.memory_space<vmem>>) dst(%dma_wait3A_175 : memref<10240x64xf32, #tpu.memory_space<vmem_shared>>)
        tpu.yield
      }) : () -> ()
      %add3A_112 = arith.constant 5 : i32
      %add3A_113 = arith.addi %add3A_105, %add3A_112 : i32
      %lt3A_114 = arith.constant 250 : i32
      %lt3A_115 = arith.cmpi slt, %add3A_113, %lt3A_114 : i32
      %convert_element_type3A_116 = arith.extui %lt3A_115 : i1 to i32
      %cond3A_117 = arith.constant 0 : i32
      %cond3A_118 = arith.cmpi ne, %convert_element_type3A_116, %cond3A_117 : i32
      scf.if %cond3A_118 {
        %add3A_164 = arith.constant 5 : i32
        %add3A_165 = arith.addi %add3A_105, %add3A_164 : i32
        %dma_start3A_166 = arith.constant 0 : i32
        %dma_start3A_167 = tpu.memref_slice %arg6[%add3A_165, %dma_start3A_166] : memref<250x80xi32, #tpu.memory_space<vmem>> -> memref<1x80xi32, #tpu.memory_space<vmem>>
        %dma_start3A_168 = tpu.memref_squeeze %dma_start3A_167 : memref<1x80xi32, #tpu.memory_space<vmem>> -> memref<80xi32, #tpu.memory_space<vmem>>
        %dma_start3A_169 = arith.constant 0 : i32
        %dma_start3A_170 = arith.constant 0 : i32
        %dma_start3A_171 = tpu.memref_slice %arg2[%dma_start3A_169, %dma_start3A_170] : memref<20000x64xf32, #tpu.memory_space<hbm>> -> memref<20000x64xf32, #tpu.memory_space<hbm>>
        tpu.enqueue_indirect_dma source(%dma_start3A_171 : memref<20000x64xf32, #tpu.memory_space<hbm>>) target(%arg9 : memref<80x64xf32, #tpu.memory_space<vmem>>) offsets(%dma_start3A_168 : memref<80xi32, #tpu.memory_space<vmem>>) semaphore(%arg18 : memref<!tpu.dma_semaphore, #tpu.memory_space<semaphore_mem>>)
      } else {
      }
      %add3A_119 = arith.constant 2 : i32
      %add3A_120 = arith.addi %add3A_91, %add3A_119 : i32
      %dma_wait3A_121 = arith.constant 0 : i32
      %dma_wait3A_122 = tpu.memref_slice %arg6[%add3A_120, %dma_wait3A_121] : memref<250x80xi32, #tpu.memory_space<vmem>> -> memref<1x80xi32, #tpu.memory_space<vmem>>
      %dma_wait3A_123 = tpu.memref_squeeze %dma_wait3A_122 : memref<1x80xi32, #tpu.memory_space<vmem>> -> memref<80xi32, #tpu.memory_space<vmem>>
      %dma_wait3A_124 = arith.constant 0 : i32
      %dma_wait3A_125 = arith.constant 0 : i32
      %dma_wait3A_126 = tpu.memref_slice %arg2[%dma_wait3A_124, %dma_wait3A_125] : memref<20000x64xf32, #tpu.memory_space<hbm>> -> memref<20000x64xf32, #tpu.memory_space<hbm>>
      tpu.wait_indirect_dma semaphore(%arg19 : memref<!tpu.dma_semaphore, #tpu.memory_space<semaphore_mem>>) src(%dma_wait3A_126 : memref<20000x64xf32, #tpu.memory_space<hbm>>) dst(%arg10 : memref<80x64xf32, #tpu.memory_space<vmem>>)
      "tpu.region"() ({
        %run_scoped3A = tpu.sem_alloc : memref<!tpu.dma_semaphore, #tpu.memory_space<semaphore_mem>>
        %dma_start3A_164 = arith.constant 0 : i32
        %dma_start3A_165 = tpu.memref_slice %arg7[%add3A_120, %dma_start3A_164] : memref<250x80xi32, #tpu.memory_space<vmem>> -> memref<1x80xi32, #tpu.memory_space<vmem>>
        %dma_start3A_166 = tpu.memref_squeeze %dma_start3A_165 : memref<1x80xi32, #tpu.memory_space<vmem>> -> memref<80xi32, #tpu.memory_space<vmem>>
        %dma_start3A_167 = arith.constant 0 : i32
        %dma_start3A_168 = arith.constant 0 : i32
        %dma_start3A_169 = tpu.memref_slice %arg14[%dma_start3A_167, %dma_start3A_168] : memref<10240x64xf32, #tpu.memory_space<vmem_shared>> -> memref<10240x64xf32, #tpu.memory_space<vmem_shared>>
        tpu.enqueue_indirect_dma source(%arg10 : memref<80x64xf32, #tpu.memory_space<vmem>>) target(%dma_start3A_169 : memref<10240x64xf32, #tpu.memory_space<vmem_shared>>) offsets(%dma_start3A_166 : memref<80xi32, #tpu.memory_space<vmem>>) semaphore(%run_scoped3A : memref<!tpu.dma_semaphore, #tpu.memory_space<semaphore_mem>>) {add = true}
        %dma_wait3A_170 = arith.constant 0 : i32
        %dma_wait3A_171 = tpu.memref_slice %arg7[%add3A_120, %dma_wait3A_170] : memref<250x80xi32, #tpu.memory_space<vmem>> -> memref<1x80xi32, #tpu.memory_space<vmem>>
        %dma_wait3A_172 = tpu.memref_squeeze %dma_wait3A_171 : memref<1x80xi32, #tpu.memory_space<vmem>> -> memref<80xi32, #tpu.memory_space<vmem>>
        %dma_wait3A_173 = arith.constant 0 : i32
        %dma_wait3A_174 = arith.constant 0 : i32
        %dma_wait3A_175 = tpu.memref_slice %arg14[%dma_wait3A_173, %dma_wait3A_174] : memref<10240x64xf32, #tpu.memory_space<vmem_shared>> -> memref<10240x64xf32, #tpu.memory_space<vmem_shared>>
        tpu.wait_indirect_dma semaphore(%run_scoped3A : memref<!tpu.dma_semaphore, #tpu.memory_space<semaphore_mem>>) src(%arg10 : memref<80x64xf32, #tpu.memory_space<vmem>>) dst(%dma_wait3A_175 : memref<10240x64xf32, #tpu.memory_space<vmem_shared>>)
        tpu.yield
      }) : () -> ()
      %add3A_127 = arith.constant 5 : i32
      %add3A_128 = arith.addi %add3A_120, %add3A_127 : i32
      %lt3A_129 = arith.constant 250 : i32
      %lt3A_130 = arith.cmpi slt, %add3A_128, %lt3A_129 : i32
      %convert_element_type3A_131 = arith.extui %lt3A_130 : i1 to i32
      %cond3A_132 = arith.constant 0 : i32
      %cond3A_133 = arith.cmpi ne, %convert_element_type3A_131, %cond3A_132 : i32
      scf.if %cond3A_133 {
        %add3A_164 = arith.constant 5 : i32
        %add3A_165 = arith.addi %add3A_120, %add3A_164 : i32
        %dma_start3A_166 = arith.constant 0 : i32
        %dma_start3A_167 = tpu.memref_slice %arg6[%add3A_165, %dma_start3A_166] : memref<250x80xi32, #tpu.memory_space<vmem>> -> memref<1x80xi32, #tpu.memory_space<vmem>>
        %dma_start3A_168 = tpu.memref_squeeze %dma_start3A_167 : memref<1x80xi32, #tpu.memory_space<vmem>> -> memref<80xi32, #tpu.memory_space<vmem>>
        %dma_start3A_169 = arith.constant 0 : i32
        %dma_start3A_170 = arith.constant 0 : i32
        %dma_start3A_171 = tpu.memref_slice %arg2[%dma_start3A_169, %dma_start3A_170] : memref<20000x64xf32, #tpu.memory_space<hbm>> -> memref<20000x64xf32, #tpu.memory_space<hbm>>
        tpu.enqueue_indirect_dma source(%dma_start3A_171 : memref<20000x64xf32, #tpu.memory_space<hbm>>) target(%arg10 : memref<80x64xf32, #tpu.memory_space<vmem>>) offsets(%dma_start3A_168 : memref<80xi32, #tpu.memory_space<vmem>>) semaphore(%arg19 : memref<!tpu.dma_semaphore, #tpu.memory_space<semaphore_mem>>)
      } else {
      }
      %add3A_134 = arith.constant 3 : i32
      %add3A_135 = arith.addi %add3A_91, %add3A_134 : i32
      %dma_wait3A_136 = arith.constant 0 : i32
      %dma_wait3A_137 = tpu.memref_slice %arg6[%add3A_135, %dma_wait3A_136] : memref<250x80xi32, #tpu.memory_space<vmem>> -> memref<1x80xi32, #tpu.memory_space<vmem>>
      %dma_wait3A_138 = tpu.memref_squeeze %dma_wait3A_137 : memref<1x80xi32, #tpu.memory_space<vmem>> -> memref<80xi32, #tpu.memory_space<vmem>>
      %dma_wait3A_139 = arith.constant 0 : i32
      %dma_wait3A_140 = arith.constant 0 : i32
      %dma_wait3A_141 = tpu.memref_slice %arg2[%dma_wait3A_139, %dma_wait3A_140] : memref<20000x64xf32, #tpu.memory_space<hbm>> -> memref<20000x64xf32, #tpu.memory_space<hbm>>
      tpu.wait_indirect_dma semaphore(%arg20 : memref<!tpu.dma_semaphore, #tpu.memory_space<semaphore_mem>>) src(%dma_wait3A_141 : memref<20000x64xf32, #tpu.memory_space<hbm>>) dst(%arg11 : memref<80x64xf32, #tpu.memory_space<vmem>>)
      "tpu.region"() ({
        %run_scoped3A = tpu.sem_alloc : memref<!tpu.dma_semaphore, #tpu.memory_space<semaphore_mem>>
        %dma_start3A_164 = arith.constant 0 : i32
        %dma_start3A_165 = tpu.memref_slice %arg7[%add3A_135, %dma_start3A_164] : memref<250x80xi32, #tpu.memory_space<vmem>> -> memref<1x80xi32, #tpu.memory_space<vmem>>
        %dma_start3A_166 = tpu.memref_squeeze %dma_start3A_165 : memref<1x80xi32, #tpu.memory_space<vmem>> -> memref<80xi32, #tpu.memory_space<vmem>>
        %dma_start3A_167 = arith.constant 0 : i32
        %dma_start3A_168 = arith.constant 0 : i32
        %dma_start3A_169 = tpu.memref_slice %arg14[%dma_start3A_167, %dma_start3A_168] : memref<10240x64xf32, #tpu.memory_space<vmem_shared>> -> memref<10240x64xf32, #tpu.memory_space<vmem_shared>>
        tpu.enqueue_indirect_dma source(%arg11 : memref<80x64xf32, #tpu.memory_space<vmem>>) target(%dma_start3A_169 : memref<10240x64xf32, #tpu.memory_space<vmem_shared>>) offsets(%dma_start3A_166 : memref<80xi32, #tpu.memory_space<vmem>>) semaphore(%run_scoped3A : memref<!tpu.dma_semaphore, #tpu.memory_space<semaphore_mem>>) {add = true}
        %dma_wait3A_170 = arith.constant 0 : i32
        %dma_wait3A_171 = tpu.memref_slice %arg7[%add3A_135, %dma_wait3A_170] : memref<250x80xi32, #tpu.memory_space<vmem>> -> memref<1x80xi32, #tpu.memory_space<vmem>>
        %dma_wait3A_172 = tpu.memref_squeeze %dma_wait3A_171 : memref<1x80xi32, #tpu.memory_space<vmem>> -> memref<80xi32, #tpu.memory_space<vmem>>
        %dma_wait3A_173 = arith.constant 0 : i32
        %dma_wait3A_174 = arith.constant 0 : i32
        %dma_wait3A_175 = tpu.memref_slice %arg14[%dma_wait3A_173, %dma_wait3A_174] : memref<10240x64xf32, #tpu.memory_space<vmem_shared>> -> memref<10240x64xf32, #tpu.memory_space<vmem_shared>>
        tpu.wait_indirect_dma semaphore(%run_scoped3A : memref<!tpu.dma_semaphore, #tpu.memory_space<semaphore_mem>>) src(%arg11 : memref<80x64xf32, #tpu.memory_space<vmem>>) dst(%dma_wait3A_175 : memref<10240x64xf32, #tpu.memory_space<vmem_shared>>)
        tpu.yield
      }) : () -> ()
      %add3A_142 = arith.constant 5 : i32
      %add3A_143 = arith.addi %add3A_135, %add3A_142 : i32
      %lt3A_144 = arith.constant 250 : i32
      %lt3A_145 = arith.cmpi slt, %add3A_143, %lt3A_144 : i32
      %convert_element_type3A_146 = arith.extui %lt3A_145 : i1 to i32
      %cond3A_147 = arith.constant 0 : i32
      %cond3A_148 = arith.cmpi ne, %convert_element_type3A_146, %cond3A_147 : i32
      scf.if %cond3A_148 {
        %add3A_164 = arith.constant 5 : i32
        %add3A_165 = arith.addi %add3A_135, %add3A_164 : i32
        %dma_start3A_166 = arith.constant 0 : i32
        %dma_start3A_167 = tpu.memref_slice %arg6[%add3A_165, %dma_start3A_166] : memref<250x80xi32, #tpu.memory_space<vmem>> -> memref<1x80xi32, #tpu.memory_space<vmem>>
        %dma_start3A_168 = tpu.memref_squeeze %dma_start3A_167 : memref<1x80xi32, #tpu.memory_space<vmem>> -> memref<80xi32, #tpu.memory_space<vmem>>
        %dma_start3A_169 = arith.constant 0 : i32
        %dma_start3A_170 = arith.constant 0 : i32
        %dma_start3A_171 = tpu.memref_slice %arg2[%dma_start3A_169, %dma_start3A_170] : memref<20000x64xf32, #tpu.memory_space<hbm>> -> memref<20000x64xf32, #tpu.memory_space<hbm>>
        tpu.enqueue_indirect_dma source(%dma_start3A_171 : memref<20000x64xf32, #tpu.memory_space<hbm>>) target(%arg11 : memref<80x64xf32, #tpu.memory_space<vmem>>) offsets(%dma_start3A_168 : memref<80xi32, #tpu.memory_space<vmem>>) semaphore(%arg20 : memref<!tpu.dma_semaphore, #tpu.memory_space<semaphore_mem>>)
      } else {
      }
      %add3A_149 = arith.constant 4 : i32
      %add3A_150 = arith.addi %add3A_91, %add3A_149 : i32
      %dma_wait3A_151 = arith.constant 0 : i32
      %dma_wait3A_152 = tpu.memref_slice %arg6[%add3A_150, %dma_wait3A_151] : memref<250x80xi32, #tpu.memory_space<vmem>> -> memref<1x80xi32, #tpu.memory_space<vmem>>
      %dma_wait3A_153 = tpu.memref_squeeze %dma_wait3A_152 : memref<1x80xi32, #tpu.memory_space<vmem>> -> memref<80xi32, #tpu.memory_space<vmem>>
      %dma_wait3A_154 = arith.constant 0 : i32
      %dma_wait3A_155 = arith.constant 0 : i32
      %dma_wait3A_156 = tpu.memref_slice %arg2[%dma_wait3A_154, %dma_wait3A_155] : memref<20000x64xf32, #tpu.memory_space<hbm>> -> memref<20000x64xf32, #tpu.memory_space<hbm>>
      tpu.wait_indirect_dma semaphore(%arg21 : memref<!tpu.dma_semaphore, #tpu.memory_space<semaphore_mem>>) src(%dma_wait3A_156 : memref<20000x64xf32, #tpu.memory_space<hbm>>) dst(%arg12 : memref<80x64xf32, #tpu.memory_space<vmem>>)
      "tpu.region"() ({
        %run_scoped3A = tpu.sem_alloc : memref<!tpu.dma_semaphore, #tpu.memory_space<semaphore_mem>>
        %dma_start3A_164 = arith.constant 0 : i32
        %dma_start3A_165 = tpu.memref_slice %arg7[%add3A_150, %dma_start3A_164] : memref<250x80xi32, #tpu.memory_space<vmem>> -> memref<1x80xi32, #tpu.memory_space<vmem>>
        %dma_start3A_166 = tpu.memref_squeeze %dma_start3A_165 : memref<1x80xi32, #tpu.memory_space<vmem>> -> memref<80xi32, #tpu.memory_space<vmem>>
        %dma_start3A_167 = arith.constant 0 : i32
        %dma_start3A_168 = arith.constant 0 : i32
        %dma_start3A_169 = tpu.memref_slice %arg14[%dma_start3A_167, %dma_start3A_168] : memref<10240x64xf32, #tpu.memory_space<vmem_shared>> -> memref<10240x64xf32, #tpu.memory_space<vmem_shared>>
        tpu.enqueue_indirect_dma source(%arg12 : memref<80x64xf32, #tpu.memory_space<vmem>>) target(%dma_start3A_169 : memref<10240x64xf32, #tpu.memory_space<vmem_shared>>) offsets(%dma_start3A_166 : memref<80xi32, #tpu.memory_space<vmem>>) semaphore(%run_scoped3A : memref<!tpu.dma_semaphore, #tpu.memory_space<semaphore_mem>>) {add = true}
        %dma_wait3A_170 = arith.constant 0 : i32
        %dma_wait3A_171 = tpu.memref_slice %arg7[%add3A_150, %dma_wait3A_170] : memref<250x80xi32, #tpu.memory_space<vmem>> -> memref<1x80xi32, #tpu.memory_space<vmem>>
        %dma_wait3A_172 = tpu.memref_squeeze %dma_wait3A_171 : memref<1x80xi32, #tpu.memory_space<vmem>> -> memref<80xi32, #tpu.memory_space<vmem>>
        %dma_wait3A_173 = arith.constant 0 : i32
        %dma_wait3A_174 = arith.constant 0 : i32
        %dma_wait3A_175 = tpu.memref_slice %arg14[%dma_wait3A_173, %dma_wait3A_174] : memref<10240x64xf32, #tpu.memory_space<vmem_shared>> -> memref<10240x64xf32, #tpu.memory_space<vmem_shared>>
        tpu.wait_indirect_dma semaphore(%run_scoped3A : memref<!tpu.dma_semaphore, #tpu.memory_space<semaphore_mem>>) src(%arg12 : memref<80x64xf32, #tpu.memory_space<vmem>>) dst(%dma_wait3A_175 : memref<10240x64xf32, #tpu.memory_space<vmem_shared>>)
        tpu.yield
      }) : () -> ()
      %add3A_157 = arith.constant 5 : i32
      %add3A_158 = arith.addi %add3A_150, %add3A_157 : i32
      %lt3A_159 = arith.constant 250 : i32
      %lt3A_160 = arith.cmpi slt, %add3A_158, %lt3A_159 : i32
      %convert_element_type3A_161 = arith.extui %lt3A_160 : i1 to i32
      %cond3A_162 = arith.constant 0 : i32
      %cond3A_163 = arith.cmpi ne, %convert_element_type3A_161, %cond3A_162 : i32
      scf.if %cond3A_163 {
        %add3A_164 = arith.constant 5 : i32
        %add3A_165 = arith.addi %add3A_150, %add3A_164 : i32
        %dma_start3A_166 = arith.constant 0 : i32
        %dma_start3A_167 = tpu.memref_slice %arg6[%add3A_165, %dma_start3A_166] : memref<250x80xi32, #tpu.memory_space<vmem>> -> memref<1x80xi32, #tpu.memory_space<vmem>>
        %dma_start3A_168 = tpu.memref_squeeze %dma_start3A_167 : memref<1x80xi32, #tpu.memory_space<vmem>> -> memref<80xi32, #tpu.memory_space<vmem>>
        %dma_start3A_169 = arith.constant 0 : i32
        %dma_start3A_170 = arith.constant 0 : i32
        %dma_start3A_171 = tpu.memref_slice %arg2[%dma_start3A_169, %dma_start3A_170] : memref<20000x64xf32, #tpu.memory_space<hbm>> -> memref<20000x64xf32, #tpu.memory_space<hbm>>
        tpu.enqueue_indirect_dma source(%dma_start3A_171 : memref<20000x64xf32, #tpu.memory_space<hbm>>) target(%arg12 : memref<80x64xf32, #tpu.memory_space<vmem>>) offsets(%dma_start3A_168 : memref<80xi32, #tpu.memory_space<vmem>>) semaphore(%arg21 : memref<!tpu.dma_semaphore, #tpu.memory_space<semaphore_mem>>)
      } else {
      }
    }
    %scan3A_79 = arith.constant 50 : i32
    %barrier3A_80 = arith.constant 0 : index
    tpu.barrier barrier_id(%barrier3A_80)
    %mul3A_81 = arith.constant 640 : i32
    %mul3A_82 = arith.muli %arg1, %mul3A_81 : i32
    %mul3A_83 = arith.constant 640 : i32
    %mul3A_84 = arith.muli %arg1, %mul3A_83 : i32
    %mul3A_85 = arith.constant 64 : i32
    %mul3A_86 = arith.muli %arg0, %mul3A_85 : i32
    "tpu.region"() ({
      %run_scoped3A = tpu.sem_alloc : memref<!tpu.dma_semaphore, #tpu.memory_space<semaphore_mem>>
      %dma_start3A_87 = tpu.memref_slice %arg5[%mul3A_84, %mul3A_86] : memref<10240x128xf32, #tpu.memory_space<hbm>> -> memref<640x64xf32, #tpu.memory_space<hbm>>
      %dma_start3A_88 = arith.constant 0 : i32
      %dma_start3A_89 = tpu.memref_slice %arg14[%mul3A_82, %dma_start3A_88] : memref<10240x64xf32, #tpu.memory_space<vmem_shared>> -> memref<640x64xf32, #tpu.memory_space<vmem_shared>>
      tpu.enqueue_dma source(%dma_start3A_89 : memref<640x64xf32, #tpu.memory_space<vmem_shared>>) target(%dma_start3A_87 : memref<640x64xf32, #tpu.memory_space<hbm>>) target_semaphore(%run_scoped3A : memref<!tpu.dma_semaphore, #tpu.memory_space<semaphore_mem>>)
      %dma_wait3A_90 = tpu.memref_slice %arg5[%mul3A_84, %mul3A_86] : memref<10240x128xf32, #tpu.memory_space<hbm>> -> memref<640x64xf32, #tpu.memory_space<hbm>>
      %dma_wait3A_91 = arith.constant 0 : i32
      %dma_wait3A_92 = tpu.memref_slice %arg14[%mul3A_82, %dma_wait3A_91] : memref<10240x64xf32, #tpu.memory_space<vmem_shared>> -> memref<640x64xf32, #tpu.memory_space<vmem_shared>>
      tpu.wait_dma2 semaphore(%run_scoped3A : memref<!tpu.dma_semaphore, #tpu.memory_space<semaphore_mem>>) src(%dma_wait3A_92 : memref<640x64xf32, #tpu.memory_space<vmem_shared>>) dst(%dma_wait3A_90 : memref<640x64xf32, #tpu.memory_space<hbm>>)
      tpu.yield
    }) : () -> ()
    return
  }
}

#map = affine_map<(d0, d1) -> (0, 0)>
#map1 = affine_map<(d0, d1) -> (0, 0, 0)>
module attributes {stable_mosaic.version = 14 : i64} {
  func.func @sc_segment_sum(%arg0: i32, %arg1: i32, %arg2: memref<20000x64xf32, #tpu.memory_space<hbm>>, %arg3: memref<32x250x80xi32, #tpu.memory_space<hbm>>, %arg4: memref<16x250x80xi32, #tpu.memory_space<hbm>>, %arg5: memref<10240x128xf32, #tpu.memory_space<hbm>>, %arg6: memref<250x80xi32, #tpu.memory_space<vmem>>, %arg7: memref<250x80xi32, #tpu.memory_space<vmem>>, %arg8: memref<80x64xf32, #tpu.memory_space<vmem>>, %arg9: memref<80x64xf32, #tpu.memory_space<vmem>>, %arg10: memref<80x64xf32, #tpu.memory_space<vmem>>, %arg11: memref<80x64xf32, #tpu.memory_space<vmem>>, %arg12: memref<80x64xf32, #tpu.memory_space<vmem>>, %arg13: memref<128x64xf32, #tpu.memory_space<vmem>>, %arg14: memref<10240x64xf32, #tpu.memory_space<vmem_shared>>, %arg15: memref<!tpu.dma_semaphore, #tpu.memory_space<semaphore_mem>>, %arg16: memref<!tpu.dma_semaphore, #tpu.memory_space<semaphore_mem>>, %arg17: memref<!tpu.dma_semaphore, #tpu.memory_space<semaphore_mem>>, %arg18: memref<!tpu.dma_semaphore, #tpu.memory_space<semaphore_mem>>, %arg19: memref<!tpu.dma_semaphore, #tpu.memory_space<semaphore_mem>>, %arg20: memref<!tpu.dma_semaphore, #tpu.memory_space<semaphore_mem>>, %arg21: memref<!tpu.dma_semaphore, #tpu.memory_space<semaphore_mem>>) attributes {dimension_semantics = [#tpu.dimension_semantics<core_parallel>, #tpu.dimension_semantics<subcore_parallel>], iteration_bounds = array<i64: 2, 16>, scalar_prefetch = 0 : i64, scratch_operands = 16 : i64, tpu.core_type = #tpu.core_type<sc_vector_subcore>, window_params = [{transform_indices = #map}, {transform_indices = #map1}, {transform_indices = #map1}, {transform_indices = #map}]} {
    %mul3A = arith.constant 16 : i32
    %mul3A_0 = arith.muli %arg0, %mul3A : i32
    %add3A = arith.addi %mul3A_0, %arg1 : i32
    %dma_start3A = arith.constant 0 : i32
    %dma_start3A_1 = arith.constant 0 : i32
    %dma_start3A_2 = tpu.memref_slice %arg3[%add3A, %dma_start3A, %dma_start3A_1] : memref<32x250x80xi32, #tpu.memory_space<hbm>> -> memref<1x250x80xi32, #tpu.memory_space<hbm>>
    %dma_start3A_3 = tpu.memref_squeeze %dma_start3A_2 : memref<1x250x80xi32, #tpu.memory_space<hbm>> -> memref<250x80xi32, #tpu.memory_space<hbm>>
    %dma_start3A_4 = arith.constant 0 : i32
    %dma_start3A_5 = arith.constant 0 : i32
    %dma_start3A_6 = tpu.memref_slice %arg3[%add3A, %dma_start3A_4, %dma_start3A_5] : memref<32x250x80xi32, #tpu.memory_space<hbm>> -> memref<1x250x80xi32, #tpu.memory_space<hbm>>
    %dma_start3A_7 = tpu.memref_squeeze %dma_start3A_6 : memref<1x250x80xi32, #tpu.memory_space<hbm>> -> memref<250x80xi32, #tpu.memory_space<hbm>>
    tpu.enqueue_dma source(%dma_start3A_7 : memref<250x80xi32, #tpu.memory_space<hbm>>) target(%arg6 : memref<250x80xi32, #tpu.memory_space<vmem>>) target_semaphore(%arg15 : memref<!tpu.dma_semaphore, #tpu.memory_space<semaphore_mem>>)
    %dma_start3A_8 = arith.constant 0 : i32
    %dma_start3A_9 = arith.constant 0 : i32
    %dma_start3A_10 = tpu.memref_slice %arg4[%arg1, %dma_start3A_8, %dma_start3A_9] : memref<16x250x80xi32, #tpu.memory_space<hbm>> -> memref<1x250x80xi32, #tpu.memory_space<hbm>>
    %dma_start3A_11 = tpu.memref_squeeze %dma_start3A_10 : memref<1x250x80xi32, #tpu.memory_space<hbm>> -> memref<250x80xi32, #tpu.memory_space<hbm>>
    %dma_start3A_12 = arith.constant 0 : i32
    %dma_start3A_13 = arith.constant 0 : i32
    %dma_start3A_14 = tpu.memref_slice %arg4[%arg1, %dma_start3A_12, %dma_start3A_13] : memref<16x250x80xi32, #tpu.memory_space<hbm>> -> memref<1x250x80xi32, #tpu.memory_space<hbm>>
    %dma_start3A_15 = tpu.memref_squeeze %dma_start3A_14 : memref<1x250x80xi32, #tpu.memory_space<hbm>> -> memref<250x80xi32, #tpu.memory_space<hbm>>
    tpu.enqueue_dma source(%dma_start3A_15 : memref<250x80xi32, #tpu.memory_space<hbm>>) target(%arg7 : memref<250x80xi32, #tpu.memory_space<vmem>>) target_semaphore(%arg16 : memref<!tpu.dma_semaphore, #tpu.memory_space<semaphore_mem>>)
    %scan3A = arith.constant 0 : i32
    %scan3A_16 = arith.constant 128 : i32
    %scan3A_17 = arith.addi %scan3A, %scan3A_16 : i32
    %scan3A_18 = arith.constant 1 : i32
    scf.for %scan3A_87 = %scan3A to %scan3A_17 step %scan3A_18  : i32 {
      %mul3A_88 = arith.constant 1 : i32
      %mul3A_89 = arith.muli %scan3A_87, %mul3A_88 : i32
      %add3A_90 = arith.constant 0 : i32
      %add3A_91 = arith.addi %add3A_90, %mul3A_89 : i32
      %scan3A_92 = arith.constant 0 : i32
      %scan3A_93 = arith.constant 4 : i32
      %scan3A_94 = arith.addi %scan3A_92, %scan3A_93 : i32
      %scan3A_95 = arith.constant 1 : i32
      scf.for %scan3A_97 = %scan3A_92 to %scan3A_94 step %scan3A_95  : i32 {
        %mul3A_98 = arith.constant 16 : i32
        %mul3A_99 = arith.muli %scan3A_97, %mul3A_98 : i32
        %add3A_100 = arith.constant 0 : i32
        %add3A_101 = arith.addi %add3A_100, %mul3A_99 : i32
        %broadcast_in_dim3A = arith.constant 0.000000e+00 : f32
        %broadcast_in_dim3A_102 = vector.broadcast %broadcast_in_dim3A : f32 to vector<16xf32>
        %swap3A = arith.index_cast %add3A_91 : i32 to index
        %swap3A_103 = arith.index_cast %add3A_101 : i32 to index
        %swap3A_104 = tpu.vector_load %arg13[%swap3A, %swap3A_103] {strides = array<i32>} : memref<128x64xf32, #tpu.memory_space<vmem>>, vector<1x16xf32>,
        %swap3A_105 = vector.shape_cast %swap3A_104 : vector<1x16xf32> to vector<16xf32>
        %swap3A_106 = vector.shape_cast %broadcast_in_dim3A_102 : vector<16xf32> to vector<1x16xf32>
        tpu.vector_store %arg13[%swap3A, %swap3A_103], %swap3A_106 {strides = array<i32>} : memref<128x64xf32, #tpu.memory_space<vmem>>, vector<1x16xf32>,
      }
      %scan3A_96 = arith.constant 4 : i32
    }
    %scan3A_19 = arith.constant 128 : i32
    %scan3A_20 = arith.constant 0 : i32
    %scan3A_21 = arith.constant 5 : i32
    %scan3A_22 = arith.addi %scan3A_20, %scan3A_21 : i32
    %scan3A_23 = arith.constant 1 : i32
    scf.for %scan3A_87 = %scan3A_20 to %scan3A_22 step %scan3A_23  : i32 {
      %mul3A_88 = arith.constant 128 : i32
      %mul3A_89 = arith.muli %scan3A_87, %mul3A_88 : i32
      %add3A_90 = arith.constant 0 : i32
      %add3A_91 = arith.addi %add3A_90, %mul3A_89 : i32
      %mul3A_92 = arith.constant 640 : i32
      %mul3A_93 = arith.muli %arg1, %mul3A_92 : i32
      %add3A_94 = arith.addi %mul3A_93, %add3A_91 : i32
      "tpu.region"() ({
        %run_scoped3A = tpu.sem_alloc : memref<!tpu.dma_semaphore, #tpu.memory_space<semaphore_mem>>
        %dma_start3A_95 = arith.constant 0 : i32
        %dma_start3A_96 = tpu.memref_slice %arg14[%add3A_94, %dma_start3A_95] : memref<10240x64xf32, #tpu.memory_space<vmem_shared>> -> memref<128x64xf32, #tpu.memory_space<vmem_shared>>
        %dma_start3A_97 = arith.constant 0 : i32
        %dma_start3A_98 = tpu.memref_slice %arg14[%add3A_94, %dma_start3A_97] : memref<10240x64xf32, #tpu.memory_space<vmem_shared>> -> memref<128x64xf32, #tpu.memory_space<vmem_shared>>
        tpu.enqueue_dma source(%arg13 : memref<128x64xf32, #tpu.memory_space<vmem>>) target(%dma_start3A_98 : memref<128x64xf32, #tpu.memory_space<vmem_shared>>) target_semaphore(%run_scoped3A : memref<!tpu.dma_semaphore, #tpu.memory_space<semaphore_mem>>)
        %dma_wait3A_99 = arith.constant 0 : i32
        %dma_wait3A_100 = tpu.memref_slice %arg14[%add3A_94, %dma_wait3A_99] : memref<10240x64xf32, #tpu.memory_space<vmem_shared>> -> memref<128x64xf32, #tpu.memory_space<vmem_shared>>
        %dma_wait3A_101 = arith.constant 0 : i32
        %dma_wait3A_102 = tpu.memref_slice %arg14[%add3A_94, %dma_wait3A_101] : memref<10240x64xf32, #tpu.memory_space<vmem_shared>> -> memref<128x64xf32, #tpu.memory_space<vmem_shared>>
        tpu.wait_dma2 semaphore(%run_scoped3A : memref<!tpu.dma_semaphore, #tpu.memory_space<semaphore_mem>>) src(%arg13 : memref<128x64xf32, #tpu.memory_space<vmem>>) dst(%dma_wait3A_102 : memref<128x64xf32, #tpu.memory_space<vmem_shared>>)
        tpu.yield
      }) : () -> ()
    }
    %scan3A_24 = arith.constant 5 : i32
    %dma_wait3A = arith.constant 0 : i32
    %dma_wait3A_25 = arith.constant 0 : i32
    %dma_wait3A_26 = tpu.memref_slice %arg3[%add3A, %dma_wait3A, %dma_wait3A_25] : memref<32x250x80xi32, #tpu.memory_space<hbm>> -> memref<1x250x80xi32, #tpu.memory_space<hbm>>
    %dma_wait3A_27 = tpu.memref_squeeze %dma_wait3A_26 : memref<1x250x80xi32, #tpu.memory_space<hbm>> -> memref<250x80xi32, #tpu.memory_space<hbm>>
    %dma_wait3A_28 = arith.constant 0 : i32
    %dma_wait3A_29 = arith.constant 0 : i32
    %dma_wait3A_30 = tpu.memref_slice %arg3[%add3A, %dma_wait3A_28, %dma_wait3A_29] : memref<32x250x80xi32, #tpu.memory_space<hbm>> -> memref<1x250x80xi32, #tpu.memory_space<hbm>>
    %dma_wait3A_31 = tpu.memref_squeeze %dma_wait3A_30 : memref<1x250x80xi32, #tpu.memory_space<hbm>> -> memref<250x80xi32, #tpu.memory_space<hbm>>
    tpu.wait_dma2 semaphore(%arg15 : memref<!tpu.dma_semaphore, #tpu.memory_space<semaphore_mem>>) src(%dma_wait3A_31 : memref<250x80xi32, #tpu.memory_space<hbm>>) dst(%arg6 : memref<250x80xi32, #tpu.memory_space<vmem>>)
    %dma_wait3A_32 = arith.constant 0 : i32
    %dma_wait3A_33 = arith.constant 0 : i32
    %dma_wait3A_34 = tpu.memref_slice %arg4[%arg1, %dma_wait3A_32, %dma_wait3A_33] : memref<16x250x80xi32, #tpu.memory_space<hbm>> -> memref<1x250x80xi32, #tpu.memory_space<hbm>>
    %dma_wait3A_35 = tpu.memref_squeeze %dma_wait3A_34 : memref<1x250x80xi32, #tpu.memory_space<hbm>> -> memref<250x80xi32, #tpu.memory_space<hbm>>
    %dma_wait3A_36 = arith.constant 0 : i32
    %dma_wait3A_37 = arith.constant 0 : i32
    %dma_wait3A_38 = tpu.memref_slice %arg4[%arg1, %dma_wait3A_36, %dma_wait3A_37] : memref<16x250x80xi32, #tpu.memory_space<hbm>> -> memref<1x250x80xi32, #tpu.memory_space<hbm>>
    %dma_wait3A_39 = tpu.memref_squeeze %dma_wait3A_38 : memref<1x250x80xi32, #tpu.memory_space<hbm>> -> memref<250x80xi32, #tpu.memory_space<hbm>>
    tpu.wait_dma2 semaphore(%arg16 : memref<!tpu.dma_semaphore, #tpu.memory_space<semaphore_mem>>) src(%dma_wait3A_39 : memref<250x80xi32, #tpu.memory_space<hbm>>) dst(%arg7 : memref<250x80xi32, #tpu.memory_space<vmem>>)
    %barrier3A = arith.constant 0 : index
    tpu.barrier barrier_id(%barrier3A)
    %dma_start3A_40 = arith.constant 0 : i32
    %dma_start3A_41 = arith.constant 0 : i32
    %dma_start3A_42 = tpu.memref_slice %arg6[%dma_start3A_40, %dma_start3A_41] : memref<250x80xi32, #tpu.memory_space<vmem>> -> memref<1x80xi32, #tpu.memory_space<vmem>>
    %dma_start3A_43 = tpu.memref_squeeze %dma_start3A_42 : memref<1x80xi32, #tpu.memory_space<vmem>> -> memref<80xi32, #tpu.memory_space<vmem>>
    %dma_start3A_44 = arith.constant 0 : i32
    %dma_start3A_45 = arith.constant 0 : i32
    %dma_start3A_46 = tpu.memref_slice %arg2[%dma_start3A_44, %dma_start3A_45] : memref<20000x64xf32, #tpu.memory_space<hbm>> -> memref<20000x64xf32, #tpu.memory_space<hbm>>
    tpu.enqueue_indirect_dma source(%dma_start3A_46 : memref<20000x64xf32, #tpu.memory_space<hbm>>) target(%arg8 : memref<80x64xf32, #tpu.memory_space<vmem>>) offsets(%dma_start3A_43 : memref<80xi32, #tpu.memory_space<vmem>>) semaphore(%arg17 : memref<!tpu.dma_semaphore, #tpu.memory_space<semaphore_mem>>)
    %dma_start3A_47 = arith.constant 1 : i32
    %dma_start3A_48 = arith.constant 0 : i32
    %dma_start3A_49 = tpu.memref_slice %arg6[%dma_start3A_47, %dma_start3A_48] : memref<250x80xi32, #tpu.memory_space<vmem>> -> memref<1x80xi32, #tpu.memory_space<vmem>>
    %dma_start3A_50 = tpu.memref_squeeze %dma_start3A_49 : memref<1x80xi32, #tpu.memory_space<vmem>> -> memref<80xi32, #tpu.memory_space<vmem>>
    %dma_start3A_51 = arith.constant 0 : i32
    %dma_start3A_52 = arith.constant 0 : i32
    %dma_start3A_53 = tpu.memref_slice %arg2[%dma_start3A_51, %dma_start3A_52] : memref<20000x64xf32, #tpu.memory_space<hbm>> -> memref<20000x64xf32, #tpu.memory_space<hbm>>
    tpu.enqueue_indirect_dma source(%dma_start3A_53 : memref<20000x64xf32, #tpu.memory_space<hbm>>) target(%arg9 : memref<80x64xf32, #tpu.memory_space<vmem>>) offsets(%dma_start3A_50 : memref<80xi32, #tpu.memory_space<vmem>>) semaphore(%arg18 : memref<!tpu.dma_semaphore, #tpu.memory_space<semaphore_mem>>)
    %dma_start3A_54 = arith.constant 2 : i32
    %dma_start3A_55 = arith.constant 0 : i32
    %dma_start3A_56 = tpu.memref_slice %arg6[%dma_start3A_54, %dma_start3A_55] : memref<250x80xi32, #tpu.memory_space<vmem>> -> memref<1x80xi32, #tpu.memory_space<vmem>>
    %dma_start3A_57 = tpu.memref_squeeze %dma_start3A_56 : memref<1x80xi32, #tpu.memory_space<vmem>> -> memref<80xi32, #tpu.memory_space<vmem>>
    %dma_start3A_58 = arith.constant 0 : i32
    %dma_start3A_59 = arith.constant 0 : i32
    %dma_start3A_60 = tpu.memref_slice %arg2[%dma_start3A_58, %dma_start3A_59] : memref<20000x64xf32, #tpu.memory_space<hbm>> -> memref<20000x64xf32, #tpu.memory_space<hbm>>
    tpu.enqueue_indirect_dma source(%dma_start3A_60 : memref<20000x64xf32, #tpu.memory_space<hbm>>) target(%arg10 : memref<80x64xf32, #tpu.memory_space<vmem>>) offsets(%dma_start3A_57 : memref<80xi32, #tpu.memory_space<vmem>>) semaphore(%arg19 : memref<!tpu.dma_semaphore, #tpu.memory_space<semaphore_mem>>)
    %dma_start3A_61 = arith.constant 3 : i32
    %dma_start3A_62 = arith.constant 0 : i32
    %dma_start3A_63 = tpu.memref_slice %arg6[%dma_start3A_61, %dma_start3A_62] : memref<250x80xi32, #tpu.memory_space<vmem>> -> memref<1x80xi32, #tpu.memory_space<vmem>>
    %dma_start3A_64 = tpu.memref_squeeze %dma_start3A_63 : memref<1x80xi32, #tpu.memory_space<vmem>> -> memref<80xi32, #tpu.memory_space<vmem>>
    %dma_start3A_65 = arith.constant 0 : i32
    %dma_start3A_66 = arith.constant 0 : i32
    %dma_start3A_67 = tpu.memref_slice %arg2[%dma_start3A_65, %dma_start3A_66] : memref<20000x64xf32, #tpu.memory_space<hbm>> -> memref<20000x64xf32, #tpu.memory_space<hbm>>
    tpu.enqueue_indirect_dma source(%dma_start3A_67 : memref<20000x64xf32, #tpu.memory_space<hbm>>) target(%arg11 : memref<80x64xf32, #tpu.memory_space<vmem>>) offsets(%dma_start3A_64 : memref<80xi32, #tpu.memory_space<vmem>>) semaphore(%arg20 : memref<!tpu.dma_semaphore, #tpu.memory_space<semaphore_mem>>)
    %dma_start3A_68 = arith.constant 4 : i32
    %dma_start3A_69 = arith.constant 0 : i32
    %dma_start3A_70 = tpu.memref_slice %arg6[%dma_start3A_68, %dma_start3A_69] : memref<250x80xi32, #tpu.memory_space<vmem>> -> memref<1x80xi32, #tpu.memory_space<vmem>>
    %dma_start3A_71 = tpu.memref_squeeze %dma_start3A_70 : memref<1x80xi32, #tpu.memory_space<vmem>> -> memref<80xi32, #tpu.memory_space<vmem>>
    %dma_start3A_72 = arith.constant 0 : i32
    %dma_start3A_73 = arith.constant 0 : i32
    %dma_start3A_74 = tpu.memref_slice %arg2[%dma_start3A_72, %dma_start3A_73] : memref<20000x64xf32, #tpu.memory_space<hbm>> -> memref<20000x64xf32, #tpu.memory_space<hbm>>
    tpu.enqueue_indirect_dma source(%dma_start3A_74 : memref<20000x64xf32, #tpu.memory_space<hbm>>) target(%arg12 : memref<80x64xf32, #tpu.memory_space<vmem>>) offsets(%dma_start3A_71 : memref<80xi32, #tpu.memory_space<vmem>>) semaphore(%arg21 : memref<!tpu.dma_semaphore, #tpu.memory_space<semaphore_mem>>)
    %scan3A_75 = arith.constant 0 : i32
    %scan3A_76 = arith.constant 50 : i32
    %scan3A_77 = arith.addi %scan3A_75, %scan3A_76 : i32
    %scan3A_78 = arith.constant 1 : i32
    scf.for %scan3A_87 = %scan3A_75 to %scan3A_77 step %scan3A_78  : i32 {
      %mul3A_88 = arith.constant 5 : i32
      %mul3A_89 = arith.muli %scan3A_87, %mul3A_88 : i32
      %add3A_90 = arith.constant 0 : i32
      %add3A_91 = arith.addi %add3A_90, %mul3A_89 : i32
      %add3A_92 = arith.constant 0 : i32
      %add3A_93 = arith.addi %add3A_91, %add3A_92 : i32
      %dma_wait3A_94 = arith.constant 0 : i32
      %dma_wait3A_95 = tpu.memref_slice %arg6[%add3A_93, %dma_wait3A_94] : memref<250x80xi32, #tpu.memory_space<vmem>> -> memref<1x80xi32, #tpu.memory_space<vmem>>
      %dma_wait3A_96 = tpu.memref_squeeze %dma_wait3A_95 : memref<1x80xi32, #tpu.memory_space<vmem>> -> memref<80xi32, #tpu.memory_space<vmem>>
      %dma_wait3A_97 = arith.constant 0 : i32
      %dma_wait3A_98 = arith.constant 0 : i32
      %dma_wait3A_99 = tpu.memref_slice %arg2[%dma_wait3A_97, %dma_wait3A_98] : memref<20000x64xf32, #tpu.memory_space<hbm>> -> memref<20000x64xf32, #tpu.memory_space<hbm>>
      tpu.wait_indirect_dma semaphore(%arg17 : memref<!tpu.dma_semaphore, #tpu.memory_space<semaphore_mem>>) src(%dma_wait3A_99 : memref<20000x64xf32, #tpu.memory_space<hbm>>) dst(%arg8 : memref<80x64xf32, #tpu.memory_space<vmem>>)
      "tpu.region"() ({
        %run_scoped3A = tpu.sem_alloc : memref<!tpu.dma_semaphore, #tpu.memory_space<semaphore_mem>>
        %dma_start3A_164 = arith.constant 0 : i32
        %dma_start3A_165 = tpu.memref_slice %arg7[%add3A_93, %dma_start3A_164] : memref<250x80xi32, #tpu.memory_space<vmem>> -> memref<1x80xi32, #tpu.memory_space<vmem>>
        %dma_start3A_166 = tpu.memref_squeeze %dma_start3A_165 : memref<1x80xi32, #tpu.memory_space<vmem>> -> memref<80xi32, #tpu.memory_space<vmem>>
        %dma_start3A_167 = arith.constant 0 : i32
        %dma_start3A_168 = arith.constant 0 : i32
        %dma_start3A_169 = tpu.memref_slice %arg14[%dma_start3A_167, %dma_start3A_168] : memref<10240x64xf32, #tpu.memory_space<vmem_shared>> -> memref<10240x64xf32, #tpu.memory_space<vmem_shared>>
        tpu.enqueue_indirect_dma source(%arg8 : memref<80x64xf32, #tpu.memory_space<vmem>>) target(%dma_start3A_169 : memref<10240x64xf32, #tpu.memory_space<vmem_shared>>) offsets(%dma_start3A_166 : memref<80xi32, #tpu.memory_space<vmem>>) semaphore(%run_scoped3A : memref<!tpu.dma_semaphore, #tpu.memory_space<semaphore_mem>>) {add = true}
        %dma_wait3A_170 = arith.constant 0 : i32
        %dma_wait3A_171 = tpu.memref_slice %arg7[%add3A_93, %dma_wait3A_170] : memref<250x80xi32, #tpu.memory_space<vmem>> -> memref<1x80xi32, #tpu.memory_space<vmem>>
        %dma_wait3A_172 = tpu.memref_squeeze %dma_wait3A_171 : memref<1x80xi32, #tpu.memory_space<vmem>> -> memref<80xi32, #tpu.memory_space<vmem>>
        %dma_wait3A_173 = arith.constant 0 : i32
        %dma_wait3A_174 = arith.constant 0 : i32
        %dma_wait3A_175 = tpu.memref_slice %arg14[%dma_wait3A_173, %dma_wait3A_174] : memref<10240x64xf32, #tpu.memory_space<vmem_shared>> -> memref<10240x64xf32, #tpu.memory_space<vmem_shared>>
        tpu.wait_indirect_dma semaphore(%run_scoped3A : memref<!tpu.dma_semaphore, #tpu.memory_space<semaphore_mem>>) src(%arg8 : memref<80x64xf32, #tpu.memory_space<vmem>>) dst(%dma_wait3A_175 : memref<10240x64xf32, #tpu.memory_space<vmem_shared>>)
        tpu.yield
      }) : () -> ()
      %add3A_100 = arith.constant 5 : i32
      %add3A_101 = arith.addi %add3A_93, %add3A_100 : i32
      %lt3A = arith.constant 250 : i32
      %lt3A_102 = arith.cmpi slt, %add3A_101, %lt3A : i32
      %convert_element_type3A = arith.extui %lt3A_102 : i1 to i32
      %cond3A = arith.constant 0 : i32
      %cond3A_103 = arith.cmpi ne, %convert_element_type3A, %cond3A : i32
      scf.if %cond3A_103 {
        %add3A_164 = arith.constant 5 : i32
        %add3A_165 = arith.addi %add3A_93, %add3A_164 : i32
        %dma_start3A_166 = arith.constant 0 : i32
        %dma_start3A_167 = tpu.memref_slice %arg6[%add3A_165, %dma_start3A_166] : memref<250x80xi32, #tpu.memory_space<vmem>> -> memref<1x80xi32, #tpu.memory_space<vmem>>
        %dma_start3A_168 = tpu.memref_squeeze %dma_start3A_167 : memref<1x80xi32, #tpu.memory_space<vmem>> -> memref<80xi32, #tpu.memory_space<vmem>>
        %dma_start3A_169 = arith.constant 0 : i32
        %dma_start3A_170 = arith.constant 0 : i32
        %dma_start3A_171 = tpu.memref_slice %arg2[%dma_start3A_169, %dma_start3A_170] : memref<20000x64xf32, #tpu.memory_space<hbm>> -> memref<20000x64xf32, #tpu.memory_space<hbm>>
        tpu.enqueue_indirect_dma source(%dma_start3A_171 : memref<20000x64xf32, #tpu.memory_space<hbm>>) target(%arg8 : memref<80x64xf32, #tpu.memory_space<vmem>>) offsets(%dma_start3A_168 : memref<80xi32, #tpu.memory_space<vmem>>) semaphore(%arg17 : memref<!tpu.dma_semaphore, #tpu.memory_space<semaphore_mem>>)
      } else {
      }
      %add3A_104 = arith.constant 1 : i32
      %add3A_105 = arith.addi %add3A_91, %add3A_104 : i32
      %dma_wait3A_106 = arith.constant 0 : i32
      %dma_wait3A_107 = tpu.memref_slice %arg6[%add3A_105, %dma_wait3A_106] : memref<250x80xi32, #tpu.memory_space<vmem>> -> memref<1x80xi32, #tpu.memory_space<vmem>>
      %dma_wait3A_108 = tpu.memref_squeeze %dma_wait3A_107 : memref<1x80xi32, #tpu.memory_space<vmem>> -> memref<80xi32, #tpu.memory_space<vmem>>
      %dma_wait3A_109 = arith.constant 0 : i32
      %dma_wait3A_110 = arith.constant 0 : i32
      %dma_wait3A_111 = tpu.memref_slice %arg2[%dma_wait3A_109, %dma_wait3A_110] : memref<20000x64xf32, #tpu.memory_space<hbm>> -> memref<20000x64xf32, #tpu.memory_space<hbm>>
      tpu.wait_indirect_dma semaphore(%arg18 : memref<!tpu.dma_semaphore, #tpu.memory_space<semaphore_mem>>) src(%dma_wait3A_111 : memref<20000x64xf32, #tpu.memory_space<hbm>>) dst(%arg9 : memref<80x64xf32, #tpu.memory_space<vmem>>)
      "tpu.region"() ({
        %run_scoped3A = tpu.sem_alloc : memref<!tpu.dma_semaphore, #tpu.memory_space<semaphore_mem>>
        %dma_start3A_164 = arith.constant 0 : i32
        %dma_start3A_165 = tpu.memref_slice %arg7[%add3A_105, %dma_start3A_164] : memref<250x80xi32, #tpu.memory_space<vmem>> -> memref<1x80xi32, #tpu.memory_space<vmem>>
        %dma_start3A_166 = tpu.memref_squeeze %dma_start3A_165 : memref<1x80xi32, #tpu.memory_space<vmem>> -> memref<80xi32, #tpu.memory_space<vmem>>
        %dma_start3A_167 = arith.constant 0 : i32
        %dma_start3A_168 = arith.constant 0 : i32
        %dma_start3A_169 = tpu.memref_slice %arg14[%dma_start3A_167, %dma_start3A_168] : memref<10240x64xf32, #tpu.memory_space<vmem_shared>> -> memref<10240x64xf32, #tpu.memory_space<vmem_shared>>
        tpu.enqueue_indirect_dma source(%arg9 : memref<80x64xf32, #tpu.memory_space<vmem>>) target(%dma_start3A_169 : memref<10240x64xf32, #tpu.memory_space<vmem_shared>>) offsets(%dma_start3A_166 : memref<80xi32, #tpu.memory_space<vmem>>) semaphore(%run_scoped3A : memref<!tpu.dma_semaphore, #tpu.memory_space<semaphore_mem>>) {add = true}
        %dma_wait3A_170 = arith.constant 0 : i32
        %dma_wait3A_171 = tpu.memref_slice %arg7[%add3A_105, %dma_wait3A_170] : memref<250x80xi32, #tpu.memory_space<vmem>> -> memref<1x80xi32, #tpu.memory_space<vmem>>
        %dma_wait3A_172 = tpu.memref_squeeze %dma_wait3A_171 : memref<1x80xi32, #tpu.memory_space<vmem>> -> memref<80xi32, #tpu.memory_space<vmem>>
        %dma_wait3A_173 = arith.constant 0 : i32
        %dma_wait3A_174 = arith.constant 0 : i32
        %dma_wait3A_175 = tpu.memref_slice %arg14[%dma_wait3A_173, %dma_wait3A_174] : memref<10240x64xf32, #tpu.memory_space<vmem_shared>> -> memref<10240x64xf32, #tpu.memory_space<vmem_shared>>
        tpu.wait_indirect_dma semaphore(%run_scoped3A : memref<!tpu.dma_semaphore, #tpu.memory_space<semaphore_mem>>) src(%arg9 : memref<80x64xf32, #tpu.memory_space<vmem>>) dst(%dma_wait3A_175 : memref<10240x64xf32, #tpu.memory_space<vmem_shared>>)
        tpu.yield
      }) : () -> ()
      %add3A_112 = arith.constant 5 : i32
      %add3A_113 = arith.addi %add3A_105, %add3A_112 : i32
      %lt3A_114 = arith.constant 250 : i32
      %lt3A_115 = arith.cmpi slt, %add3A_113, %lt3A_114 : i32
      %convert_element_type3A_116 = arith.extui %lt3A_115 : i1 to i32
      %cond3A_117 = arith.constant 0 : i32
      %cond3A_118 = arith.cmpi ne, %convert_element_type3A_116, %cond3A_117 : i32
      scf.if %cond3A_118 {
        %add3A_164 = arith.constant 5 : i32
        %add3A_165 = arith.addi %add3A_105, %add3A_164 : i32
        %dma_start3A_166 = arith.constant 0 : i32
        %dma_start3A_167 = tpu.memref_slice %arg6[%add3A_165, %dma_start3A_166] : memref<250x80xi32, #tpu.memory_space<vmem>> -> memref<1x80xi32, #tpu.memory_space<vmem>>
        %dma_start3A_168 = tpu.memref_squeeze %dma_start3A_167 : memref<1x80xi32, #tpu.memory_space<vmem>> -> memref<80xi32, #tpu.memory_space<vmem>>
        %dma_start3A_169 = arith.constant 0 : i32
        %dma_start3A_170 = arith.constant 0 : i32
        %dma_start3A_171 = tpu.memref_slice %arg2[%dma_start3A_169, %dma_start3A_170] : memref<20000x64xf32, #tpu.memory_space<hbm>> -> memref<20000x64xf32, #tpu.memory_space<hbm>>
        tpu.enqueue_indirect_dma source(%dma_start3A_171 : memref<20000x64xf32, #tpu.memory_space<hbm>>) target(%arg9 : memref<80x64xf32, #tpu.memory_space<vmem>>) offsets(%dma_start3A_168 : memref<80xi32, #tpu.memory_space<vmem>>) semaphore(%arg18 : memref<!tpu.dma_semaphore, #tpu.memory_space<semaphore_mem>>)
      } else {
      }
      %add3A_119 = arith.constant 2 : i32
      %add3A_120 = arith.addi %add3A_91, %add3A_119 : i32
      %dma_wait3A_121 = arith.constant 0 : i32
      %dma_wait3A_122 = tpu.memref_slice %arg6[%add3A_120, %dma_wait3A_121] : memref<250x80xi32, #tpu.memory_space<vmem>> -> memref<1x80xi32, #tpu.memory_space<vmem>>
      %dma_wait3A_123 = tpu.memref_squeeze %dma_wait3A_122 : memref<1x80xi32, #tpu.memory_space<vmem>> -> memref<80xi32, #tpu.memory_space<vmem>>
      %dma_wait3A_124 = arith.constant 0 : i32
      %dma_wait3A_125 = arith.constant 0 : i32
      %dma_wait3A_126 = tpu.memref_slice %arg2[%dma_wait3A_124, %dma_wait3A_125] : memref<20000x64xf32, #tpu.memory_space<hbm>> -> memref<20000x64xf32, #tpu.memory_space<hbm>>
      tpu.wait_indirect_dma semaphore(%arg19 : memref<!tpu.dma_semaphore, #tpu.memory_space<semaphore_mem>>) src(%dma_wait3A_126 : memref<20000x64xf32, #tpu.memory_space<hbm>>) dst(%arg10 : memref<80x64xf32, #tpu.memory_space<vmem>>)
      "tpu.region"() ({
        %run_scoped3A = tpu.sem_alloc : memref<!tpu.dma_semaphore, #tpu.memory_space<semaphore_mem>>
        %dma_start3A_164 = arith.constant 0 : i32
        %dma_start3A_165 = tpu.memref_slice %arg7[%add3A_120, %dma_start3A_164] : memref<250x80xi32, #tpu.memory_space<vmem>> -> memref<1x80xi32, #tpu.memory_space<vmem>>
        %dma_start3A_166 = tpu.memref_squeeze %dma_start3A_165 : memref<1x80xi32, #tpu.memory_space<vmem>> -> memref<80xi32, #tpu.memory_space<vmem>>
        %dma_start3A_167 = arith.constant 0 : i32
        %dma_start3A_168 = arith.constant 0 : i32
        %dma_start3A_169 = tpu.memref_slice %arg14[%dma_start3A_167, %dma_start3A_168] : memref<10240x64xf32, #tpu.memory_space<vmem_shared>> -> memref<10240x64xf32, #tpu.memory_space<vmem_shared>>
        tpu.enqueue_indirect_dma source(%arg10 : memref<80x64xf32, #tpu.memory_space<vmem>>) target(%dma_start3A_169 : memref<10240x64xf32, #tpu.memory_space<vmem_shared>>) offsets(%dma_start3A_166 : memref<80xi32, #tpu.memory_space<vmem>>) semaphore(%run_scoped3A : memref<!tpu.dma_semaphore, #tpu.memory_space<semaphore_mem>>) {add = true}
        %dma_wait3A_170 = arith.constant 0 : i32
        %dma_wait3A_171 = tpu.memref_slice %arg7[%add3A_120, %dma_wait3A_170] : memref<250x80xi32, #tpu.memory_space<vmem>> -> memref<1x80xi32, #tpu.memory_space<vmem>>
        %dma_wait3A_172 = tpu.memref_squeeze %dma_wait3A_171 : memref<1x80xi32, #tpu.memory_space<vmem>> -> memref<80xi32, #tpu.memory_space<vmem>>
        %dma_wait3A_173 = arith.constant 0 : i32
        %dma_wait3A_174 = arith.constant 0 : i32
        %dma_wait3A_175 = tpu.memref_slice %arg14[%dma_wait3A_173, %dma_wait3A_174] : memref<10240x64xf32, #tpu.memory_space<vmem_shared>> -> memref<10240x64xf32, #tpu.memory_space<vmem_shared>>
        tpu.wait_indirect_dma semaphore(%run_scoped3A : memref<!tpu.dma_semaphore, #tpu.memory_space<semaphore_mem>>) src(%arg10 : memref<80x64xf32, #tpu.memory_space<vmem>>) dst(%dma_wait3A_175 : memref<10240x64xf32, #tpu.memory_space<vmem_shared>>)
        tpu.yield
      }) : () -> ()
      %add3A_127 = arith.constant 5 : i32
      %add3A_128 = arith.addi %add3A_120, %add3A_127 : i32
      %lt3A_129 = arith.constant 250 : i32
      %lt3A_130 = arith.cmpi slt, %add3A_128, %lt3A_129 : i32
      %convert_element_type3A_131 = arith.extui %lt3A_130 : i1 to i32
      %cond3A_132 = arith.constant 0 : i32
      %cond3A_133 = arith.cmpi ne, %convert_element_type3A_131, %cond3A_132 : i32
      scf.if %cond3A_133 {
        %add3A_164 = arith.constant 5 : i32
        %add3A_165 = arith.addi %add3A_120, %add3A_164 : i32
        %dma_start3A_166 = arith.constant 0 : i32
        %dma_start3A_167 = tpu.memref_slice %arg6[%add3A_165, %dma_start3A_166] : memref<250x80xi32, #tpu.memory_space<vmem>> -> memref<1x80xi32, #tpu.memory_space<vmem>>
        %dma_start3A_168 = tpu.memref_squeeze %dma_start3A_167 : memref<1x80xi32, #tpu.memory_space<vmem>> -> memref<80xi32, #tpu.memory_space<vmem>>
        %dma_start3A_169 = arith.constant 0 : i32
        %dma_start3A_170 = arith.constant 0 : i32
        %dma_start3A_171 = tpu.memref_slice %arg2[%dma_start3A_169, %dma_start3A_170] : memref<20000x64xf32, #tpu.memory_space<hbm>> -> memref<20000x64xf32, #tpu.memory_space<hbm>>
        tpu.enqueue_indirect_dma source(%dma_start3A_171 : memref<20000x64xf32, #tpu.memory_space<hbm>>) target(%arg10 : memref<80x64xf32, #tpu.memory_space<vmem>>) offsets(%dma_start3A_168 : memref<80xi32, #tpu.memory_space<vmem>>) semaphore(%arg19 : memref<!tpu.dma_semaphore, #tpu.memory_space<semaphore_mem>>)
      } else {
      }
      %add3A_134 = arith.constant 3 : i32
      %add3A_135 = arith.addi %add3A_91, %add3A_134 : i32
      %dma_wait3A_136 = arith.constant 0 : i32
      %dma_wait3A_137 = tpu.memref_slice %arg6[%add3A_135, %dma_wait3A_136] : memref<250x80xi32, #tpu.memory_space<vmem>> -> memref<1x80xi32, #tpu.memory_space<vmem>>
      %dma_wait3A_138 = tpu.memref_squeeze %dma_wait3A_137 : memref<1x80xi32, #tpu.memory_space<vmem>> -> memref<80xi32, #tpu.memory_space<vmem>>
      %dma_wait3A_139 = arith.constant 0 : i32
      %dma_wait3A_140 = arith.constant 0 : i32
      %dma_wait3A_141 = tpu.memref_slice %arg2[%dma_wait3A_139, %dma_wait3A_140] : memref<20000x64xf32, #tpu.memory_space<hbm>> -> memref<20000x64xf32, #tpu.memory_space<hbm>>
      tpu.wait_indirect_dma semaphore(%arg20 : memref<!tpu.dma_semaphore, #tpu.memory_space<semaphore_mem>>) src(%dma_wait3A_141 : memref<20000x64xf32, #tpu.memory_space<hbm>>) dst(%arg11 : memref<80x64xf32, #tpu.memory_space<vmem>>)
      "tpu.region"() ({
        %run_scoped3A = tpu.sem_alloc : memref<!tpu.dma_semaphore, #tpu.memory_space<semaphore_mem>>
        %dma_start3A_164 = arith.constant 0 : i32
        %dma_start3A_165 = tpu.memref_slice %arg7[%add3A_135, %dma_start3A_164] : memref<250x80xi32, #tpu.memory_space<vmem>> -> memref<1x80xi32, #tpu.memory_space<vmem>>
        %dma_start3A_166 = tpu.memref_squeeze %dma_start3A_165 : memref<1x80xi32, #tpu.memory_space<vmem>> -> memref<80xi32, #tpu.memory_space<vmem>>
        %dma_start3A_167 = arith.constant 0 : i32
        %dma_start3A_168 = arith.constant 0 : i32
        %dma_start3A_169 = tpu.memref_slice %arg14[%dma_start3A_167, %dma_start3A_168] : memref<10240x64xf32, #tpu.memory_space<vmem_shared>> -> memref<10240x64xf32, #tpu.memory_space<vmem_shared>>
        tpu.enqueue_indirect_dma source(%arg11 : memref<80x64xf32, #tpu.memory_space<vmem>>) target(%dma_start3A_169 : memref<10240x64xf32, #tpu.memory_space<vmem_shared>>) offsets(%dma_start3A_166 : memref<80xi32, #tpu.memory_space<vmem>>) semaphore(%run_scoped3A : memref<!tpu.dma_semaphore, #tpu.memory_space<semaphore_mem>>) {add = true}
        %dma_wait3A_170 = arith.constant 0 : i32
        %dma_wait3A_171 = tpu.memref_slice %arg7[%add3A_135, %dma_wait3A_170] : memref<250x80xi32, #tpu.memory_space<vmem>> -> memref<1x80xi32, #tpu.memory_space<vmem>>
        %dma_wait3A_172 = tpu.memref_squeeze %dma_wait3A_171 : memref<1x80xi32, #tpu.memory_space<vmem>> -> memref<80xi32, #tpu.memory_space<vmem>>
        %dma_wait3A_173 = arith.constant 0 : i32
        %dma_wait3A_174 = arith.constant 0 : i32
        %dma_wait3A_175 = tpu.memref_slice %arg14[%dma_wait3A_173, %dma_wait3A_174] : memref<10240x64xf32, #tpu.memory_space<vmem_shared>> -> memref<10240x64xf32, #tpu.memory_space<vmem_shared>>
        tpu.wait_indirect_dma semaphore(%run_scoped3A : memref<!tpu.dma_semaphore, #tpu.memory_space<semaphore_mem>>) src(%arg11 : memref<80x64xf32, #tpu.memory_space<vmem>>) dst(%dma_wait3A_175 : memref<10240x64xf32, #tpu.memory_space<vmem_shared>>)
        tpu.yield
      }) : () -> ()
      %add3A_142 = arith.constant 5 : i32
      %add3A_143 = arith.addi %add3A_135, %add3A_142 : i32
      %lt3A_144 = arith.constant 250 : i32
      %lt3A_145 = arith.cmpi slt, %add3A_143, %lt3A_144 : i32
      %convert_element_type3A_146 = arith.extui %lt3A_145 : i1 to i32
      %cond3A_147 = arith.constant 0 : i32
      %cond3A_148 = arith.cmpi ne, %convert_element_type3A_146, %cond3A_147 : i32
      scf.if %cond3A_148 {
        %add3A_164 = arith.constant 5 : i32
        %add3A_165 = arith.addi %add3A_135, %add3A_164 : i32
        %dma_start3A_166 = arith.constant 0 : i32
        %dma_start3A_167 = tpu.memref_slice %arg6[%add3A_165, %dma_start3A_166] : memref<250x80xi32, #tpu.memory_space<vmem>> -> memref<1x80xi32, #tpu.memory_space<vmem>>
        %dma_start3A_168 = tpu.memref_squeeze %dma_start3A_167 : memref<1x80xi32, #tpu.memory_space<vmem>> -> memref<80xi32, #tpu.memory_space<vmem>>
        %dma_start3A_169 = arith.constant 0 : i32
        %dma_start3A_170 = arith.constant 0 : i32
        %dma_start3A_171 = tpu.memref_slice %arg2[%dma_start3A_169, %dma_start3A_170] : memref<20000x64xf32, #tpu.memory_space<hbm>> -> memref<20000x64xf32, #tpu.memory_space<hbm>>
        tpu.enqueue_indirect_dma source(%dma_start3A_171 : memref<20000x64xf32, #tpu.memory_space<hbm>>) target(%arg11 : memref<80x64xf32, #tpu.memory_space<vmem>>) offsets(%dma_start3A_168 : memref<80xi32, #tpu.memory_space<vmem>>) semaphore(%arg20 : memref<!tpu.dma_semaphore, #tpu.memory_space<semaphore_mem>>)
      } else {
      }
      %add3A_149 = arith.constant 4 : i32
      %add3A_150 = arith.addi %add3A_91, %add3A_149 : i32
      %dma_wait3A_151 = arith.constant 0 : i32
      %dma_wait3A_152 = tpu.memref_slice %arg6[%add3A_150, %dma_wait3A_151] : memref<250x80xi32, #tpu.memory_space<vmem>> -> memref<1x80xi32, #tpu.memory_space<vmem>>
      %dma_wait3A_153 = tpu.memref_squeeze %dma_wait3A_152 : memref<1x80xi32, #tpu.memory_space<vmem>> -> memref<80xi32, #tpu.memory_space<vmem>>
      %dma_wait3A_154 = arith.constant 0 : i32
      %dma_wait3A_155 = arith.constant 0 : i32
      %dma_wait3A_156 = tpu.memref_slice %arg2[%dma_wait3A_154, %dma_wait3A_155] : memref<20000x64xf32, #tpu.memory_space<hbm>> -> memref<20000x64xf32, #tpu.memory_space<hbm>>
      tpu.wait_indirect_dma semaphore(%arg21 : memref<!tpu.dma_semaphore, #tpu.memory_space<semaphore_mem>>) src(%dma_wait3A_156 : memref<20000x64xf32, #tpu.memory_space<hbm>>) dst(%arg12 : memref<80x64xf32, #tpu.memory_space<vmem>>)
      "tpu.region"() ({
        %run_scoped3A = tpu.sem_alloc : memref<!tpu.dma_semaphore, #tpu.memory_space<semaphore_mem>>
        %dma_start3A_164 = arith.constant 0 : i32
        %dma_start3A_165 = tpu.memref_slice %arg7[%add3A_150, %dma_start3A_164] : memref<250x80xi32, #tpu.memory_space<vmem>> -> memref<1x80xi32, #tpu.memory_space<vmem>>
        %dma_start3A_166 = tpu.memref_squeeze %dma_start3A_165 : memref<1x80xi32, #tpu.memory_space<vmem>> -> memref<80xi32, #tpu.memory_space<vmem>>
        %dma_start3A_167 = arith.constant 0 : i32
        %dma_start3A_168 = arith.constant 0 : i32
        %dma_start3A_169 = tpu.memref_slice %arg14[%dma_start3A_167, %dma_start3A_168] : memref<10240x64xf32, #tpu.memory_space<vmem_shared>> -> memref<10240x64xf32, #tpu.memory_space<vmem_shared>>
        tpu.enqueue_indirect_dma source(%arg12 : memref<80x64xf32, #tpu.memory_space<vmem>>) target(%dma_start3A_169 : memref<10240x64xf32, #tpu.memory_space<vmem_shared>>) offsets(%dma_start3A_166 : memref<80xi32, #tpu.memory_space<vmem>>) semaphore(%run_scoped3A : memref<!tpu.dma_semaphore, #tpu.memory_space<semaphore_mem>>) {add = true}
        %dma_wait3A_170 = arith.constant 0 : i32
        %dma_wait3A_171 = tpu.memref_slice %arg7[%add3A_150, %dma_wait3A_170] : memref<250x80xi32, #tpu.memory_space<vmem>> -> memref<1x80xi32, #tpu.memory_space<vmem>>
        %dma_wait3A_172 = tpu.memref_squeeze %dma_wait3A_171 : memref<1x80xi32, #tpu.memory_space<vmem>> -> memref<80xi32, #tpu.memory_space<vmem>>
        %dma_wait3A_173 = arith.constant 0 : i32
        %dma_wait3A_174 = arith.constant 0 : i32
        %dma_wait3A_175 = tpu.memref_slice %arg14[%dma_wait3A_173, %dma_wait3A_174] : memref<10240x64xf32, #tpu.memory_space<vmem_shared>> -> memref<10240x64xf32, #tpu.memory_space<vmem_shared>>
        tpu.wait_indirect_dma semaphore(%run_scoped3A : memref<!tpu.dma_semaphore, #tpu.memory_space<semaphore_mem>>) src(%arg12 : memref<80x64xf32, #tpu.memory_space<vmem>>) dst(%dma_wait3A_175 : memref<10240x64xf32, #tpu.memory_space<vmem_shared>>)
        tpu.yield
      }) : () -> ()
      %add3A_157 = arith.constant 5 : i32
      %add3A_158 = arith.addi %add3A_150, %add3A_157 : i32
      %lt3A_159 = arith.constant 250 : i32
      %lt3A_160 = arith.cmpi slt, %add3A_158, %lt3A_159 : i32
      %convert_element_type3A_161 = arith.extui %lt3A_160 : i1 to i32
      %cond3A_162 = arith.constant 0 : i32
      %cond3A_163 = arith.cmpi ne, %convert_element_type3A_161, %cond3A_162 : i32
      scf.if %cond3A_163 {
        %add3A_164 = arith.constant 5 : i32
        %add3A_165 = arith.addi %add3A_150, %add3A_164 : i32
        %dma_start3A_166 = arith.constant 0 : i32
        %dma_start3A_167 = tpu.memref_slice %arg6[%add3A_165, %dma_start3A_166] : memref<250x80xi32, #tpu.memory_space<vmem>> -> memref<1x80xi32, #tpu.memory_space<vmem>>
        %dma_start3A_168 = tpu.memref_squeeze %dma_start3A_167 : memref<1x80xi32, #tpu.memory_space<vmem>> -> memref<80xi32, #tpu.memory_space<vmem>>
        %dma_start3A_169 = arith.constant 0 : i32
        %dma_start3A_170 = arith.constant 0 : i32
        %dma_start3A_171 = tpu.memref_slice %arg2[%dma_start3A_169, %dma_start3A_170] : memref<20000x64xf32, #tpu.memory_space<hbm>> -> memref<20000x64xf32, #tpu.memory_space<hbm>>
        tpu.enqueue_indirect_dma source(%dma_start3A_171 : memref<20000x64xf32, #tpu.memory_space<hbm>>) target(%arg12 : memref<80x64xf32, #tpu.memory_space<vmem>>) offsets(%dma_start3A_168 : memref<80xi32, #tpu.memory_space<vmem>>) semaphore(%arg21 : memref<!tpu.dma_semaphore, #tpu.memory_space<semaphore_mem>>)
      } else {
      }
    }
    %scan3A_79 = arith.constant 50 : i32
    %barrier3A_80 = arith.constant 0 : index
    tpu.barrier barrier_id(%barrier3A_80)
    %mul3A_81 = arith.constant 640 : i32
    %mul3A_82 = arith.muli %arg1, %mul3A_81 : i32
    %mul3A_83 = arith.constant 640 : i32
    %mul3A_84 = arith.muli %arg1, %mul3A_83 : i32
    %mul3A_85 = arith.constant 64 : i32
    %mul3A_86 = arith.muli %arg0, %mul3A_85 : i32
    "tpu.region"() ({
      %run_scoped3A = tpu.sem_alloc : memref<!tpu.dma_semaphore, #tpu.memory_space<semaphore_mem>>
      %dma_start3A_87 = tpu.memref_slice %arg5[%mul3A_84, %mul3A_86] : memref<10240x128xf32, #tpu.memory_space<hbm>> -> memref<640x64xf32, #tpu.memory_space<hbm>>
      %dma_start3A_88 = arith.constant 0 : i32
      %dma_start3A_89 = tpu.memref_slice %arg14[%mul3A_82, %dma_start3A_88] : memref<10240x64xf32, #tpu.memory_space<vmem_shared>> -> memref<640x64xf32, #tpu.memory_space<vmem_shared>>
      tpu.enqueue_dma source(%dma_start3A_89 : memref<640x64xf32, #tpu.memory_space<vmem_shared>>) target(%dma_start3A_87 : memref<640x64xf32, #tpu.memory_space<hbm>>) target_semaphore(%run_scoped3A : memref<!tpu.dma_semaphore, #tpu.memory_space<semaphore_mem>>)
      %dma_wait3A_90 = tpu.memref_slice %arg5[%mul3A_84, %mul3A_86] : memref<10240x128xf32, #tpu.memory_space<hbm>> -> memref<640x64xf32, #tpu.memory_space<hbm>>
      %dma_wait3A_91 = arith.constant 0 : i32
      %dma_wait3A_92 = tpu.memref_slice %arg14[%mul3A_82, %dma_wait3A_91] : memref<10240x64xf32, #tpu.memory_space<vmem_shared>> -> memref<640x64xf32, #tpu.memory_space<vmem_shared>>
      tpu.wait_dma2 semaphore(%run_scoped3A : memref<!tpu.dma_semaphore, #tpu.memory_space<semaphore_mem>>) src(%dma_wait3A_92 : memref<640x64xf32, #tpu.memory_space<vmem_shared>>) dst(%dma_wait3A_90 : memref<640x64xf32, #tpu.memory_space<hbm>>)
      tpu.yield
    }) : () -> ()
    return
  }
}

#map = affine_map<(d0, d1) -> (0, 0)>
#map1 = affine_map<(d0, d1) -> (0, 0, 0)>
module attributes {stable_mosaic.version = 14 : i64} {
  func.func @sc_segment_sum(%arg0: i32, %arg1: i32, %arg2: memref<20000x64xf32, #tpu.memory_space<hbm>>, %arg3: memref<32x250x80xi32, #tpu.memory_space<hbm>>, %arg4: memref<16x250x80xi32, #tpu.memory_space<hbm>>, %arg5: memref<10240x128xf32, #tpu.memory_space<hbm>>, %arg6: memref<250x80xi32, #tpu.memory_space<vmem>>, %arg7: memref<250x80xi32, #tpu.memory_space<vmem>>, %arg8: memref<80x64xf32, #tpu.memory_space<vmem>>, %arg9: memref<80x64xf32, #tpu.memory_space<vmem>>, %arg10: memref<80x64xf32, #tpu.memory_space<vmem>>, %arg11: memref<80x64xf32, #tpu.memory_space<vmem>>, %arg12: memref<80x64xf32, #tpu.memory_space<vmem>>, %arg13: memref<128x64xf32, #tpu.memory_space<vmem>>, %arg14: memref<10240x64xf32, #tpu.memory_space<vmem_shared>>, %arg15: memref<!tpu.dma_semaphore, #tpu.memory_space<semaphore_mem>>, %arg16: memref<!tpu.dma_semaphore, #tpu.memory_space<semaphore_mem>>, %arg17: memref<!tpu.dma_semaphore, #tpu.memory_space<semaphore_mem>>, %arg18: memref<!tpu.dma_semaphore, #tpu.memory_space<semaphore_mem>>, %arg19: memref<!tpu.dma_semaphore, #tpu.memory_space<semaphore_mem>>, %arg20: memref<!tpu.dma_semaphore, #tpu.memory_space<semaphore_mem>>, %arg21: memref<!tpu.dma_semaphore, #tpu.memory_space<semaphore_mem>>) attributes {dimension_semantics = [#tpu.dimension_semantics<core_parallel>, #tpu.dimension_semantics<subcore_parallel>], iteration_bounds = array<i64: 2, 16>, scalar_prefetch = 0 : i64, scratch_operands = 16 : i64, tpu.core_type = #tpu.core_type<sc_vector_subcore>, window_params = [{transform_indices = #map}, {transform_indices = #map1}, {transform_indices = #map1}, {transform_indices = #map}]} {
    %mul3A = arith.constant 16 : i32
    %mul3A_0 = arith.muli %arg0, %mul3A : i32
    %add3A = arith.addi %mul3A_0, %arg1 : i32
    %dma_start3A = arith.constant 0 : i32
    %dma_start3A_1 = arith.constant 0 : i32
    %dma_start3A_2 = tpu.memref_slice %arg3[%add3A, %dma_start3A, %dma_start3A_1] : memref<32x250x80xi32, #tpu.memory_space<hbm>> -> memref<1x250x80xi32, #tpu.memory_space<hbm>>
    %dma_start3A_3 = tpu.memref_squeeze %dma_start3A_2 : memref<1x250x80xi32, #tpu.memory_space<hbm>> -> memref<250x80xi32, #tpu.memory_space<hbm>>
    %dma_start3A_4 = arith.constant 0 : i32
    %dma_start3A_5 = arith.constant 0 : i32
    %dma_start3A_6 = tpu.memref_slice %arg3[%add3A, %dma_start3A_4, %dma_start3A_5] : memref<32x250x80xi32, #tpu.memory_space<hbm>> -> memref<1x250x80xi32, #tpu.memory_space<hbm>>
    %dma_start3A_7 = tpu.memref_squeeze %dma_start3A_6 : memref<1x250x80xi32, #tpu.memory_space<hbm>> -> memref<250x80xi32, #tpu.memory_space<hbm>>
    tpu.enqueue_dma source(%dma_start3A_7 : memref<250x80xi32, #tpu.memory_space<hbm>>) target(%arg6 : memref<250x80xi32, #tpu.memory_space<vmem>>) target_semaphore(%arg15 : memref<!tpu.dma_semaphore, #tpu.memory_space<semaphore_mem>>)
    %dma_start3A_8 = arith.constant 0 : i32
    %dma_start3A_9 = arith.constant 0 : i32
    %dma_start3A_10 = tpu.memref_slice %arg4[%arg1, %dma_start3A_8, %dma_start3A_9] : memref<16x250x80xi32, #tpu.memory_space<hbm>> -> memref<1x250x80xi32, #tpu.memory_space<hbm>>
    %dma_start3A_11 = tpu.memref_squeeze %dma_start3A_10 : memref<1x250x80xi32, #tpu.memory_space<hbm>> -> memref<250x80xi32, #tpu.memory_space<hbm>>
    %dma_start3A_12 = arith.constant 0 : i32
    %dma_start3A_13 = arith.constant 0 : i32
    %dma_start3A_14 = tpu.memref_slice %arg4[%arg1, %dma_start3A_12, %dma_start3A_13] : memref<16x250x80xi32, #tpu.memory_space<hbm>> -> memref<1x250x80xi32, #tpu.memory_space<hbm>>
    %dma_start3A_15 = tpu.memref_squeeze %dma_start3A_14 : memref<1x250x80xi32, #tpu.memory_space<hbm>> -> memref<250x80xi32, #tpu.memory_space<hbm>>
    tpu.enqueue_dma source(%dma_start3A_15 : memref<250x80xi32, #tpu.memory_space<hbm>>) target(%arg7 : memref<250x80xi32, #tpu.memory_space<vmem>>) target_semaphore(%arg16 : memref<!tpu.dma_semaphore, #tpu.memory_space<semaphore_mem>>)
    %scan3A = arith.constant 0 : i32
    %scan3A_16 = arith.constant 128 : i32
    %scan3A_17 = arith.addi %scan3A, %scan3A_16 : i32
    %scan3A_18 = arith.constant 1 : i32
    scf.for %scan3A_87 = %scan3A to %scan3A_17 step %scan3A_18  : i32 {
      %mul3A_88 = arith.constant 1 : i32
      %mul3A_89 = arith.muli %scan3A_87, %mul3A_88 : i32
      %add3A_90 = arith.constant 0 : i32
      %add3A_91 = arith.addi %add3A_90, %mul3A_89 : i32
      %scan3A_92 = arith.constant 0 : i32
      %scan3A_93 = arith.constant 4 : i32
      %scan3A_94 = arith.addi %scan3A_92, %scan3A_93 : i32
      %scan3A_95 = arith.constant 1 : i32
      scf.for %scan3A_97 = %scan3A_92 to %scan3A_94 step %scan3A_95  : i32 {
        %mul3A_98 = arith.constant 16 : i32
        %mul3A_99 = arith.muli %scan3A_97, %mul3A_98 : i32
        %add3A_100 = arith.constant 0 : i32
        %add3A_101 = arith.addi %add3A_100, %mul3A_99 : i32
        %broadcast_in_dim3A = arith.constant 0.000000e+00 : f32
        %broadcast_in_dim3A_102 = vector.broadcast %broadcast_in_dim3A : f32 to vector<16xf32>
        %swap3A = arith.index_cast %add3A_91 : i32 to index
        %swap3A_103 = arith.index_cast %add3A_101 : i32 to index
        %swap3A_104 = tpu.vector_load %arg13[%swap3A, %swap3A_103] {strides = array<i32>} : memref<128x64xf32, #tpu.memory_space<vmem>>, vector<1x16xf32>,
        %swap3A_105 = vector.shape_cast %swap3A_104 : vector<1x16xf32> to vector<16xf32>
        %swap3A_106 = vector.shape_cast %broadcast_in_dim3A_102 : vector<16xf32> to vector<1x16xf32>
        tpu.vector_store %arg13[%swap3A, %swap3A_103], %swap3A_106 {strides = array<i32>} : memref<128x64xf32, #tpu.memory_space<vmem>>, vector<1x16xf32>,
      }
      %scan3A_96 = arith.constant 4 : i32
    }
    %scan3A_19 = arith.constant 128 : i32
    %scan3A_20 = arith.constant 0 : i32
    %scan3A_21 = arith.constant 5 : i32
    %scan3A_22 = arith.addi %scan3A_20, %scan3A_21 : i32
    %scan3A_23 = arith.constant 1 : i32
    scf.for %scan3A_87 = %scan3A_20 to %scan3A_22 step %scan3A_23  : i32 {
      %mul3A_88 = arith.constant 128 : i32
      %mul3A_89 = arith.muli %scan3A_87, %mul3A_88 : i32
      %add3A_90 = arith.constant 0 : i32
      %add3A_91 = arith.addi %add3A_90, %mul3A_89 : i32
      %mul3A_92 = arith.constant 640 : i32
      %mul3A_93 = arith.muli %arg1, %mul3A_92 : i32
      %add3A_94 = arith.addi %mul3A_93, %add3A_91 : i32
      "tpu.region"() ({
        %run_scoped3A = tpu.sem_alloc : memref<!tpu.dma_semaphore, #tpu.memory_space<semaphore_mem>>
        %dma_start3A_95 = arith.constant 0 : i32
        %dma_start3A_96 = tpu.memref_slice %arg14[%add3A_94, %dma_start3A_95] : memref<10240x64xf32, #tpu.memory_space<vmem_shared>> -> memref<128x64xf32, #tpu.memory_space<vmem_shared>>
        %dma_start3A_97 = arith.constant 0 : i32
        %dma_start3A_98 = tpu.memref_slice %arg14[%add3A_94, %dma_start3A_97] : memref<10240x64xf32, #tpu.memory_space<vmem_shared>> -> memref<128x64xf32, #tpu.memory_space<vmem_shared>>
        tpu.enqueue_dma source(%arg13 : memref<128x64xf32, #tpu.memory_space<vmem>>) target(%dma_start3A_98 : memref<128x64xf32, #tpu.memory_space<vmem_shared>>) target_semaphore(%run_scoped3A : memref<!tpu.dma_semaphore, #tpu.memory_space<semaphore_mem>>)
        %dma_wait3A_99 = arith.constant 0 : i32
        %dma_wait3A_100 = tpu.memref_slice %arg14[%add3A_94, %dma_wait3A_99] : memref<10240x64xf32, #tpu.memory_space<vmem_shared>> -> memref<128x64xf32, #tpu.memory_space<vmem_shared>>
        %dma_wait3A_101 = arith.constant 0 : i32
        %dma_wait3A_102 = tpu.memref_slice %arg14[%add3A_94, %dma_wait3A_101] : memref<10240x64xf32, #tpu.memory_space<vmem_shared>> -> memref<128x64xf32, #tpu.memory_space<vmem_shared>>
        tpu.wait_dma2 semaphore(%run_scoped3A : memref<!tpu.dma_semaphore, #tpu.memory_space<semaphore_mem>>) src(%arg13 : memref<128x64xf32, #tpu.memory_space<vmem>>) dst(%dma_wait3A_102 : memref<128x64xf32, #tpu.memory_space<vmem_shared>>)
        tpu.yield
      }) : () -> ()
    }
    %scan3A_24 = arith.constant 5 : i32
    %dma_wait3A = arith.constant 0 : i32
    %dma_wait3A_25 = arith.constant 0 : i32
    %dma_wait3A_26 = tpu.memref_slice %arg3[%add3A, %dma_wait3A, %dma_wait3A_25] : memref<32x250x80xi32, #tpu.memory_space<hbm>> -> memref<1x250x80xi32, #tpu.memory_space<hbm>>
    %dma_wait3A_27 = tpu.memref_squeeze %dma_wait3A_26 : memref<1x250x80xi32, #tpu.memory_space<hbm>> -> memref<250x80xi32, #tpu.memory_space<hbm>>
    %dma_wait3A_28 = arith.constant 0 : i32
    %dma_wait3A_29 = arith.constant 0 : i32
    %dma_wait3A_30 = tpu.memref_slice %arg3[%add3A, %dma_wait3A_28, %dma_wait3A_29] : memref<32x250x80xi32, #tpu.memory_space<hbm>> -> memref<1x250x80xi32, #tpu.memory_space<hbm>>
    %dma_wait3A_31 = tpu.memref_squeeze %dma_wait3A_30 : memref<1x250x80xi32, #tpu.memory_space<hbm>> -> memref<250x80xi32, #tpu.memory_space<hbm>>
    tpu.wait_dma2 semaphore(%arg15 : memref<!tpu.dma_semaphore, #tpu.memory_space<semaphore_mem>>) src(%dma_wait3A_31 : memref<250x80xi32, #tpu.memory_space<hbm>>) dst(%arg6 : memref<250x80xi32, #tpu.memory_space<vmem>>)
    %dma_wait3A_32 = arith.constant 0 : i32
    %dma_wait3A_33 = arith.constant 0 : i32
    %dma_wait3A_34 = tpu.memref_slice %arg4[%arg1, %dma_wait3A_32, %dma_wait3A_33] : memref<16x250x80xi32, #tpu.memory_space<hbm>> -> memref<1x250x80xi32, #tpu.memory_space<hbm>>
    %dma_wait3A_35 = tpu.memref_squeeze %dma_wait3A_34 : memref<1x250x80xi32, #tpu.memory_space<hbm>> -> memref<250x80xi32, #tpu.memory_space<hbm>>
    %dma_wait3A_36 = arith.constant 0 : i32
    %dma_wait3A_37 = arith.constant 0 : i32
    %dma_wait3A_38 = tpu.memref_slice %arg4[%arg1, %dma_wait3A_36, %dma_wait3A_37] : memref<16x250x80xi32, #tpu.memory_space<hbm>> -> memref<1x250x80xi32, #tpu.memory_space<hbm>>
    %dma_wait3A_39 = tpu.memref_squeeze %dma_wait3A_38 : memref<1x250x80xi32, #tpu.memory_space<hbm>> -> memref<250x80xi32, #tpu.memory_space<hbm>>
    tpu.wait_dma2 semaphore(%arg16 : memref<!tpu.dma_semaphore, #tpu.memory_space<semaphore_mem>>) src(%dma_wait3A_39 : memref<250x80xi32, #tpu.memory_space<hbm>>) dst(%arg7 : memref<250x80xi32, #tpu.memory_space<vmem>>)
    %barrier3A = arith.constant 0 : index
    tpu.barrier barrier_id(%barrier3A)
    %dma_start3A_40 = arith.constant 0 : i32
    %dma_start3A_41 = arith.constant 0 : i32
    %dma_start3A_42 = tpu.memref_slice %arg6[%dma_start3A_40, %dma_start3A_41] : memref<250x80xi32, #tpu.memory_space<vmem>> -> memref<1x80xi32, #tpu.memory_space<vmem>>
    %dma_start3A_43 = tpu.memref_squeeze %dma_start3A_42 : memref<1x80xi32, #tpu.memory_space<vmem>> -> memref<80xi32, #tpu.memory_space<vmem>>
    %dma_start3A_44 = arith.constant 0 : i32
    %dma_start3A_45 = arith.constant 0 : i32
    %dma_start3A_46 = tpu.memref_slice %arg2[%dma_start3A_44, %dma_start3A_45] : memref<20000x64xf32, #tpu.memory_space<hbm>> -> memref<20000x64xf32, #tpu.memory_space<hbm>>
    tpu.enqueue_indirect_dma source(%dma_start3A_46 : memref<20000x64xf32, #tpu.memory_space<hbm>>) target(%arg8 : memref<80x64xf32, #tpu.memory_space<vmem>>) offsets(%dma_start3A_43 : memref<80xi32, #tpu.memory_space<vmem>>) semaphore(%arg17 : memref<!tpu.dma_semaphore, #tpu.memory_space<semaphore_mem>>)
    %dma_start3A_47 = arith.constant 1 : i32
    %dma_start3A_48 = arith.constant 0 : i32
    %dma_start3A_49 = tpu.memref_slice %arg6[%dma_start3A_47, %dma_start3A_48] : memref<250x80xi32, #tpu.memory_space<vmem>> -> memref<1x80xi32, #tpu.memory_space<vmem>>
    %dma_start3A_50 = tpu.memref_squeeze %dma_start3A_49 : memref<1x80xi32, #tpu.memory_space<vmem>> -> memref<80xi32, #tpu.memory_space<vmem>>
    %dma_start3A_51 = arith.constant 0 : i32
    %dma_start3A_52 = arith.constant 0 : i32
    %dma_start3A_53 = tpu.memref_slice %arg2[%dma_start3A_51, %dma_start3A_52] : memref<20000x64xf32, #tpu.memory_space<hbm>> -> memref<20000x64xf32, #tpu.memory_space<hbm>>
    tpu.enqueue_indirect_dma source(%dma_start3A_53 : memref<20000x64xf32, #tpu.memory_space<hbm>>) target(%arg9 : memref<80x64xf32, #tpu.memory_space<vmem>>) offsets(%dma_start3A_50 : memref<80xi32, #tpu.memory_space<vmem>>) semaphore(%arg18 : memref<!tpu.dma_semaphore, #tpu.memory_space<semaphore_mem>>)
    %dma_start3A_54 = arith.constant 2 : i32
    %dma_start3A_55 = arith.constant 0 : i32
    %dma_start3A_56 = tpu.memref_slice %arg6[%dma_start3A_54, %dma_start3A_55] : memref<250x80xi32, #tpu.memory_space<vmem>> -> memref<1x80xi32, #tpu.memory_space<vmem>>
    %dma_start3A_57 = tpu.memref_squeeze %dma_start3A_56 : memref<1x80xi32, #tpu.memory_space<vmem>> -> memref<80xi32, #tpu.memory_space<vmem>>
    %dma_start3A_58 = arith.constant 0 : i32
    %dma_start3A_59 = arith.constant 0 : i32
    %dma_start3A_60 = tpu.memref_slice %arg2[%dma_start3A_58, %dma_start3A_59] : memref<20000x64xf32, #tpu.memory_space<hbm>> -> memref<20000x64xf32, #tpu.memory_space<hbm>>
    tpu.enqueue_indirect_dma source(%dma_start3A_60 : memref<20000x64xf32, #tpu.memory_space<hbm>>) target(%arg10 : memref<80x64xf32, #tpu.memory_space<vmem>>) offsets(%dma_start3A_57 : memref<80xi32, #tpu.memory_space<vmem>>) semaphore(%arg19 : memref<!tpu.dma_semaphore, #tpu.memory_space<semaphore_mem>>)
    %dma_start3A_61 = arith.constant 3 : i32
    %dma_start3A_62 = arith.constant 0 : i32
    %dma_start3A_63 = tpu.memref_slice %arg6[%dma_start3A_61, %dma_start3A_62] : memref<250x80xi32, #tpu.memory_space<vmem>> -> memref<1x80xi32, #tpu.memory_space<vmem>>
    %dma_start3A_64 = tpu.memref_squeeze %dma_start3A_63 : memref<1x80xi32, #tpu.memory_space<vmem>> -> memref<80xi32, #tpu.memory_space<vmem>>
    %dma_start3A_65 = arith.constant 0 : i32
    %dma_start3A_66 = arith.constant 0 : i32
    %dma_start3A_67 = tpu.memref_slice %arg2[%dma_start3A_65, %dma_start3A_66] : memref<20000x64xf32, #tpu.memory_space<hbm>> -> memref<20000x64xf32, #tpu.memory_space<hbm>>
    tpu.enqueue_indirect_dma source(%dma_start3A_67 : memref<20000x64xf32, #tpu.memory_space<hbm>>) target(%arg11 : memref<80x64xf32, #tpu.memory_space<vmem>>) offsets(%dma_start3A_64 : memref<80xi32, #tpu.memory_space<vmem>>) semaphore(%arg20 : memref<!tpu.dma_semaphore, #tpu.memory_space<semaphore_mem>>)
    %dma_start3A_68 = arith.constant 4 : i32
    %dma_start3A_69 = arith.constant 0 : i32
    %dma_start3A_70 = tpu.memref_slice %arg6[%dma_start3A_68, %dma_start3A_69] : memref<250x80xi32, #tpu.memory_space<vmem>> -> memref<1x80xi32, #tpu.memory_space<vmem>>
    %dma_start3A_71 = tpu.memref_squeeze %dma_start3A_70 : memref<1x80xi32, #tpu.memory_space<vmem>> -> memref<80xi32, #tpu.memory_space<vmem>>
    %dma_start3A_72 = arith.constant 0 : i32
    %dma_start3A_73 = arith.constant 0 : i32
    %dma_start3A_74 = tpu.memref_slice %arg2[%dma_start3A_72, %dma_start3A_73] : memref<20000x64xf32, #tpu.memory_space<hbm>> -> memref<20000x64xf32, #tpu.memory_space<hbm>>
    tpu.enqueue_indirect_dma source(%dma_start3A_74 : memref<20000x64xf32, #tpu.memory_space<hbm>>) target(%arg12 : memref<80x64xf32, #tpu.memory_space<vmem>>) offsets(%dma_start3A_71 : memref<80xi32, #tpu.memory_space<vmem>>) semaphore(%arg21 : memref<!tpu.dma_semaphore, #tpu.memory_space<semaphore_mem>>)
    %scan3A_75 = arith.constant 0 : i32
    %scan3A_76 = arith.constant 50 : i32
    %scan3A_77 = arith.addi %scan3A_75, %scan3A_76 : i32
    %scan3A_78 = arith.constant 1 : i32
    scf.for %scan3A_87 = %scan3A_75 to %scan3A_77 step %scan3A_78  : i32 {
      %mul3A_88 = arith.constant 5 : i32
      %mul3A_89 = arith.muli %scan3A_87, %mul3A_88 : i32
      %add3A_90 = arith.constant 0 : i32
      %add3A_91 = arith.addi %add3A_90, %mul3A_89 : i32
      %add3A_92 = arith.constant 0 : i32
      %add3A_93 = arith.addi %add3A_91, %add3A_92 : i32
      %dma_wait3A_94 = arith.constant 0 : i32
      %dma_wait3A_95 = tpu.memref_slice %arg6[%add3A_93, %dma_wait3A_94] : memref<250x80xi32, #tpu.memory_space<vmem>> -> memref<1x80xi32, #tpu.memory_space<vmem>>
      %dma_wait3A_96 = tpu.memref_squeeze %dma_wait3A_95 : memref<1x80xi32, #tpu.memory_space<vmem>> -> memref<80xi32, #tpu.memory_space<vmem>>
      %dma_wait3A_97 = arith.constant 0 : i32
      %dma_wait3A_98 = arith.constant 0 : i32
      %dma_wait3A_99 = tpu.memref_slice %arg2[%dma_wait3A_97, %dma_wait3A_98] : memref<20000x64xf32, #tpu.memory_space<hbm>> -> memref<20000x64xf32, #tpu.memory_space<hbm>>
      tpu.wait_indirect_dma semaphore(%arg17 : memref<!tpu.dma_semaphore, #tpu.memory_space<semaphore_mem>>) src(%dma_wait3A_99 : memref<20000x64xf32, #tpu.memory_space<hbm>>) dst(%arg8 : memref<80x64xf32, #tpu.memory_space<vmem>>)
      "tpu.region"() ({
        %run_scoped3A = tpu.sem_alloc : memref<!tpu.dma_semaphore, #tpu.memory_space<semaphore_mem>>
        %dma_start3A_164 = arith.constant 0 : i32
        %dma_start3A_165 = tpu.memref_slice %arg7[%add3A_93, %dma_start3A_164] : memref<250x80xi32, #tpu.memory_space<vmem>> -> memref<1x80xi32, #tpu.memory_space<vmem>>
        %dma_start3A_166 = tpu.memref_squeeze %dma_start3A_165 : memref<1x80xi32, #tpu.memory_space<vmem>> -> memref<80xi32, #tpu.memory_space<vmem>>
        %dma_start3A_167 = arith.constant 0 : i32
        %dma_start3A_168 = arith.constant 0 : i32
        %dma_start3A_169 = tpu.memref_slice %arg14[%dma_start3A_167, %dma_start3A_168] : memref<10240x64xf32, #tpu.memory_space<vmem_shared>> -> memref<10240x64xf32, #tpu.memory_space<vmem_shared>>
        tpu.enqueue_indirect_dma source(%arg8 : memref<80x64xf32, #tpu.memory_space<vmem>>) target(%dma_start3A_169 : memref<10240x64xf32, #tpu.memory_space<vmem_shared>>) offsets(%dma_start3A_166 : memref<80xi32, #tpu.memory_space<vmem>>) semaphore(%run_scoped3A : memref<!tpu.dma_semaphore, #tpu.memory_space<semaphore_mem>>) {add = true}
        %dma_wait3A_170 = arith.constant 0 : i32
        %dma_wait3A_171 = tpu.memref_slice %arg7[%add3A_93, %dma_wait3A_170] : memref<250x80xi32, #tpu.memory_space<vmem>> -> memref<1x80xi32, #tpu.memory_space<vmem>>
        %dma_wait3A_172 = tpu.memref_squeeze %dma_wait3A_171 : memref<1x80xi32, #tpu.memory_space<vmem>> -> memref<80xi32, #tpu.memory_space<vmem>>
        %dma_wait3A_173 = arith.constant 0 : i32
        %dma_wait3A_174 = arith.constant 0 : i32
        %dma_wait3A_175 = tpu.memref_slice %arg14[%dma_wait3A_173, %dma_wait3A_174] : memref<10240x64xf32, #tpu.memory_space<vmem_shared>> -> memref<10240x64xf32, #tpu.memory_space<vmem_shared>>
        tpu.wait_indirect_dma semaphore(%run_scoped3A : memref<!tpu.dma_semaphore, #tpu.memory_space<semaphore_mem>>) src(%arg8 : memref<80x64xf32, #tpu.memory_space<vmem>>) dst(%dma_wait3A_175 : memref<10240x64xf32, #tpu.memory_space<vmem_shared>>)
        tpu.yield
      }) : () -> ()
      %add3A_100 = arith.constant 5 : i32
      %add3A_101 = arith.addi %add3A_93, %add3A_100 : i32
      %lt3A = arith.constant 250 : i32
      %lt3A_102 = arith.cmpi slt, %add3A_101, %lt3A : i32
      %convert_element_type3A = arith.extui %lt3A_102 : i1 to i32
      %cond3A = arith.constant 0 : i32
      %cond3A_103 = arith.cmpi ne, %convert_element_type3A, %cond3A : i32
      scf.if %cond3A_103 {
        %add3A_164 = arith.constant 5 : i32
        %add3A_165 = arith.addi %add3A_93, %add3A_164 : i32
        %dma_start3A_166 = arith.constant 0 : i32
        %dma_start3A_167 = tpu.memref_slice %arg6[%add3A_165, %dma_start3A_166] : memref<250x80xi32, #tpu.memory_space<vmem>> -> memref<1x80xi32, #tpu.memory_space<vmem>>
        %dma_start3A_168 = tpu.memref_squeeze %dma_start3A_167 : memref<1x80xi32, #tpu.memory_space<vmem>> -> memref<80xi32, #tpu.memory_space<vmem>>
        %dma_start3A_169 = arith.constant 0 : i32
        %dma_start3A_170 = arith.constant 0 : i32
        %dma_start3A_171 = tpu.memref_slice %arg2[%dma_start3A_169, %dma_start3A_170] : memref<20000x64xf32, #tpu.memory_space<hbm>> -> memref<20000x64xf32, #tpu.memory_space<hbm>>
        tpu.enqueue_indirect_dma source(%dma_start3A_171 : memref<20000x64xf32, #tpu.memory_space<hbm>>) target(%arg8 : memref<80x64xf32, #tpu.memory_space<vmem>>) offsets(%dma_start3A_168 : memref<80xi32, #tpu.memory_space<vmem>>) semaphore(%arg17 : memref<!tpu.dma_semaphore, #tpu.memory_space<semaphore_mem>>)
      } else {
      }
      %add3A_104 = arith.constant 1 : i32
      %add3A_105 = arith.addi %add3A_91, %add3A_104 : i32
      %dma_wait3A_106 = arith.constant 0 : i32
      %dma_wait3A_107 = tpu.memref_slice %arg6[%add3A_105, %dma_wait3A_106] : memref<250x80xi32, #tpu.memory_space<vmem>> -> memref<1x80xi32, #tpu.memory_space<vmem>>
      %dma_wait3A_108 = tpu.memref_squeeze %dma_wait3A_107 : memref<1x80xi32, #tpu.memory_space<vmem>> -> memref<80xi32, #tpu.memory_space<vmem>>
      %dma_wait3A_109 = arith.constant 0 : i32
      %dma_wait3A_110 = arith.constant 0 : i32
      %dma_wait3A_111 = tpu.memref_slice %arg2[%dma_wait3A_109, %dma_wait3A_110] : memref<20000x64xf32, #tpu.memory_space<hbm>> -> memref<20000x64xf32, #tpu.memory_space<hbm>>
      tpu.wait_indirect_dma semaphore(%arg18 : memref<!tpu.dma_semaphore, #tpu.memory_space<semaphore_mem>>) src(%dma_wait3A_111 : memref<20000x64xf32, #tpu.memory_space<hbm>>) dst(%arg9 : memref<80x64xf32, #tpu.memory_space<vmem>>)
      "tpu.region"() ({
        %run_scoped3A = tpu.sem_alloc : memref<!tpu.dma_semaphore, #tpu.memory_space<semaphore_mem>>
        %dma_start3A_164 = arith.constant 0 : i32
        %dma_start3A_165 = tpu.memref_slice %arg7[%add3A_105, %dma_start3A_164] : memref<250x80xi32, #tpu.memory_space<vmem>> -> memref<1x80xi32, #tpu.memory_space<vmem>>
        %dma_start3A_166 = tpu.memref_squeeze %dma_start3A_165 : memref<1x80xi32, #tpu.memory_space<vmem>> -> memref<80xi32, #tpu.memory_space<vmem>>
        %dma_start3A_167 = arith.constant 0 : i32
        %dma_start3A_168 = arith.constant 0 : i32
        %dma_start3A_169 = tpu.memref_slice %arg14[%dma_start3A_167, %dma_start3A_168] : memref<10240x64xf32, #tpu.memory_space<vmem_shared>> -> memref<10240x64xf32, #tpu.memory_space<vmem_shared>>
        tpu.enqueue_indirect_dma source(%arg9 : memref<80x64xf32, #tpu.memory_space<vmem>>) target(%dma_start3A_169 : memref<10240x64xf32, #tpu.memory_space<vmem_shared>>) offsets(%dma_start3A_166 : memref<80xi32, #tpu.memory_space<vmem>>) semaphore(%run_scoped3A : memref<!tpu.dma_semaphore, #tpu.memory_space<semaphore_mem>>) {add = true}
        %dma_wait3A_170 = arith.constant 0 : i32
        %dma_wait3A_171 = tpu.memref_slice %arg7[%add3A_105, %dma_wait3A_170] : memref<250x80xi32, #tpu.memory_space<vmem>> -> memref<1x80xi32, #tpu.memory_space<vmem>>
        %dma_wait3A_172 = tpu.memref_squeeze %dma_wait3A_171 : memref<1x80xi32, #tpu.memory_space<vmem>> -> memref<80xi32, #tpu.memory_space<vmem>>
        %dma_wait3A_173 = arith.constant 0 : i32
        %dma_wait3A_174 = arith.constant 0 : i32
        %dma_wait3A_175 = tpu.memref_slice %arg14[%dma_wait3A_173, %dma_wait3A_174] : memref<10240x64xf32, #tpu.memory_space<vmem_shared>> -> memref<10240x64xf32, #tpu.memory_space<vmem_shared>>
        tpu.wait_indirect_dma semaphore(%run_scoped3A : memref<!tpu.dma_semaphore, #tpu.memory_space<semaphore_mem>>) src(%arg9 : memref<80x64xf32, #tpu.memory_space<vmem>>) dst(%dma_wait3A_175 : memref<10240x64xf32, #tpu.memory_space<vmem_shared>>)
        tpu.yield
      }) : () -> ()
      %add3A_112 = arith.constant 5 : i32
      %add3A_113 = arith.addi %add3A_105, %add3A_112 : i32
      %lt3A_114 = arith.constant 250 : i32
      %lt3A_115 = arith.cmpi slt, %add3A_113, %lt3A_114 : i32
      %convert_element_type3A_116 = arith.extui %lt3A_115 : i1 to i32
      %cond3A_117 = arith.constant 0 : i32
      %cond3A_118 = arith.cmpi ne, %convert_element_type3A_116, %cond3A_117 : i32
      scf.if %cond3A_118 {
        %add3A_164 = arith.constant 5 : i32
        %add3A_165 = arith.addi %add3A_105, %add3A_164 : i32
        %dma_start3A_166 = arith.constant 0 : i32
        %dma_start3A_167 = tpu.memref_slice %arg6[%add3A_165, %dma_start3A_166] : memref<250x80xi32, #tpu.memory_space<vmem>> -> memref<1x80xi32, #tpu.memory_space<vmem>>
        %dma_start3A_168 = tpu.memref_squeeze %dma_start3A_167 : memref<1x80xi32, #tpu.memory_space<vmem>> -> memref<80xi32, #tpu.memory_space<vmem>>
        %dma_start3A_169 = arith.constant 0 : i32
        %dma_start3A_170 = arith.constant 0 : i32
        %dma_start3A_171 = tpu.memref_slice %arg2[%dma_start3A_169, %dma_start3A_170] : memref<20000x64xf32, #tpu.memory_space<hbm>> -> memref<20000x64xf32, #tpu.memory_space<hbm>>
        tpu.enqueue_indirect_dma source(%dma_start3A_171 : memref<20000x64xf32, #tpu.memory_space<hbm>>) target(%arg9 : memref<80x64xf32, #tpu.memory_space<vmem>>) offsets(%dma_start3A_168 : memref<80xi32, #tpu.memory_space<vmem>>) semaphore(%arg18 : memref<!tpu.dma_semaphore, #tpu.memory_space<semaphore_mem>>)
      } else {
      }
      %add3A_119 = arith.constant 2 : i32
      %add3A_120 = arith.addi %add3A_91, %add3A_119 : i32
      %dma_wait3A_121 = arith.constant 0 : i32
      %dma_wait3A_122 = tpu.memref_slice %arg6[%add3A_120, %dma_wait3A_121] : memref<250x80xi32, #tpu.memory_space<vmem>> -> memref<1x80xi32, #tpu.memory_space<vmem>>
      %dma_wait3A_123 = tpu.memref_squeeze %dma_wait3A_122 : memref<1x80xi32, #tpu.memory_space<vmem>> -> memref<80xi32, #tpu.memory_space<vmem>>
      %dma_wait3A_124 = arith.constant 0 : i32
      %dma_wait3A_125 = arith.constant 0 : i32
      %dma_wait3A_126 = tpu.memref_slice %arg2[%dma_wait3A_124, %dma_wait3A_125] : memref<20000x64xf32, #tpu.memory_space<hbm>> -> memref<20000x64xf32, #tpu.memory_space<hbm>>
      tpu.wait_indirect_dma semaphore(%arg19 : memref<!tpu.dma_semaphore, #tpu.memory_space<semaphore_mem>>) src(%dma_wait3A_126 : memref<20000x64xf32, #tpu.memory_space<hbm>>) dst(%arg10 : memref<80x64xf32, #tpu.memory_space<vmem>>)
      "tpu.region"() ({
        %run_scoped3A = tpu.sem_alloc : memref<!tpu.dma_semaphore, #tpu.memory_space<semaphore_mem>>
        %dma_start3A_164 = arith.constant 0 : i32
        %dma_start3A_165 = tpu.memref_slice %arg7[%add3A_120, %dma_start3A_164] : memref<250x80xi32, #tpu.memory_space<vmem>> -> memref<1x80xi32, #tpu.memory_space<vmem>>
        %dma_start3A_166 = tpu.memref_squeeze %dma_start3A_165 : memref<1x80xi32, #tpu.memory_space<vmem>> -> memref<80xi32, #tpu.memory_space<vmem>>
        %dma_start3A_167 = arith.constant 0 : i32
        %dma_start3A_168 = arith.constant 0 : i32
        %dma_start3A_169 = tpu.memref_slice %arg14[%dma_start3A_167, %dma_start3A_168] : memref<10240x64xf32, #tpu.memory_space<vmem_shared>> -> memref<10240x64xf32, #tpu.memory_space<vmem_shared>>
        tpu.enqueue_indirect_dma source(%arg10 : memref<80x64xf32, #tpu.memory_space<vmem>>) target(%dma_start3A_169 : memref<10240x64xf32, #tpu.memory_space<vmem_shared>>) offsets(%dma_start3A_166 : memref<80xi32, #tpu.memory_space<vmem>>) semaphore(%run_scoped3A : memref<!tpu.dma_semaphore, #tpu.memory_space<semaphore_mem>>) {add = true}
        %dma_wait3A_170 = arith.constant 0 : i32
        %dma_wait3A_171 = tpu.memref_slice %arg7[%add3A_120, %dma_wait3A_170] : memref<250x80xi32, #tpu.memory_space<vmem>> -> memref<1x80xi32, #tpu.memory_space<vmem>>
        %dma_wait3A_172 = tpu.memref_squeeze %dma_wait3A_171 : memref<1x80xi32, #tpu.memory_space<vmem>> -> memref<80xi32, #tpu.memory_space<vmem>>
        %dma_wait3A_173 = arith.constant 0 : i32
        %dma_wait3A_174 = arith.constant 0 : i32
        %dma_wait3A_175 = tpu.memref_slice %arg14[%dma_wait3A_173, %dma_wait3A_174] : memref<10240x64xf32, #tpu.memory_space<vmem_shared>> -> memref<10240x64xf32, #tpu.memory_space<vmem_shared>>
        tpu.wait_indirect_dma semaphore(%run_scoped3A : memref<!tpu.dma_semaphore, #tpu.memory_space<semaphore_mem>>) src(%arg10 : memref<80x64xf32, #tpu.memory_space<vmem>>) dst(%dma_wait3A_175 : memref<10240x64xf32, #tpu.memory_space<vmem_shared>>)
        tpu.yield
      }) : () -> ()
      %add3A_127 = arith.constant 5 : i32
      %add3A_128 = arith.addi %add3A_120, %add3A_127 : i32
      %lt3A_129 = arith.constant 250 : i32
      %lt3A_130 = arith.cmpi slt, %add3A_128, %lt3A_129 : i32
      %convert_element_type3A_131 = arith.extui %lt3A_130 : i1 to i32
      %cond3A_132 = arith.constant 0 : i32
      %cond3A_133 = arith.cmpi ne, %convert_element_type3A_131, %cond3A_132 : i32
      scf.if %cond3A_133 {
        %add3A_164 = arith.constant 5 : i32
        %add3A_165 = arith.addi %add3A_120, %add3A_164 : i32
        %dma_start3A_166 = arith.constant 0 : i32
        %dma_start3A_167 = tpu.memref_slice %arg6[%add3A_165, %dma_start3A_166] : memref<250x80xi32, #tpu.memory_space<vmem>> -> memref<1x80xi32, #tpu.memory_space<vmem>>
        %dma_start3A_168 = tpu.memref_squeeze %dma_start3A_167 : memref<1x80xi32, #tpu.memory_space<vmem>> -> memref<80xi32, #tpu.memory_space<vmem>>
        %dma_start3A_169 = arith.constant 0 : i32
        %dma_start3A_170 = arith.constant 0 : i32
        %dma_start3A_171 = tpu.memref_slice %arg2[%dma_start3A_169, %dma_start3A_170] : memref<20000x64xf32, #tpu.memory_space<hbm>> -> memref<20000x64xf32, #tpu.memory_space<hbm>>
        tpu.enqueue_indirect_dma source(%dma_start3A_171 : memref<20000x64xf32, #tpu.memory_space<hbm>>) target(%arg10 : memref<80x64xf32, #tpu.memory_space<vmem>>) offsets(%dma_start3A_168 : memref<80xi32, #tpu.memory_space<vmem>>) semaphore(%arg19 : memref<!tpu.dma_semaphore, #tpu.memory_space<semaphore_mem>>)
      } else {
      }
      %add3A_134 = arith.constant 3 : i32
      %add3A_135 = arith.addi %add3A_91, %add3A_134 : i32
      %dma_wait3A_136 = arith.constant 0 : i32
      %dma_wait3A_137 = tpu.memref_slice %arg6[%add3A_135, %dma_wait3A_136] : memref<250x80xi32, #tpu.memory_space<vmem>> -> memref<1x80xi32, #tpu.memory_space<vmem>>
      %dma_wait3A_138 = tpu.memref_squeeze %dma_wait3A_137 : memref<1x80xi32, #tpu.memory_space<vmem>> -> memref<80xi32, #tpu.memory_space<vmem>>
      %dma_wait3A_139 = arith.constant 0 : i32
      %dma_wait3A_140 = arith.constant 0 : i32
      %dma_wait3A_141 = tpu.memref_slice %arg2[%dma_wait3A_139, %dma_wait3A_140] : memref<20000x64xf32, #tpu.memory_space<hbm>> -> memref<20000x64xf32, #tpu.memory_space<hbm>>
      tpu.wait_indirect_dma semaphore(%arg20 : memref<!tpu.dma_semaphore, #tpu.memory_space<semaphore_mem>>) src(%dma_wait3A_141 : memref<20000x64xf32, #tpu.memory_space<hbm>>) dst(%arg11 : memref<80x64xf32, #tpu.memory_space<vmem>>)
      "tpu.region"() ({
        %run_scoped3A = tpu.sem_alloc : memref<!tpu.dma_semaphore, #tpu.memory_space<semaphore_mem>>
        %dma_start3A_164 = arith.constant 0 : i32
        %dma_start3A_165 = tpu.memref_slice %arg7[%add3A_135, %dma_start3A_164] : memref<250x80xi32, #tpu.memory_space<vmem>> -> memref<1x80xi32, #tpu.memory_space<vmem>>
        %dma_start3A_166 = tpu.memref_squeeze %dma_start3A_165 : memref<1x80xi32, #tpu.memory_space<vmem>> -> memref<80xi32, #tpu.memory_space<vmem>>
        %dma_start3A_167 = arith.constant 0 : i32
        %dma_start3A_168 = arith.constant 0 : i32
        %dma_start3A_169 = tpu.memref_slice %arg14[%dma_start3A_167, %dma_start3A_168] : memref<10240x64xf32, #tpu.memory_space<vmem_shared>> -> memref<10240x64xf32, #tpu.memory_space<vmem_shared>>
        tpu.enqueue_indirect_dma source(%arg11 : memref<80x64xf32, #tpu.memory_space<vmem>>) target(%dma_start3A_169 : memref<10240x64xf32, #tpu.memory_space<vmem_shared>>) offsets(%dma_start3A_166 : memref<80xi32, #tpu.memory_space<vmem>>) semaphore(%run_scoped3A : memref<!tpu.dma_semaphore, #tpu.memory_space<semaphore_mem>>) {add = true}
        %dma_wait3A_170 = arith.constant 0 : i32
        %dma_wait3A_171 = tpu.memref_slice %arg7[%add3A_135, %dma_wait3A_170] : memref<250x80xi32, #tpu.memory_space<vmem>> -> memref<1x80xi32, #tpu.memory_space<vmem>>
        %dma_wait3A_172 = tpu.memref_squeeze %dma_wait3A_171 : memref<1x80xi32, #tpu.memory_space<vmem>> -> memref<80xi32, #tpu.memory_space<vmem>>
        %dma_wait3A_173 = arith.constant 0 : i32
        %dma_wait3A_174 = arith.constant 0 : i32
        %dma_wait3A_175 = tpu.memref_slice %arg14[%dma_wait3A_173, %dma_wait3A_174] : memref<10240x64xf32, #tpu.memory_space<vmem_shared>> -> memref<10240x64xf32, #tpu.memory_space<vmem_shared>>
        tpu.wait_indirect_dma semaphore(%run_scoped3A : memref<!tpu.dma_semaphore, #tpu.memory_space<semaphore_mem>>) src(%arg11 : memref<80x64xf32, #tpu.memory_space<vmem>>) dst(%dma_wait3A_175 : memref<10240x64xf32, #tpu.memory_space<vmem_shared>>)
        tpu.yield
      }) : () -> ()
      %add3A_142 = arith.constant 5 : i32
      %add3A_143 = arith.addi %add3A_135, %add3A_142 : i32
      %lt3A_144 = arith.constant 250 : i32
      %lt3A_145 = arith.cmpi slt, %add3A_143, %lt3A_144 : i32
      %convert_element_type3A_146 = arith.extui %lt3A_145 : i1 to i32
      %cond3A_147 = arith.constant 0 : i32
      %cond3A_148 = arith.cmpi ne, %convert_element_type3A_146, %cond3A_147 : i32
      scf.if %cond3A_148 {
        %add3A_164 = arith.constant 5 : i32
        %add3A_165 = arith.addi %add3A_135, %add3A_164 : i32
        %dma_start3A_166 = arith.constant 0 : i32
        %dma_start3A_167 = tpu.memref_slice %arg6[%add3A_165, %dma_start3A_166] : memref<250x80xi32, #tpu.memory_space<vmem>> -> memref<1x80xi32, #tpu.memory_space<vmem>>
        %dma_start3A_168 = tpu.memref_squeeze %dma_start3A_167 : memref<1x80xi32, #tpu.memory_space<vmem>> -> memref<80xi32, #tpu.memory_space<vmem>>
        %dma_start3A_169 = arith.constant 0 : i32
        %dma_start3A_170 = arith.constant 0 : i32
        %dma_start3A_171 = tpu.memref_slice %arg2[%dma_start3A_169, %dma_start3A_170] : memref<20000x64xf32, #tpu.memory_space<hbm>> -> memref<20000x64xf32, #tpu.memory_space<hbm>>
        tpu.enqueue_indirect_dma source(%dma_start3A_171 : memref<20000x64xf32, #tpu.memory_space<hbm>>) target(%arg11 : memref<80x64xf32, #tpu.memory_space<vmem>>) offsets(%dma_start3A_168 : memref<80xi32, #tpu.memory_space<vmem>>) semaphore(%arg20 : memref<!tpu.dma_semaphore, #tpu.memory_space<semaphore_mem>>)
      } else {
      }
      %add3A_149 = arith.constant 4 : i32
      %add3A_150 = arith.addi %add3A_91, %add3A_149 : i32
      %dma_wait3A_151 = arith.constant 0 : i32
      %dma_wait3A_152 = tpu.memref_slice %arg6[%add3A_150, %dma_wait3A_151] : memref<250x80xi32, #tpu.memory_space<vmem>> -> memref<1x80xi32, #tpu.memory_space<vmem>>
      %dma_wait3A_153 = tpu.memref_squeeze %dma_wait3A_152 : memref<1x80xi32, #tpu.memory_space<vmem>> -> memref<80xi32, #tpu.memory_space<vmem>>
      %dma_wait3A_154 = arith.constant 0 : i32
      %dma_wait3A_155 = arith.constant 0 : i32
      %dma_wait3A_156 = tpu.memref_slice %arg2[%dma_wait3A_154, %dma_wait3A_155] : memref<20000x64xf32, #tpu.memory_space<hbm>> -> memref<20000x64xf32, #tpu.memory_space<hbm>>
      tpu.wait_indirect_dma semaphore(%arg21 : memref<!tpu.dma_semaphore, #tpu.memory_space<semaphore_mem>>) src(%dma_wait3A_156 : memref<20000x64xf32, #tpu.memory_space<hbm>>) dst(%arg12 : memref<80x64xf32, #tpu.memory_space<vmem>>)
      "tpu.region"() ({
        %run_scoped3A = tpu.sem_alloc : memref<!tpu.dma_semaphore, #tpu.memory_space<semaphore_mem>>
        %dma_start3A_164 = arith.constant 0 : i32
        %dma_start3A_165 = tpu.memref_slice %arg7[%add3A_150, %dma_start3A_164] : memref<250x80xi32, #tpu.memory_space<vmem>> -> memref<1x80xi32, #tpu.memory_space<vmem>>
        %dma_start3A_166 = tpu.memref_squeeze %dma_start3A_165 : memref<1x80xi32, #tpu.memory_space<vmem>> -> memref<80xi32, #tpu.memory_space<vmem>>
        %dma_start3A_167 = arith.constant 0 : i32
        %dma_start3A_168 = arith.constant 0 : i32
        %dma_start3A_169 = tpu.memref_slice %arg14[%dma_start3A_167, %dma_start3A_168] : memref<10240x64xf32, #tpu.memory_space<vmem_shared>> -> memref<10240x64xf32, #tpu.memory_space<vmem_shared>>
        tpu.enqueue_indirect_dma source(%arg12 : memref<80x64xf32, #tpu.memory_space<vmem>>) target(%dma_start3A_169 : memref<10240x64xf32, #tpu.memory_space<vmem_shared>>) offsets(%dma_start3A_166 : memref<80xi32, #tpu.memory_space<vmem>>) semaphore(%run_scoped3A : memref<!tpu.dma_semaphore, #tpu.memory_space<semaphore_mem>>) {add = true}
        %dma_wait3A_170 = arith.constant 0 : i32
        %dma_wait3A_171 = tpu.memref_slice %arg7[%add3A_150, %dma_wait3A_170] : memref<250x80xi32, #tpu.memory_space<vmem>> -> memref<1x80xi32, #tpu.memory_space<vmem>>
        %dma_wait3A_172 = tpu.memref_squeeze %dma_wait3A_171 : memref<1x80xi32, #tpu.memory_space<vmem>> -> memref<80xi32, #tpu.memory_space<vmem>>
        %dma_wait3A_173 = arith.constant 0 : i32
        %dma_wait3A_174 = arith.constant 0 : i32
        %dma_wait3A_175 = tpu.memref_slice %arg14[%dma_wait3A_173, %dma_wait3A_174] : memref<10240x64xf32, #tpu.memory_space<vmem_shared>> -> memref<10240x64xf32, #tpu.memory_space<vmem_shared>>
        tpu.wait_indirect_dma semaphore(%run_scoped3A : memref<!tpu.dma_semaphore, #tpu.memory_space<semaphore_mem>>) src(%arg12 : memref<80x64xf32, #tpu.memory_space<vmem>>) dst(%dma_wait3A_175 : memref<10240x64xf32, #tpu.memory_space<vmem_shared>>)
        tpu.yield
      }) : () -> ()
      %add3A_157 = arith.constant 5 : i32
      %add3A_158 = arith.addi %add3A_150, %add3A_157 : i32
      %lt3A_159 = arith.constant 250 : i32
      %lt3A_160 = arith.cmpi slt, %add3A_158, %lt3A_159 : i32
      %convert_element_type3A_161 = arith.extui %lt3A_160 : i1 to i32
      %cond3A_162 = arith.constant 0 : i32
      %cond3A_163 = arith.cmpi ne, %convert_element_type3A_161, %cond3A_162 : i32
      scf.if %cond3A_163 {
        %add3A_164 = arith.constant 5 : i32
        %add3A_165 = arith.addi %add3A_150, %add3A_164 : i32
        %dma_start3A_166 = arith.constant 0 : i32
        %dma_start3A_167 = tpu.memref_slice %arg6[%add3A_165, %dma_start3A_166] : memref<250x80xi32, #tpu.memory_space<vmem>> -> memref<1x80xi32, #tpu.memory_space<vmem>>
        %dma_start3A_168 = tpu.memref_squeeze %dma_start3A_167 : memref<1x80xi32, #tpu.memory_space<vmem>> -> memref<80xi32, #tpu.memory_space<vmem>>
        %dma_start3A_169 = arith.constant 0 : i32
        %dma_start3A_170 = arith.constant 0 : i32
        %dma_start3A_171 = tpu.memref_slice %arg2[%dma_start3A_169, %dma_start3A_170] : memref<20000x64xf32, #tpu.memory_space<hbm>> -> memref<20000x64xf32, #tpu.memory_space<hbm>>
        tpu.enqueue_indirect_dma source(%dma_start3A_171 : memref<20000x64xf32, #tpu.memory_space<hbm>>) target(%arg12 : memref<80x64xf32, #tpu.memory_space<vmem>>) offsets(%dma_start3A_168 : memref<80xi32, #tpu.memory_space<vmem>>) semaphore(%arg21 : memref<!tpu.dma_semaphore, #tpu.memory_space<semaphore_mem>>)
      } else {
      }
    }
    %scan3A_79 = arith.constant 50 : i32
    %barrier3A_80 = arith.constant 0 : index
    tpu.barrier barrier_id(%barrier3A_80)
    %mul3A_81 = arith.constant 640 : i32
    %mul3A_82 = arith.muli %arg1, %mul3A_81 : i32
    %mul3A_83 = arith.constant 640 : i32
    %mul3A_84 = arith.muli %arg1, %mul3A_83 : i32
    %mul3A_85 = arith.constant 64 : i32
    %mul3A_86 = arith.muli %arg0, %mul3A_85 : i32
    "tpu.region"() ({
      %run_scoped3A = tpu.sem_alloc : memref<!tpu.dma_semaphore, #tpu.memory_space<semaphore_mem>>
      %dma_start3A_87 = tpu.memref_slice %arg5[%mul3A_84, %mul3A_86] : memref<10240x128xf32, #tpu.memory_space<hbm>> -> memref<640x64xf32, #tpu.memory_space<hbm>>
      %dma_start3A_88 = arith.constant 0 : i32
      %dma_start3A_89 = tpu.memref_slice %arg14[%mul3A_82, %dma_start3A_88] : memref<10240x64xf32, #tpu.memory_space<vmem_shared>> -> memref<640x64xf32, #tpu.memory_space<vmem_shared>>
      tpu.enqueue_dma source(%dma_start3A_89 : memref<640x64xf32, #tpu.memory_space<vmem_shared>>) target(%dma_start3A_87 : memref<640x64xf32, #tpu.memory_space<hbm>>) target_semaphore(%run_scoped3A : memref<!tpu.dma_semaphore, #tpu.memory_space<semaphore_mem>>)
      %dma_wait3A_90 = tpu.memref_slice %arg5[%mul3A_84, %mul3A_86] : memref<10240x128xf32, #tpu.memory_space<hbm>> -> memref<640x64xf32, #tpu.memory_space<hbm>>
      %dma_wait3A_91 = arith.constant 0 : i32
      %dma_wait3A_92 = tpu.memref_slice %arg14[%mul3A_82, %dma_wait3A_91] : memref<10240x64xf32, #tpu.memory_space<vmem_shared>> -> memref<640x64xf32, #tpu.memory_space<vmem_shared>>
      tpu.wait_dma2 semaphore(%run_scoped3A : memref<!tpu.dma_semaphore, #tpu.memory_space<semaphore_mem>>) src(%dma_wait3A_92 : memref<640x64xf32, #tpu.memory_space<vmem_shared>>) dst(%dma_wait3A_90 : memref<640x64xf32, #tpu.memory_space<hbm>>)
      tpu.yield
    }) : () -> ()
    return
  }
}

module attributes {stable_mosaic.version = 14 : i64} {
  func.func @body(%arg0: i32, %arg1: memref<1024x128xf32, #tpu.memory_space<vmem>>, %arg2: memref<128x128xf32, #tpu.memory_space<vmem>>, %arg3: memref<1x128xf32, #tpu.memory_space<vmem>>, %arg4: memref<1024x128xf32, #tpu.memory_space<vmem>>) attributes {dimension_semantics = [#tpu.dimension_semantics<arbitrary>], iteration_bounds = array<i64: 10>, scalar_prefetch = 0 : i64, scratch_operands = 0 : i64, tpu.core_type = #tpu.core_type<tc>, window_params = [{transform_indices = @transform_0, window_bounds = array<i64: 1024, 128>}, {pipeline_mode = #tpu.pipeline_mode<synchronous>, transform_indices = @transform_1, window_bounds = array<i64: 128, 128>}, {pipeline_mode = #tpu.pipeline_mode<synchronous>, transform_indices = @transform_2, window_bounds = array<i64: 1, 128>}, {transform_indices = @transform_3, window_bounds = array<i64: 1024, 128>}]} {
    %get3A = arith.constant 0 : index
    %get3A_0 = arith.constant 0 : index
    %get3A_1 = vector.load %arg1[%get3A, %get3A_0] : memref<1024x128xf32, #tpu.memory_space<vmem>>, vector<1024x128xf32>
    %get3A_2 = arith.constant 0 : index
    %get3A_3 = arith.constant 0 : index
    %get3A_4 = vector.load %arg2[%get3A_2, %get3A_3] : memref<128x128xf32, #tpu.memory_space<vmem>>, vector<128x128xf32>
    %dot_general3A = arith.constant dense<0.000000e+00> : vector<1024x128xf32>
    %dot_general3A_5 = tpu.matmul %get3A_1, %get3A_4, %dot_general3A {dimension_numbers = #tpu.dot_dimension_numbers<[1], [0], [0], [1], [0, 0, 1, 1], [], []>, transpose_lhs_hint = false} : vector<1024x128xf32>, vector<128x128xf32>, vector<1024x128xf32> -> vector<1024x128xf32>
    %get3A_6 = arith.constant 0 : index
    %get3A_7 = arith.constant 0 : index
    %get3A_8 = vector.load %arg3[%get3A_6, %get3A_7] : memref<1x128xf32, #tpu.memory_space<vmem>>, vector<1x128xf32>
    %add3A = vector.broadcast %get3A_8 : vector<1x128xf32> to vector<1024x128xf32>
    %add3A_9 = arith.addf %dot_general3A_5, %add3A : vector<1024x128xf32>
    %max3A = arith.constant 0.000000e+00 : f32
    %max3A_10 = vector.broadcast %max3A : f32 to vector<1024x128xf32>
    %max3A_11 = arith.maximumf %add3A_9, %max3A_10 : vector<1024x128xf32>
    %swap3A = arith.constant 0 : index
    %swap3A_12 = arith.constant 0 : index
    %swap3A_13 = vector.load %arg4[%swap3A, %swap3A_12] : memref<1024x128xf32, #tpu.memory_space<vmem>>, vector<1024x128xf32>
    tpu.vector_store %arg4[%swap3A, %swap3A_12], %max3A_11 {strides = array<i32>} : memref<1024x128xf32, #tpu.memory_space<vmem>>, vector<1024x128xf32>,
    return
  }
  func.func @transform_0(%arg0: i32) -> (i32, i32) {
    %c0_i32 = arith.constant 0 : i32
    %c0_i32_0 = arith.constant 0 : i32
    return %arg0, %c0_i32 : i32, i32
  }
  func.func @transform_1(%arg0: i32) -> (i32, i32) {
    %c0_i32 = arith.constant 0 : i32
    %c0_i32_0 = arith.constant 0 : i32
    %c0_i32_1 = arith.constant 0 : i32
    return %c0_i32, %c0_i32_0 : i32, i32
  }
  func.func @transform_2(%arg0: i32) -> (i32, i32) {
    %c0_i32 = arith.constant 0 : i32
    %c0_i32_0 = arith.constant 0 : i32
    %c0_i32_1 = arith.constant 0 : i32
    return %c0_i32, %c0_i32_0 : i32, i32
  }
  func.func @transform_3(%arg0: i32) -> (i32, i32) {
    %c0_i32 = arith.constant 0 : i32
    %c0_i32_0 = arith.constant 0 : i32
    return %arg0, %c0_i32 : i32, i32
  }
}

module attributes {stable_mosaic.version = 14 : i64} {
  func.func @body(%arg0: i32, %arg1: memref<1024x128xf32, #tpu.memory_space<vmem>>, %arg2: memref<1024x128xf32, #tpu.memory_space<vmem>>, %arg3: memref<32x1024xf32, #tpu.memory_space<vmem>>, %arg4: memref<128x128xf32, #tpu.memory_space<vmem>>, %arg5: memref<128x128xf32, #tpu.memory_space<vmem>>, %arg6: memref<1x128xf32, #tpu.memory_space<vmem>>, %arg7: memref<1024x128xf32, #tpu.memory_space<vmem>>) attributes {dimension_semantics = [#tpu.dimension_semantics<arbitrary>], iteration_bounds = array<i64: 10>, scalar_prefetch = 0 : i64, scratch_operands = 0 : i64, tpu.core_type = #tpu.core_type<tc>, window_params = [{transform_indices = @transform_0, window_bounds = array<i64: 1024, 128>}, {transform_indices = @transform_1, window_bounds = array<i64: 1024, 128>}, {transform_indices = @transform_2, window_bounds = array<i64: 32, 1024>}, {pipeline_mode = #tpu.pipeline_mode<synchronous>, transform_indices = @transform_3, window_bounds = array<i64: 128, 128>}, {pipeline_mode = #tpu.pipeline_mode<synchronous>, transform_indices = @transform_4, window_bounds = array<i64: 128, 128>}, {pipeline_mode = #tpu.pipeline_mode<synchronous>, transform_indices = @transform_5, window_bounds = array<i64: 1, 128>}, {transform_indices = @transform_6, window_bounds = array<i64: 1024, 128>}]} {
    %get3A = arith.constant 0 : index
    %get3A_0 = arith.constant 0 : index
    %get3A_1 = vector.load %arg1[%get3A, %get3A_0] : memref<1024x128xf32, #tpu.memory_space<vmem>>, vector<1024x128xf32>
    %get3A_2 = arith.constant 0 : index
    %get3A_3 = arith.constant 0 : index
    %get3A_4 = vector.load %arg2[%get3A_2, %get3A_3] : memref<1024x128xf32, #tpu.memory_space<vmem>>, vector<1024x128xf32>
    %get3A_5 = arith.constant 0 : index
    %get3A_6 = arith.constant 0 : index
    %get3A_7 = vector.load %arg3[%get3A_5, %get3A_6] : memref<32x1024xf32, #tpu.memory_space<vmem>>, vector<32x1024xf32>
    %reduce_sum3A = arith.constant dense<0.000000e+00> : vector<1024xf32>
    %reduce_sum3A_8 = vector.multi_reduction <add>, %get3A_7, %reduce_sum3A [0] : vector<32x1024xf32> to vector<1024xf32>
    %broadcast_in_dim3A = vector.shape_cast %reduce_sum3A_8 : vector<1024xf32> to vector<1024x1xf32>
    %max3A = arith.constant 1.000000e+00 : f32
    %max3A_9 = vector.broadcast %max3A : f32 to vector<1024x1xf32>
    %max3A_10 = arith.maximumf %broadcast_in_dim3A, %max3A_9 : vector<1024x1xf32>
    %div3A = arith.constant 1.000000e+00 : f32
    %div3A_11 = vector.broadcast %div3A : f32 to vector<1024x1xf32>
    %div3A_12 = arith.divf %div3A_11, %max3A_10 : vector<1024x1xf32>
    %mul3A = vector.broadcast %div3A_12 : vector<1024x1xf32> to vector<1024x128xf32>
    %mul3A_13 = arith.mulf %get3A_4, %mul3A : vector<1024x128xf32>
    %get3A_14 = arith.constant 0 : index
    %get3A_15 = arith.constant 0 : index
    %get3A_16 = vector.load %arg4[%get3A_14, %get3A_15] : memref<128x128xf32, #tpu.memory_space<vmem>>, vector<128x128xf32>
    %dot_general3A = arith.constant dense<0.000000e+00> : vector<1024x128xf32>
    %dot_general3A_17 = tpu.matmul %get3A_1, %get3A_16, %dot_general3A {dimension_numbers = #tpu.dot_dimension_numbers<[1], [0], [0], [1], [0, 0, 1, 1], [], []>, transpose_lhs_hint = false} : vector<1024x128xf32>, vector<128x128xf32>, vector<1024x128xf32> -> vector<1024x128xf32>
    %get3A_18 = arith.constant 0 : index
    %get3A_19 = arith.constant 0 : index
    %get3A_20 = vector.load %arg5[%get3A_18, %get3A_19] : memref<128x128xf32, #tpu.memory_space<vmem>>, vector<128x128xf32>
    %dot_general3A_21 = arith.constant dense<0.000000e+00> : vector<1024x128xf32>
    %dot_general3A_22 = tpu.matmul %mul3A_13, %get3A_20, %dot_general3A_21 {dimension_numbers = #tpu.dot_dimension_numbers<[1], [0], [0], [1], [0, 0, 1, 1], [], []>, transpose_lhs_hint = false} : vector<1024x128xf32>, vector<128x128xf32>, vector<1024x128xf32> -> vector<1024x128xf32>
    %add3A = arith.addf %dot_general3A_17, %dot_general3A_22 : vector<1024x128xf32>
    %get3A_23 = arith.constant 0 : index
    %get3A_24 = arith.constant 0 : index
    %get3A_25 = vector.load %arg6[%get3A_23, %get3A_24] : memref<1x128xf32, #tpu.memory_space<vmem>>, vector<1x128xf32>
    %add3A_26 = vector.broadcast %get3A_25 : vector<1x128xf32> to vector<1024x128xf32>
    %add3A_27 = arith.addf %add3A, %add3A_26 : vector<1024x128xf32>
    %max3A_28 = arith.constant 0.000000e+00 : f32
    %max3A_29 = vector.broadcast %max3A_28 : f32 to vector<1024x128xf32>
    %max3A_30 = arith.maximumf %add3A_27, %max3A_29 : vector<1024x128xf32>
    %add3A_31 = arith.addf %max3A_30, %get3A_1 : vector<1024x128xf32>
    %swap3A = arith.constant 0 : index
    %swap3A_32 = arith.constant 0 : index
    %swap3A_33 = vector.load %arg7[%swap3A, %swap3A_32] : memref<1024x128xf32, #tpu.memory_space<vmem>>, vector<1024x128xf32>
    tpu.vector_store %arg7[%swap3A, %swap3A_32], %add3A_31 {strides = array<i32>} : memref<1024x128xf32, #tpu.memory_space<vmem>>, vector<1024x128xf32>,
    return
  }
  func.func @transform_0(%arg0: i32) -> (i32, i32) {
    %c0_i32 = arith.constant 0 : i32
    %c0_i32_0 = arith.constant 0 : i32
    return %arg0, %c0_i32 : i32, i32
  }
  func.func @transform_1(%arg0: i32) -> (i32, i32) {
    %c0_i32 = arith.constant 0 : i32
    %c0_i32_0 = arith.constant 0 : i32
    return %arg0, %c0_i32 : i32, i32
  }
  func.func @transform_2(%arg0: i32) -> (i32, i32) {
    %c0_i32 = arith.constant 0 : i32
    %c0_i32_0 = arith.constant 0 : i32
    return %c0_i32, %arg0 : i32, i32
  }
  func.func @transform_3(%arg0: i32) -> (i32, i32) {
    %c0_i32 = arith.constant 0 : i32
    %c0_i32_0 = arith.constant 0 : i32
    %c0_i32_1 = arith.constant 0 : i32
    return %c0_i32, %c0_i32_0 : i32, i32
  }
  func.func @transform_4(%arg0: i32) -> (i32, i32) {
    %c0_i32 = arith.constant 0 : i32
    %c0_i32_0 = arith.constant 0 : i32
    %c0_i32_1 = arith.constant 0 : i32
    return %c0_i32, %c0_i32_0 : i32, i32
  }
  func.func @transform_5(%arg0: i32) -> (i32, i32) {
    %c0_i32 = arith.constant 0 : i32
    %c0_i32_0 = arith.constant 0 : i32
    %c0_i32_1 = arith.constant 0 : i32
    return %c0_i32, %c0_i32_0 : i32, i32
  }
  func.func @transform_6(%arg0: i32) -> (i32, i32) {
    %c0_i32 = arith.constant 0 : i32
    %c0_i32_0 = arith.constant 0 : i32
    return %arg0, %c0_i32 : i32, i32
  }
}

module attributes {stable_mosaic.version = 14 : i64} {
  func.func @body(%arg0: i32, %arg1: memref<1024x128xf32, #tpu.memory_space<vmem>>, %arg2: memref<1024x128xf32, #tpu.memory_space<vmem>>, %arg3: memref<32x1024xf32, #tpu.memory_space<vmem>>, %arg4: memref<128x128xf32, #tpu.memory_space<vmem>>, %arg5: memref<128x128xf32, #tpu.memory_space<vmem>>, %arg6: memref<1x128xf32, #tpu.memory_space<vmem>>, %arg7: memref<128x128xf32, #tpu.memory_space<vmem>>, %arg8: memref<1x128xf32, #tpu.memory_space<vmem>>, %arg9: memref<1024x128xf32, #tpu.memory_space<vmem>>) attributes {dimension_semantics = [#tpu.dimension_semantics<arbitrary>], iteration_bounds = array<i64: 10>, scalar_prefetch = 0 : i64, scratch_operands = 0 : i64, tpu.core_type = #tpu.core_type<tc>, window_params = [{transform_indices = @transform_0, window_bounds = array<i64: 1024, 128>}, {transform_indices = @transform_1, window_bounds = array<i64: 1024, 128>}, {transform_indices = @transform_2, window_bounds = array<i64: 32, 1024>}, {pipeline_mode = #tpu.pipeline_mode<synchronous>, transform_indices = @transform_3, window_bounds = array<i64: 128, 128>}, {pipeline_mode = #tpu.pipeline_mode<synchronous>, transform_indices = @transform_4, window_bounds = array<i64: 128, 128>}, {pipeline_mode = #tpu.pipeline_mode<synchronous>, transform_indices = @transform_5, window_bounds = array<i64: 1, 128>}, {pipeline_mode = #tpu.pipeline_mode<synchronous>, transform_indices = @transform_6, window_bounds = array<i64: 128, 128>}, {pipeline_mode = #tpu.pipeline_mode<synchronous>, transform_indices = @transform_7, window_bounds = array<i64: 1, 128>}, {transform_indices = @transform_8, window_bounds = array<i64: 1024, 128>}]} {
    %get3A = arith.constant 0 : index
    %get3A_0 = arith.constant 0 : index
    %get3A_1 = vector.load %arg1[%get3A, %get3A_0] : memref<1024x128xf32, #tpu.memory_space<vmem>>, vector<1024x128xf32>
    %get3A_2 = arith.constant 0 : index
    %get3A_3 = arith.constant 0 : index
    %get3A_4 = vector.load %arg2[%get3A_2, %get3A_3] : memref<1024x128xf32, #tpu.memory_space<vmem>>, vector<1024x128xf32>
    %get3A_5 = arith.constant 0 : index
    %get3A_6 = arith.constant 0 : index
    %get3A_7 = vector.load %arg3[%get3A_5, %get3A_6] : memref<32x1024xf32, #tpu.memory_space<vmem>>, vector<32x1024xf32>
    %reduce_sum3A = arith.constant dense<0.000000e+00> : vector<1024xf32>
    %reduce_sum3A_8 = vector.multi_reduction <add>, %get3A_7, %reduce_sum3A [0] : vector<32x1024xf32> to vector<1024xf32>
    %broadcast_in_dim3A = vector.shape_cast %reduce_sum3A_8 : vector<1024xf32> to vector<1024x1xf32>
    %max3A = arith.constant 1.000000e+00 : f32
    %max3A_9 = vector.broadcast %max3A : f32 to vector<1024x1xf32>
    %max3A_10 = arith.maximumf %broadcast_in_dim3A, %max3A_9 : vector<1024x1xf32>
    %div3A = arith.constant 1.000000e+00 : f32
    %div3A_11 = vector.broadcast %div3A : f32 to vector<1024x1xf32>
    %div3A_12 = arith.divf %div3A_11, %max3A_10 : vector<1024x1xf32>
    %mul3A = vector.broadcast %div3A_12 : vector<1024x1xf32> to vector<1024x128xf32>
    %mul3A_13 = arith.mulf %get3A_4, %mul3A : vector<1024x128xf32>
    %get3A_14 = arith.constant 0 : index
    %get3A_15 = arith.constant 0 : index
    %get3A_16 = vector.load %arg4[%get3A_14, %get3A_15] : memref<128x128xf32, #tpu.memory_space<vmem>>, vector<128x128xf32>
    %dot_general3A = arith.constant dense<0.000000e+00> : vector<1024x128xf32>
    %dot_general3A_17 = tpu.matmul %get3A_1, %get3A_16, %dot_general3A {dimension_numbers = #tpu.dot_dimension_numbers<[1], [0], [0], [1], [0, 0, 1, 1], [], []>, transpose_lhs_hint = false} : vector<1024x128xf32>, vector<128x128xf32>, vector<1024x128xf32> -> vector<1024x128xf32>
    %get3A_18 = arith.constant 0 : index
    %get3A_19 = arith.constant 0 : index
    %get3A_20 = vector.load %arg5[%get3A_18, %get3A_19] : memref<128x128xf32, #tpu.memory_space<vmem>>, vector<128x128xf32>
    %dot_general3A_21 = arith.constant dense<0.000000e+00> : vector<1024x128xf32>
    %dot_general3A_22 = tpu.matmul %mul3A_13, %get3A_20, %dot_general3A_21 {dimension_numbers = #tpu.dot_dimension_numbers<[1], [0], [0], [1], [0, 0, 1, 1], [], []>, transpose_lhs_hint = false} : vector<1024x128xf32>, vector<128x128xf32>, vector<1024x128xf32> -> vector<1024x128xf32>
    %add3A = arith.addf %dot_general3A_17, %dot_general3A_22 : vector<1024x128xf32>
    %get3A_23 = arith.constant 0 : index
    %get3A_24 = arith.constant 0 : index
    %get3A_25 = vector.load %arg6[%get3A_23, %get3A_24] : memref<1x128xf32, #tpu.memory_space<vmem>>, vector<1x128xf32>
    %add3A_26 = vector.broadcast %get3A_25 : vector<1x128xf32> to vector<1024x128xf32>
    %add3A_27 = arith.addf %add3A, %add3A_26 : vector<1024x128xf32>
    %max3A_28 = arith.constant 0.000000e+00 : f32
    %max3A_29 = vector.broadcast %max3A_28 : f32 to vector<1024x128xf32>
    %max3A_30 = arith.maximumf %add3A_27, %max3A_29 : vector<1024x128xf32>
    %add3A_31 = arith.addf %max3A_30, %get3A_1 : vector<1024x128xf32>
    %get3A_32 = arith.constant 0 : index
    %get3A_33 = arith.constant 0 : index
    %get3A_34 = vector.load %arg7[%get3A_32, %get3A_33] : memref<128x128xf32, #tpu.memory_space<vmem>>, vector<128x128xf32>
    %dot_general3A_35 = arith.constant dense<0.000000e+00> : vector<1024x128xf32>
    %dot_general3A_36 = tpu.matmul %add3A_31, %get3A_34, %dot_general3A_35 {dimension_numbers = #tpu.dot_dimension_numbers<[1], [0], [0], [1], [0, 0, 1, 1], [], []>, transpose_lhs_hint = false} : vector<1024x128xf32>, vector<128x128xf32>, vector<1024x128xf32> -> vector<1024x128xf32>
    %get3A_37 = arith.constant 0 : index
    %get3A_38 = arith.constant 0 : index
    %get3A_39 = vector.load %arg8[%get3A_37, %get3A_38] : memref<1x128xf32, #tpu.memory_space<vmem>>, vector<1x128xf32>
    %add3A_40 = vector.broadcast %get3A_39 : vector<1x128xf32> to vector<1024x128xf32>
    %add3A_41 = arith.addf %dot_general3A_36, %add3A_40 : vector<1024x128xf32>
    %swap3A = arith.constant 0 : index
    %swap3A_42 = arith.constant 0 : index
    %swap3A_43 = vector.load %arg9[%swap3A, %swap3A_42] : memref<1024x128xf32, #tpu.memory_space<vmem>>, vector<1024x128xf32>
    tpu.vector_store %arg9[%swap3A, %swap3A_42], %add3A_41 {strides = array<i32>} : memref<1024x128xf32, #tpu.memory_space<vmem>>, vector<1024x128xf32>,
    return
  }
  func.func @transform_0(%arg0: i32) -> (i32, i32) {
    %c0_i32 = arith.constant 0 : i32
    %c0_i32_0 = arith.constant 0 : i32
    return %arg0, %c0_i32 : i32, i32
  }
  func.func @transform_1(%arg0: i32) -> (i32, i32) {
    %c0_i32 = arith.constant 0 : i32
    %c0_i32_0 = arith.constant 0 : i32
    return %arg0, %c0_i32 : i32, i32
  }
  func.func @transform_2(%arg0: i32) -> (i32, i32) {
    %c0_i32 = arith.constant 0 : i32
    %c0_i32_0 = arith.constant 0 : i32
    return %c0_i32, %arg0 : i32, i32
  }
  func.func @transform_3(%arg0: i32) -> (i32, i32) {
    %c0_i32 = arith.constant 0 : i32
    %c0_i32_0 = arith.constant 0 : i32
    %c0_i32_1 = arith.constant 0 : i32
    return %c0_i32, %c0_i32_0 : i32, i32
  }
  func.func @transform_4(%arg0: i32) -> (i32, i32) {
    %c0_i32 = arith.constant 0 : i32
    %c0_i32_0 = arith.constant 0 : i32
    %c0_i32_1 = arith.constant 0 : i32
    return %c0_i32, %c0_i32_0 : i32, i32
  }
  func.func @transform_5(%arg0: i32) -> (i32, i32) {
    %c0_i32 = arith.constant 0 : i32
    %c0_i32_0 = arith.constant 0 : i32
    %c0_i32_1 = arith.constant 0 : i32
    return %c0_i32, %c0_i32_0 : i32, i32
  }
  func.func @transform_6(%arg0: i32) -> (i32, i32) {
    %c0_i32 = arith.constant 0 : i32
    %c0_i32_0 = arith.constant 0 : i32
    %c0_i32_1 = arith.constant 0 : i32
    return %c0_i32, %c0_i32_0 : i32, i32
  }
  func.func @transform_7(%arg0: i32) -> (i32, i32) {
    %c0_i32 = arith.constant 0 : i32
    %c0_i32_0 = arith.constant 0 : i32
    %c0_i32_1 = arith.constant 0 : i32
    return %c0_i32, %c0_i32_0 : i32, i32
  }
  func.func @transform_8(%arg0: i32) -> (i32, i32) {
    %c0_i32 = arith.constant 0 : i32
    %c0_i32_0 = arith.constant 0 : i32
    return %arg0, %c0_i32 : i32, i32
  }
}

</mosaic_0001>

<sc_bundles>
// kernel: kernel.10.cloned.1.call-start
scs
__scs_entry_jumppad:
0x0: {  	(pc) =	sbr.rel $0x88, $3  }
0x1: {  	(tag) =	ssettag $0x0;
	lr =	simm.s32 $0x1  }
0x2: {  	[smem:$0x3F98] =	sst lr;
	_ =	strace $0xD0000000  }
0x3: {  	_ = 	snop  }
0x4: {  	_ = 	snop  }
0x5: {  	_ = 	snop  }
0x6: {  	_ = 	snop  }
0x7: {  	_ = 	snop  }
__scs_overlays_trampoline_lowered:
0x8: {  	[smem:$0x3FA7] =	sst s0  }
0x9: {  	[smem:$0x3FA8] =	sst s1  }
0xa: {  	[smem:$0x3FA9] =	sst s2  }
0xb: {  	[smem:$0x3FAA] =	sst s3  }
0xc: {  	[smem:$0x3FAB] =	sst s4  }
0xd: {  	[smem:$0x3FAC] =	sst s5  }
0xe: {  	[smem:$0x3FAD] =	sst s6  }
0xf: {  	[smem:$0x3FAE] =	sst s7  }
0x10: {  	[smem:$0x3FAF] =	sst s8  }
0x11: {  	[smem:$0x3FB0] =	sst s9;
	s0 =	simm.s32 @!p0 $0x0  }
0x12: {  	s1 =	sld [smem:$0x3F96];
	s0 =	simm.s32 @p0 $0x1  }
0x13: {  	[smem:$0x3FB1] =	sst s0;
	s0 =	simm.s32 @!p1 $0x0  }
0x14: {  	s2 =	sld [smem:$0x3F95];
	s0 =	simm.s32 @p1 $0x1  }
0x15: {  	[smem:$0x3FB2] =	sst s0;
	s0 =	simm.s32 @!p2 $0x0  }
0x16: {  	s3 =	sld [smem:$0x3FDB];
	s0 =	simm.s32 @p2 $0x1  }
0x17: {  	s4 =	simm.s32 $0x1BF5;
	[smem:$0x3FB4] =	sst s0  }
0x18: {  	s0 =	sld [smem:$0x3F97];
	_ =	swait.ge [sflag:s4], $0x0  }
0x19: {  	s7 =	sld [smem:$0x3F98]  }
0x1a: {  	s8 =	sadd.s32 $0xFFFFE003, lr  }
0x1b: {  	s9 =	sadd.s32 $0xFFFFFEF7, lr;
	s5 =	simm.s32 $0xFFFFFFFF;
	p2 =	slt.u32 s8, $0xFFFFF086  }
0x1c: {  	p1 =	slt.u32 s9, $0xF7A;
	s5 =	simm.s32 @!p2 $0x0  }
0x1d: {  	s5 =	simm.s32 @p1 $0x1;
	p0 =	seq.s32 s7, s2  }
0x1e: {  	s7 =	smul.u32 @!p0 $0xF7A, s2;
	p2 =	seq.s32 @!p0 s5, $0x0  }
0x1f: {  	s9 =	smul.u32 $0xF7A, s1;
	s8 =	simm.s32 @!p0 $0x1BF5;
	p2 =	por !p2, p0  }
0x20: {  	[sflag:s8] =	ssyncset.s32 @!p0 $0xFFFFF086;
	s6 =	sadd.s32 @!p0 s3, s7;
	s7 =	simm.s32 @!p0 $0x108  }
0x21: {  	s3 =	sadd.s32 s3, s9;
	s6 =	sadd.s32 @!p0 $0x88, s6;
	s7 =	simm.s32 @p2 $0x1082  }
0x22: {  	[simem:s7], [sflag:s8] =	dma.local @!p0 [hbm:s6], $0xF7A  }
0x23: {  	s9 =	sor.u32 $0xD0000000, s2;
	s6 =	simm.s32 $0x108;
	_ =	swait.ge @!p0 [sflag:s8], $0x0  }
0x24: {  	s3 =	sadd.s32 $0x88, s3;
	s6 =	simm.s32 @!p1 $0x1082;
	[sflag:s4] =	ssyncset.s32 $0xFFFFF086  }
0x25: {  	[simem:s6], [sflag:s4] =	dma.local [hbm:s3], $0xF7A  }
0x26: {  	[smem:$0x3F98] =	sst s1;
	(tag) =	ssettag s2;
	_ =	strace s9  }
0x27: {  	s1 =	sld [smem:$0x3FA8]  }
0x28: {  	s2 =	sld [smem:$0x3FA9]  }
0x29: {  	s4 =	sld [smem:$0x3FAB]  }
0x2a: {  	p0 =	seq.s32 s5, $0x0;
	s5 =	sld [smem:$0x3FAC]  }
0x2b: {  	s6 =	sld [smem:$0x3FAD]  }
0x2c: {  	s7 =	sld [smem:$0x3FAE]  }
0x2d: {  	s3 =	simm.s32 $0x108;
	s8 =	sld [smem:$0x3FAF]  }
0x2e: {  	s3 =	simm.s32 @!p0 $0x1082;
	s9 =	sld [smem:$0x3FB0]  }
0x2f: {  	lr =	sadd.s32 s0, s3;
	s0 =	sld [smem:$0x3FA7]  }
0x30: {  	s3 =	sld [smem:$0x3FAA]  }
0x31: {  	[smem:$0x3FB3] =	sst s10  }
0x32: {  	s10 =	sld [smem:$0x3FB1];
	_ =	sdelay $0x3  }
0x33: {  	p0 =	seq.s32 s10, $0x1;
	s10 =	sld [smem:$0x3FB3];
	_ =	sdelay $0x3  }
0x34: {  	[smem:$0x3FB3] =	sst s10  }
0x35: {  	s10 =	sld [smem:$0x3FB2];
	_ =	sdelay $0x3  }
0x36: {  	p1 =	seq.s32 s10, $0x1;
	s10 =	sld [smem:$0x3FB3];
	_ =	sdelay $0x3  }
0x37: {  	[smem:$0x3FB3] =	sst s10  }
0x38: {  	s10 =	sld [smem:$0x3FB4]  }
0x39: {  	_ = 	snop;
	(pc) =	sbr.ind lr, $3  }
0x3a: {  	_ = 	snop  }
0x3b: {  	_ = 	snop  }
0x3c: {  	p2 =	seq.s32 s10, $0x1;
	s10 =	sld [smem:$0x3FB3]  }
0x3d: {  	_ =	shalt  }
0x3e: {  	_ =	shalt  }
0x3f: {  	_ =	shalt  }
0x40: {  	_ =	shalt  }
0x41: {  	_ =	shalt  }
0x42: {  	_ =	shalt  }
0x43: {  	_ =	shalt  }
0x44: {  	_ =	shalt  }
0x45: {  	_ =	shalt  }
0x46: {  	_ =	shalt  }
0x47: {  	_ =	shalt  }
0x48: {  	_ =	shalt  }
0x49: {  	_ =	shalt  }
0x4a: {  	_ =	shalt  }
0x4b: {  	_ =	shalt  }
0x4c: {  	_ =	shalt  }
0x4d: {  	_ =	shalt  }
0x4e: {  	_ =	shalt  }
0x4f: {  	_ =	shalt  }
0x50: {  	_ =	shalt  }
0x51: {  	_ =	shalt  }
0x52: {  	_ =	shalt  }
0x53: {  	_ =	shalt  }
0x54: {  	_ =	shalt  }
0x55: {  	_ =	shalt  }
0x56: {  	_ =	shalt  }
0x57: {  	_ =	shalt  }
0x58: {  	_ =	shalt  }
0x59: {  	_ =	shalt  }
0x5a: {  	_ =	shalt  }
0x5b: {  	_ =	shalt  }
0x5c: {  	_ =	shalt  }
0x5d: {  	_ =	shalt  }
0x5e: {  	_ =	shalt  }
0x5f: {  	_ =	shalt  }
0x60: {  	_ =	shalt  }
0x61: {  	_ =	shalt  }
0x62: {  	_ =	shalt  }
0x63: {  	_ =	shalt  }
0x64: {  	_ =	shalt  }
0x65: {  	_ =	shalt  }
0x66: {  	_ =	shalt  }
0x67: {  	_ =	shalt  }
0x68: {  	_ =	shalt  }
0x69: {  	_ =	shalt  }
0x6a: {  	_ =	shalt  }
0x6b: {  	_ =	shalt  }
0x6c: {  	_ =	shalt  }
0x6d: {  	_ =	shalt  }
0x6e: {  	_ =	shalt  }
0x6f: {  	_ =	shalt  }
0x70: {  	_ =	shalt  }
0x71: {  	_ =	shalt  }
0x72: {  	_ =	shalt  }
0x73: {  	_ =	shalt  }
0x74: {  	_ =	shalt  }
0x75: {  	_ =	shalt  }
0x76: {  	_ =	shalt  }
0x77: {  	_ =	shalt  }
0x78: {  	_ =	shalt  }
0x79: {  	_ =	shalt  }
0x7a: {  	_ =	shalt  }
0x7b: {  	_ =	shalt  }
0x7c: {  	_ =	shalt  }
0x7d: {  	_ =	shalt  }
0x7e: {  	_ =	shalt  }
0x7f: {  	_ =	shalt  }
0x80: {  	_ =	shalt  }
0x81: {  	_ =	shalt  }
0x82: {  	_ =	shalt  }
0x83: {  	_ =	shalt  }
0x84: {  	_ =	shalt  }
0x85: {  	_ =	shalt  }
0x86: {  	_ =	shalt  }
0x87: {  	_ =	shalt  }
.Lfunc_end0:
.L_simem_size_0:
called_computation_lowered:
.L_overlay_start_0:
0x88: {  	s2 =	sld [smem:$0x3FD9]  }
0x89: {  	s3 =	sld [smem:$0x3FFE];
	_ =	sdelay $0x1  }
0x8a: {  	s1 =	srdreg.scid  }
0x8b: {  	s0 =	sand.u32 $0x1, s1  }
0x8c: {  	s17 =	sshll.u32 s0, $0xA;
	s2 =	sadd.s32 s3, s2  }
0x8d: {  	s2 =	sadd.s32 s2, s17  }
0x8e: {  	[smem:$0x3FBF] =	sst s2  }
0x8f: {  	_ = 	snop  }
0x90: {  	s2 =	sld [smem:$0x3FD0];
	(tm) =	ssettm $0x1  }
0x91: {  	s18 =	sld [smem:$0x3FFB];
	_ =	sdelay $0x3  }
0x92: {  	_ =	strace s18  }
0x93: {  	s3 =	sld [smem:$0x3FFC];
	_ =	sdelay $0x3  }
0x94: {  	_ =	strace s3  }
0x95: {  	s3 =	sld [smem:$0x3FFD];
	_ =	sdelay $0x3  }
0x96: {  	_ =	strace s3  }
0x97: {  	_ =	strace $0x8FFFFFFF  }
0x98: {  	s19 =	sld [smem:$0x3FDB];
	_ =	sdelay $0x1  }
0x99: {  	s4 =	simm.s32 $_scs_section_size  }
0x9a: {  	s5 =	simm.s32 $_size__tile_overlayer_lowered;
	s6 =	simm.s32 $_tile_overlayer_lowered  }
0x9b: {  	s22 =	simm.s32 $0x1BFF;
	s21 =	sshll.u32 s6, $0x1;
	s3 =	sadd.s32 s4, s19  }
0x9c: {  	s7 =	simm.s32 $0x0;
	s20 =	sshll.u32 s5, $0x1;
	s5 =	sadd.s32 s21, s3  }
0x9d: {  	[timem:s7], [sflag:s22] =	dma.local [hbm:s5], s20  }
0x9e: {  	_ =	swait.ge [sflag:s22], s20  }
0x9f: {  	s4 =	ssub.s32 $0x0, s20;
	[sflag:s22] =	ssyncset.done $0x0  }
0xa0: {  	[sflag:s22] =	ssyncadd.s32 s4;
	_ =	sdelay $0x1  }
0xa1: {  	s23 =	simm.s32 $0x1B8B  }
0xa2: {  	_ =	swait.ge [sflag:s23], $0x1  }
0xa3: {  	[sflag:s23] =	ssyncset.done $0x0  }
0xa4: {  	s25 =	simm.s32 $0x1B8E;
	s24 =	sld [smem:$0x3FFE];
	[sflag:s23] =	ssyncadd.s32 $0xFFFFFFFF  }
0xa5: {  	s26 =	simm.s32 $execute0_lowered;
	[smem:$0x3FD2] =	sst s25  }
0xa6: {  	s5 =	sshll.u32 s26, $0x1;
	_ =	strace $0x80000046;
	[dreg:$0x1] =	wrdreg $0xFFFFFFFF  }
0xa7: {  	s28 =	simm.s32 $_size_execute0_lowered;
	s3 =	sadd.s32 s3, s5;
	[dreg:$0x0] =	wrdreg $0x0  }
0xa8: {  	s5 =	sshll.u32 s28, $0x1;
	[dreg:$0x2] =	wrdreg s3  }
0xa9: {  	[dreg:$0x3] =	wrdreg s5  }
0xaa: {  	[dreg:$0x4] =	wrdreg $0xC0  }
0xab: {  	_ =	task [dreg:s7], $0x5FFFF  }
0xac: {  	[dreg:$0x1] =	wrdreg $0xFFFFFFFF  }
0xad: {  	[dreg:$0x0] =	wrdreg $0x60  }
0xae: {  	[dreg:$0x2] =	wrdreg s24  }
0xaf: {  	[dreg:$0x3] =	wrdreg s2  }
0xb0: {  	[dreg:$0x4] =	wrdreg $0x9  }
0xb1: {  	_ =	task.clear_ibuf [dreg:s7], $0x5FFFF;
	_ =	strace $0x90000046  }
0xb2: {  	s29 =	simm.s32 $0x9;
	_ =	strace $0x80000048  }
0xb3: {  	_ =	swait.ge [sflag:s29], $0x1  }
0xb4: {  	[sflag:s29] =	ssyncadd.s32 $0xFFFFFFFF  }
0xb5: {  	_ =	strace $0x90000048  }
0xb6: {  	_ =	sfence  }
0xb7: {  	s30 =	sld [smem:$0x0];
	_ =	sdelay $0x2  }
0xb8: {  	s31 =	sshll.u32 s1, $0xD;
	s1 =	sshrl.u32 s1, $0x2  }
0xb9: {  	s3 =	sand.u32 $0x4000, s31;
	s1 =	sadd.s32 s1, s30  }
0xba: {  	s0 =	sor.u32 s3, s0;
	s1 =	sshll.u32 s1, $0x11  }
0xbb: {  	s0 =	sor.u32 s1, s0  }
0xbc: {  	s0 =	sadd.s32 $0x8F2B, s0  }
0xbd: {  	[sflag:s0] =	ssyncadd.remote.s32 $0x1  }
0xbe: {  	_ =	sfence.sel $0xFFFF  }
0xbf: {  	[dreg:$0x0] =	wrdreg $0xFFFFFFFF;
	(pc) =	sbr.abs _section_cstart, $3  }
0xc0: {  	[dreg:$0x1] =	wrdreg $0xFFFFFFFF  }
0xc1: {  	_ =	task.clear_ibuf [dreg:s7], $0x2FFFF;
	_ =	strace $0x9FFFFFFF  }
0xc2: {  	(tm) =	ssettm $0x7FFFFFFF  }
0xc3: {  	_ =	shalt  }
tec
execute0_lowered:
.L_overlay_start_1:
0x0: {  	(tag) =	ssettag $0x1  }
0x1: {  	s0 =	srdreg.scid  }
0x2: {  	s4 =	rddreg [dreg:$0x0];
	s3 =	sand.u32 $0x1, s0  }
0x3: {  	s5 =	rddreg [dreg:$0x1];
	s0 =	stileid.u32;
	s1 =	sshll.u32 s3, $0x4  }
0x4: {  	s2 =	simm.s32 $0x0;
	s8 =	simm.s32 $0x2;
	s6 =	sor.u32 s0, s1  }
0x5: {  	s9 =	simm.s32 $0x0;
	[smem:$0x7FF] =	sst s2;
	s7 =	smul.u32 $0x4E2, s6  }
0x6: {  	s3 =	ssub.s32 $0x2, s3;
	s1 =	rddreg [dreg:$0x2];
	s6 =	smul.u32 $0x500, s6  }
0x7: {  	s31 =	sshrl.u32 s3, $0x1;
	_ =	strace $0x80000047;
	s4 =	sadd.s32 s7, s4  }
0x8: {  	s7 =	ssub.s32 s3, s31;
	s3 =	sadd.s32 $0x4C00, s4;
	s4 =	sadd.s32 s5, s6  }
0x9: {  	v0 =	vimm.f32 $0.0e+00;
	v1 =	vimm.f32 $1.000000000e+00;
	s5 =	smax.u32 s7, $0x1;
	s6 =	simm.s32 $0x1;
	s7 =	simm.s32 $0x2710  }
.LBB2_1:
0xa: {  	[tilespmem:s2], [sflag:$0x1] =	stream.linear.gather [hbm4b:s3+s2], $0x2710, $0x38;
	[tilespmem:$0x4F10] =	vst v63  }
0xb: {  	s10 =	simm.s32 $0x40;
	s11 =	simm.s32 $0x0  }
.LBB2_2:
0xc: {  	p0 =	sne.s32 s10, $0x9FC0;
	[tilespmem:s11+$0x2710] =	vst v0;
	s11 =	smov.u32 s10;
	s10 =	sadd.s32 $0x40, s10  }
.Ltmp0:
0xd: {  	(pc) =	sbr.rel @p0 .LBB2_2-.Ltmp0, $2  }
0xe: {  	_ =	sdelay $0x2  }
0xf: {  	s11 =	sshra.s32 s11, $0x2  }
0x10: {  	[tilespmem:s11+$0x2710] =	vst v0  }
0x11: {  	_ =	swait.ge [sflag:s6], $0x2710  }
0x12: {  	[sflag:s6] =	ssyncset.done $0x0  }
0x13: {  	s11 =	simm.s32 $0x0;
	s10 =	simm.s32 $0x40;
	[sflag:s6] =	ssyncadd.s32 $0xFFFFD8F0  }
.LBB2_4:
0x14: {  	p0 =	sne.s32 s10, $0x9C00;
	v2 =	vld [tilespmem:s11+$0x0];
	_ =	sdelay $0x3  }
.Ltmp1:
0x15: {  	(pc) =	sbr.rel @p0 .LBB2_4-.Ltmp1, $2  }
0x16: {  	_ =	sdelay $0x2  }
0x17: {  	s11 =	sshra.s32 s10, $0x2;
	s10 =	sadd.s32 $0x40, s10;
	[tilespmem:v2+s7+$0x0] =	vst.idx.add.f32.msk $0xffff, v1  }
0x18: {  	v2 =	vld [tilespmem:s11+$0x0];
	_ =	sdelay $0x5  }
0x19: {  	s9 =	sadd.s32 $0x1, s9  }
0x1a: {  	p0 =	sne.s32 s9, s5  }
.Ltmp2:
0x1b: {  	[tilespmem:v2+s7+$0x0] =	vst.idx.add.f32.msk $0xffff, v1;
	(pc) =	sbr.rel @p0 .LBB2_1-.Ltmp2, $4  }
0x1c: {  	[hbm4b:s4+s2] =	stream.linear.scatter [tilespmem:s7], [sflag:$0x2], $0x2800, $0x38;
	[tilespmem:$0x4F10] =	vst v63  }
0x1d: {  	_ =	swait.ge [sflag:s8], $0x2800  }
0x1e: {  	[sflag:s8] =	ssyncset.done $0x0  }
0x1f: {  	[sflag:s8] =	ssyncadd.s32 $0xFFFFD800  }
0x20: {  	_ =	sfence.sel $0x180000  }
0x21: {  	[bflag:$0x0] =	sbarrier.arrive $0xFFFF  }
0x22: {  	p0 =	sne.s32 s0, $0x0;
	_ =	strace $0x90000047  }
0x23: {  	s0 =	sadd.s32 @!p0 $0x100000, s1;
	[bflag:$0x2] =	sbarrier.arrive $0xFFFF  }
0x24: {  	[sflag:s0] =	ssyncadd.tile.s32 @!p0 $0x1;
	_ =	shalt  }
.Lfunc_end2:
_tile_overlayer_lowered:
.L_overlay_start_2:
0x25: {  	(tag) =	ssettag $0x2  }
0x26: {  	s0 =	rddreg [dreg:$0x0];
	s2 =	stileid.u32  }
0x27: {  	s1 =	rddreg [dreg:$0x1];
	p0 =	sne.s32 s2, $0x0  }
0x28: {  	s3 =	rddreg [dreg:$0x2];
	[bflag:$0x3] =	sbarrier.arrive $0xFFFF;
	s2 =	simm.s32 @!p0 $0x1C02  }
0x29: {  	[timem:s3], [sflag:s2] =	dma.local @!p0 [hbm:s0], s1  }
0x2a: {  	s0 =	simm.s32 @!p0 $0x2  }
0x2b: {  	_ =	swait.ge @!p0 [sflag:s0], s1  }
0x2c: {  	s1 =	ssub.s32 @!p0 $0x0, s1;
	[sflag:s0] =	ssyncset.done @!p0 $0x0  }
0x2d: {  	[sflag:s0] =	ssyncadd.s32 @!p0 s1  }
0x2e: {  	[bflag:$0x3] =	sbarrier.arrive $0xFFFF  }
0x2f: {  	_ =	shalt  }

// kernel: kernel.13.cloned.1.call-start
scs
__scs_entry_jumppad:
0x0: {  	(pc) =	sbr.rel $0x88, $3  }
0x1: {  	(tag) =	ssettag $0x0;
	lr =	simm.s32 $0x1  }
0x2: {  	[smem:$0x3F98] =	sst lr;
	_ =	strace $0xD0000000  }
0x3: {  	_ = 	snop  }
0x4: {  	_ = 	snop  }
0x5: {  	_ = 	snop  }
0x6: {  	_ = 	snop  }
0x7: {  	_ = 	snop  }
__scs_overlays_trampoline_lowered:
0x8: {  	[smem:$0x3FA7] =	sst s0  }
0x9: {  	[smem:$0x3FA8] =	sst s1  }
0xa: {  	[smem:$0x3FA9] =	sst s2  }
0xb: {  	[smem:$0x3FAA] =	sst s3  }
0xc: {  	[smem:$0x3FAB] =	sst s4  }
0xd: {  	[smem:$0x3FAC] =	sst s5  }
0xe: {  	[smem:$0x3FAD] =	sst s6  }
0xf: {  	[smem:$0x3FAE] =	sst s7  }
0x10: {  	[smem:$0x3FAF] =	sst s8  }
0x11: {  	[smem:$0x3FB0] =	sst s9;
	s0 =	simm.s32 @!p0 $0x0  }
0x12: {  	s1 =	sld [smem:$0x3F96];
	s0 =	simm.s32 @p0 $0x1  }
0x13: {  	[smem:$0x3FB1] =	sst s0;
	s0 =	simm.s32 @!p1 $0x0  }
0x14: {  	s2 =	sld [smem:$0x3F95];
	s0 =	simm.s32 @p1 $0x1  }
0x15: {  	[smem:$0x3FB2] =	sst s0;
	s0 =	simm.s32 @!p2 $0x0  }
0x16: {  	s3 =	sld [smem:$0x3FDB];
	s0 =	simm.s32 @p2 $0x1  }
0x17: {  	s4 =	simm.s32 $0x1BF5;
	[smem:$0x3FB4] =	sst s0  }
0x18: {  	s0 =	sld [smem:$0x3F97];
	_ =	swait.ge [sflag:s4], $0x0  }
0x19: {  	s7 =	sld [smem:$0x3F98]  }
0x1a: {  	s8 =	sadd.s32 $0xFFFFE003, lr  }
0x1b: {  	s9 =	sadd.s32 $0xFFFFFEF7, lr;
	s5 =	simm.s32 $0xFFFFFFFF;
	p2 =	slt.u32 s8, $0xFFFFF086  }
0x1c: {  	p1 =	slt.u32 s9, $0xF7A;
	s5 =	simm.s32 @!p2 $0x0  }
0x1d: {  	s5 =	simm.s32 @p1 $0x1;
	p0 =	seq.s32 s7, s2  }
0x1e: {  	s7 =	smul.u32 @!p0 $0xF7A, s2;
	p2 =	seq.s32 @!p0 s5, $0x0  }
0x1f: {  	s9 =	smul.u32 $0xF7A, s1;
	s8 =	simm.s32 @!p0 $0x1BF5;
	p2 =	por !p2, p0  }
0x20: {  	[sflag:s8] =	ssyncset.s32 @!p0 $0xFFFFF086;
	s6 =	sadd.s32 @!p0 s3, s7;
	s7 =	simm.s32 @!p0 $0x108  }
0x21: {  	s3 =	sadd.s32 s3, s9;
	s6 =	sadd.s32 @!p0 $0x88, s6;
	s7 =	simm.s32 @p2 $0x1082  }
0x22: {  	[simem:s7], [sflag:s8] =	dma.local @!p0 [hbm:s6], $0xF7A  }
0x23: {  	s9 =	sor.u32 $0xD0000000, s2;
	s6 =	simm.s32 $0x108;
	_ =	swait.ge @!p0 [sflag:s8], $0x0  }
0x24: {  	s3 =	sadd.s32 $0x88, s3;
	s6 =	simm.s32 @!p1 $0x1082;
	[sflag:s4] =	ssyncset.s32 $0xFFFFF086  }
0x25: {  	[simem:s6], [sflag:s4] =	dma.local [hbm:s3], $0xF7A  }
0x26: {  	[smem:$0x3F98] =	sst s1;
	(tag) =	ssettag s2;
	_ =	strace s9  }
0x27: {  	s1 =	sld [smem:$0x3FA8]  }
0x28: {  	s2 =	sld [smem:$0x3FA9]  }
0x29: {  	s4 =	sld [smem:$0x3FAB]  }
0x2a: {  	p0 =	seq.s32 s5, $0x0;
	s5 =	sld [smem:$0x3FAC]  }
0x2b: {  	s6 =	sld [smem:$0x3FAD]  }
0x2c: {  	s7 =	sld [smem:$0x3FAE]  }
0x2d: {  	s3 =	simm.s32 $0x108;
	s8 =	sld [smem:$0x3FAF]  }
0x2e: {  	s3 =	simm.s32 @!p0 $0x1082;
	s9 =	sld [smem:$0x3FB0]  }
0x2f: {  	lr =	sadd.s32 s0, s3;
	s0 =	sld [smem:$0x3FA7]  }
0x30: {  	s3 =	sld [smem:$0x3FAA]  }
0x31: {  	[smem:$0x3FB3] =	sst s10  }
0x32: {  	s10 =	sld [smem:$0x3FB1];
	_ =	sdelay $0x3  }
0x33: {  	p0 =	seq.s32 s10, $0x1;
	s10 =	sld [smem:$0x3FB3];
	_ =	sdelay $0x3  }
0x34: {  	[smem:$0x3FB3] =	sst s10  }
0x35: {  	s10 =	sld [smem:$0x3FB2];
	_ =	sdelay $0x3  }
0x36: {  	p1 =	seq.s32 s10, $0x1;
	s10 =	sld [smem:$0x3FB3];
	_ =	sdelay $0x3  }
0x37: {  	[smem:$0x3FB3] =	sst s10  }
0x38: {  	s10 =	sld [smem:$0x3FB4]  }
0x39: {  	_ = 	snop;
	(pc) =	sbr.ind lr, $3  }
0x3a: {  	_ = 	snop  }
0x3b: {  	_ = 	snop  }
0x3c: {  	p2 =	seq.s32 s10, $0x1;
	s10 =	sld [smem:$0x3FB3]  }
0x3d: {  	_ =	shalt  }
0x3e: {  	_ =	shalt  }
0x3f: {  	_ =	shalt  }
0x40: {  	_ =	shalt  }
0x41: {  	_ =	shalt  }
0x42: {  	_ =	shalt  }
0x43: {  	_ =	shalt  }
0x44: {  	_ =	shalt  }
0x45: {  	_ =	shalt  }
0x46: {  	_ =	shalt  }
0x47: {  	_ =	shalt  }
0x48: {  	_ =	shalt  }
0x49: {  	_ =	shalt  }
0x4a: {  	_ =	shalt  }
0x4b: {  	_ =	shalt  }
0x4c: {  	_ =	shalt  }
0x4d: {  	_ =	shalt  }
0x4e: {  	_ =	shalt  }
0x4f: {  	_ =	shalt  }
0x50: {  	_ =	shalt  }
0x51: {  	_ =	shalt  }
0x52: {  	_ =	shalt  }
0x53: {  	_ =	shalt  }
0x54: {  	_ =	shalt  }
0x55: {  	_ =	shalt  }
0x56: {  	_ =	shalt  }
0x57: {  	_ =	shalt  }
0x58: {  	_ =	shalt  }
0x59: {  	_ =	shalt  }
0x5a: {  	_ =	shalt  }
0x5b: {  	_ =	shalt  }
0x5c: {  	_ =	shalt  }
0x5d: {  	_ =	shalt  }
0x5e: {  	_ =	shalt  }
0x5f: {  	_ =	shalt  }
0x60: {  	_ =	shalt  }
0x61: {  	_ =	shalt  }
0x62: {  	_ =	shalt  }
0x63: {  	_ =	shalt  }
0x64: {  	_ =	shalt  }
0x65: {  	_ =	shalt  }
0x66: {  	_ =	shalt  }
0x67: {  	_ =	shalt  }
0x68: {  	_ =	shalt  }
0x69: {  	_ =	shalt  }
0x6a: {  	_ =	shalt  }
0x6b: {  	_ =	shalt  }
0x6c: {  	_ =	shalt  }
0x6d: {  	_ =	shalt  }
0x6e: {  	_ =	shalt  }
0x6f: {  	_ =	shalt  }
0x70: {  	_ =	shalt  }
0x71: {  	_ =	shalt  }
0x72: {  	_ =	shalt  }
0x73: {  	_ =	shalt  }
0x74: {  	_ =	shalt  }
0x75: {  	_ =	shalt  }
0x76: {  	_ =	shalt  }
0x77: {  	_ =	shalt  }
0x78: {  	_ =	shalt  }
0x79: {  	_ =	shalt  }
0x7a: {  	_ =	shalt  }
0x7b: {  	_ =	shalt  }
0x7c: {  	_ =	shalt  }
0x7d: {  	_ =	shalt  }
0x7e: {  	_ =	shalt  }
0x7f: {  	_ =	shalt  }
0x80: {  	_ =	shalt  }
0x81: {  	_ =	shalt  }
0x82: {  	_ =	shalt  }
0x83: {  	_ =	shalt  }
0x84: {  	_ =	shalt  }
0x85: {  	_ =	shalt  }
0x86: {  	_ =	shalt  }
0x87: {  	_ =	shalt  }
.Lfunc_end0:
.L_simem_size_0:
called_computation.1_lowered:
.L_overlay_start_0:
0x88: {  	s2 =	sld [smem:$0x3FD9]  }
0x89: {  	s3 =	sld [smem:$0x3FFE];
	_ =	sdelay $0x1  }
0x8a: {  	s1 =	srdreg.scid  }
0x8b: {  	s0 =	sand.u32 $0x1, s1  }
0x8c: {  	s17 =	sshll.u32 s0, $0xA;
	s2 =	sadd.s32 s3, s2  }
0x8d: {  	s2 =	sadd.s32 s2, s17  }
0x8e: {  	[smem:$0x3FBF] =	sst s2  }
0x8f: {  	_ = 	snop  }
0x90: {  	s2 =	sld [smem:$0x3FD0];
	(tm) =	ssettm $0x1  }
0x91: {  	s18 =	sld [smem:$0x3FFB];
	_ =	sdelay $0x3  }
0x92: {  	_ =	strace s18  }
0x93: {  	s3 =	sld [smem:$0x3FFC];
	_ =	sdelay $0x3  }
0x94: {  	_ =	strace s3  }
0x95: {  	s3 =	sld [smem:$0x3FFD];
	_ =	sdelay $0x3  }
0x96: {  	_ =	strace s3  }
0x97: {  	_ =	strace $0x8FFFFFFF  }
0x98: {  	s19 =	sld [smem:$0x3FDB];
	_ =	sdelay $0x1  }
0x99: {  	s4 =	simm.s32 $_scs_section_size  }
0x9a: {  	s5 =	simm.s32 $_size__tile_overlayer_lowered;
	s6 =	simm.s32 $_tile_overlayer_lowered  }
0x9b: {  	s22 =	simm.s32 $0x1BFF;
	s21 =	sshll.u32 s6, $0x1;
	s3 =	sadd.s32 s4, s19  }
0x9c: {  	s7 =	simm.s32 $0x0;
	s20 =	sshll.u32 s5, $0x1;
	s5 =	sadd.s32 s21, s3  }
0x9d: {  	[timem:s7], [sflag:s22] =	dma.local [hbm:s5], s20  }
0x9e: {  	_ =	swait.ge [sflag:s22], s20  }
0x9f: {  	s4 =	ssub.s32 $0x0, s20;
	[sflag:s22] =	ssyncset.done $0x0  }
0xa0: {  	[sflag:s22] =	ssyncadd.s32 s4;
	_ =	sdelay $0x1  }
0xa1: {  	s23 =	simm.s32 $0x1B8B  }
0xa2: {  	_ =	swait.ge [sflag:s23], $0x1  }
0xa3: {  	[sflag:s23] =	ssyncset.done $0x0  }
0xa4: {  	s25 =	simm.s32 $0x1B8E;
	s24 =	sld [smem:$0x3FFE];
	[sflag:s23] =	ssyncadd.s32 $0xFFFFFFFF  }
0xa5: {  	s26 =	simm.s32 $execute0_lowered;
	[smem:$0x3FD2] =	sst s25  }
0xa6: {  	s5 =	sshll.u32 s26, $0x1;
	_ =	strace $0x80000049;
	[dreg:$0x1] =	wrdreg $0xFFFFFFFF  }
0xa7: {  	s28 =	simm.s32 $_size_execute0_lowered;
	s3 =	sadd.s32 s3, s5;
	[dreg:$0x0] =	wrdreg $0x0  }
0xa8: {  	s5 =	sshll.u32 s28, $0x1;
	[dreg:$0x2] =	wrdreg s3  }
0xa9: {  	[dreg:$0x3] =	wrdreg s5  }
0xaa: {  	[dreg:$0x4] =	wrdreg $0xC0  }
0xab: {  	_ =	task [dreg:s7], $0x5FFFF  }
0xac: {  	[dreg:$0x1] =	wrdreg $0xFFFFFFFF  }
0xad: {  	[dreg:$0x0] =	wrdreg $0x60  }
0xae: {  	[dreg:$0x2] =	wrdreg s2  }
0xaf: {  	[dreg:$0x3] =	wrdreg s24  }
0xb0: {  	[dreg:$0x4] =	wrdreg $0x120400  }
0xb1: {  	[dreg:$0x5] =	wrdreg $0x9  }
0xb2: {  	_ =	task.clear_ibuf [dreg:s7], $0x6FFFF;
	_ =	strace $0x90000049  }
0xb3: {  	s29 =	simm.s32 $0x9;
	_ =	strace $0x8000004B  }
0xb4: {  	_ =	swait.ge [sflag:s29], $0x1  }
0xb5: {  	[sflag:s29] =	ssyncadd.s32 $0xFFFFFFFF  }
0xb6: {  	_ =	strace $0x9000004B  }
0xb7: {  	_ =	sfence  }
0xb8: {  	s30 =	sld [smem:$0x0];
	_ =	sdelay $0x2  }
0xb9: {  	s31 =	sshll.u32 s1, $0xD;
	s1 =	sshrl.u32 s1, $0x2  }
0xba: {  	s3 =	sand.u32 $0x4000, s31;
	s1 =	sadd.s32 s1, s30  }
0xbb: {  	s0 =	sor.u32 s3, s0;
	s1 =	sshll.u32 s1, $0x11  }
0xbc: {  	s0 =	sor.u32 s1, s0  }
0xbd: {  	s0 =	sadd.s32 $0x8F2B, s0  }
0xbe: {  	[sflag:s0] =	ssyncadd.remote.s32 $0x1  }
0xbf: {  	_ =	sfence.sel $0xFFFF  }
0xc0: {  	[dreg:$0x0] =	wrdreg $0xFFFFFFFF;
	(pc) =	sbr.abs _section_cstart, $3  }
0xc1: {  	[dreg:$0x1] =	wrdreg $0xFFFFFFFF  }
0xc2: {  	_ =	task.clear_ibuf [dreg:s7], $0x2FFFF;
	_ =	strace $0x9FFFFFFF  }
0xc3: {  	(tm) =	ssettm $0x7FFFFFFF  }
tec
execute0_lowered:
.L_overlay_start_1:
0x0: {  	(tag) =	ssettag $0x1  }
0x1: {  	s1 =	rddreg [dreg:$0x0]  }
0x2: {  	s0 =	srdreg.scid;
	s2 =	rddreg [dreg:$0x1]  }
0x3: {  	s9 =	stileid.u32;
	s3 =	rddreg [dreg:$0x2]  }
0x4: {  	s15 =	simm.s32 $0x10040;
	s16 =	simm.s32 $0x8;
	s17 =	simm.s32 $0x1  }
0x5: {  	s18 =	simm.s32 $0x2;
	s19 =	simm.s32 $0x50;
	s20 =	simm.s32 $0x9C40  }
0x6: {  	s21 =	simm.s32 $0xB040;
	s23 =	simm.s32 $0xC440;
	s28 =	simm.s32 $0xEC40  }
0x7: {  	s29 =	simm.s32 $0x3;
	s30 =	simm.s32 $0x4;
	s31 =	simm.s32 $0x5  }
0x8: {  	s14 =	simm.s32 $0x7;
	s0 =	sand.u32 $0x1, s0;
	s6 =	smul.u32 $0x14000, s9  }
0x9: {  	s8 =	smul.u32 $0x9C4, s9;
	s4 =	sshll.u32 s0, $0x4;
	s7 =	sshll.u32 s0, $0x6  }
0xa: {  	s0 =	ssub.s32 $0x2, s0;
	s5 =	sor.u32 s9, s4;
	s4 =	simm.s32 $0x0  }
0xb: {  	s6 =	sor.u32 s7, s6;
	s25 =	sshrl.u32 s0, $0x1;
	s9 =	smul.u32 $0x28000, s9  }
0xc: {  	s8 =	sadd.s32 s8, s2;
	s5 =	smul.u32 $0x9C4, s5;
	[smem:$0x7FF] =	sst s4  }
0xd: {  	s6 =	sshrl.u32 s6, $0x3;
	s0 =	ssub.s32 s0, s25;
	s25 =	simm.s32 $0xD840  }
0xe: {  	_ =	strace $0x8000004A;
	s26 =	sshrl.u32 s9, $0x2;
	s9 =	smax.u32 s0, $0x1  }
0xf: {  	s0 =	simm.s32 $0x0;
	s5 =	sadd.s32 s5, s2;
	s2 =	sadd.s32 s6, s2  }
0x10: {  	s6 =	sadd.s32 $0x4C00, s8;
	s7 =	sadd.s32 s26, s3;
	s5 =	sadd.s32 $0xEA00, s5  }
0x11: {  	s8 =	sadd.s32 $0x22400, s2;
	s10 =	sadd.s32 $0x2000, s7;
	s11 =	sadd.s32 $0x4000, s7  }
0x12: {  	v0 =	vimm.f32 $0.0e+00;
	s12 =	sadd.s32 $0x6000, s7;
	s13 =	sadd.s32 $0x8000, s7;
	s2 =	simm.s32 $0x6  }
.LBB2_1:
0x13: {  	[tilespmem:s4], [sflag:$0x1] =	stream.linear.gather [hbm4b:s5+s4], $0x4E20, $0x38;
	[tilespmem:$0x1C040] =	vst v63  }
0x14: {  	s22 =	simm.s32 $0x4E20  }
0x15: {  	[tilespmem:s22], [sflag:$0x2] =	stream.linear.gather [hbm4b:s6+s4], $0x4E20, $0x38;
	[tilespmem:$0x1C040] =	vst v63  }
0x16: {  	s26 =	simm.s32 $0x100;
	s22 =	simm.s32 $0x0  }
.LBB2_2:
0x17: {  	p0 =	sne.s32 s26, $0x7F00;
	[tilespmem:s22+$0x10070] =	vst v0;
	s24 =	smov.u32 s26;
	s26 =	sadd.s32 $0x100, s26  }
.Ltmp0:
0x18: {  	[tilespmem:s22+$0x10060] =	vst v0;
	(pc) =	sbr.rel @p0 .LBB2_2-.Ltmp0, $3  }
0x19: {  	[tilespmem:s22+$0x10040] =	vst v0  }
0x1a: {  	[tilespmem:s22+$0x10050] =	vst v0;
	_ =	sdelay $0x1  }
0x1b: {  	s22 =	sshra.s32 s24, $0x2  }
0x1c: {  	[tilespmem:s22+$0x10070] =	vst v0  }
0x1d: {  	[tilespmem:s22+$0x10060] =	vst v0  }
0x1e: {  	[tilespmem:s22+$0x10040] =	vst v0  }
0x1f: {  	[tilespmem:s22+$0x10050] =	vst v0  }
0x20: {  	[spmem:s7] =	stream.linear.scatter [tilespmem:s15], [sflag:$0x8], $0x2000, $0x38;
	[tilespmem:$0x1C040] =	vst v63  }
0x21: {  	_ =	swait.ge [sflag:s16], $0x2000  }
0x22: {  	[sflag:s16] =	ssyncset.done $0x0  }
0x23: {  	[sflag:s16] =	ssyncadd.s32 $0xFFFFE000  }
0x24: {  	[spmem:s10] =	stream.linear.scatter [tilespmem:s15], [sflag:$0x8], $0x2000, $0x38;
	[tilespmem:$0x1C040] =	vst v63  }
0x25: {  	_ =	swait.ge [sflag:s16], $0x2000  }
0x26: {  	[sflag:s16] =	ssyncset.done $0x0  }
0x27: {  	[sflag:s16] =	ssyncadd.s32 $0xFFFFE000  }
0x28: {  	[spmem:s11] =	stream.linear.scatter [tilespmem:s15], [sflag:$0x8], $0x2000, $0x38;
	[tilespmem:$0x1C040] =	vst v63  }
0x29: {  	_ =	swait.ge [sflag:s16], $0x2000  }
0x2a: {  	[sflag:s16] =	ssyncset.done $0x0  }
0x2b: {  	[sflag:s16] =	ssyncadd.s32 $0xFFFFE000  }
0x2c: {  	[spmem:s12] =	stream.linear.scatter [tilespmem:s15], [sflag:$0x8], $0x2000, $0x38;
	[tilespmem:$0x1C040] =	vst v63  }
0x2d: {  	_ =	swait.ge [sflag:s16], $0x2000  }
0x2e: {  	[sflag:s16] =	ssyncset.done $0x0  }
0x2f: {  	[sflag:s16] =	ssyncadd.s32 $0xFFFFE000  }
0x30: {  	[spmem:s13] =	stream.linear.scatter [tilespmem:s15], [sflag:$0x8], $0x2000, $0x38;
	[tilespmem:$0x1C040] =	vst v63  }
0x31: {  	_ =	swait.ge [sflag:s16], $0x2000  }
0x32: {  	[sflag:s16] =	ssyncset.done $0x0  }
0x33: {  	[sflag:s16] =	ssyncadd.s32 $0xFFFFE000  }
0x34: {  	_ =	swait.ge [sflag:s17], $0x4E20  }
0x35: {  	[sflag:s17] =	ssyncset.done $0x0  }
0x36: {  	[sflag:s17] =	ssyncadd.s32 $0xFFFFB1E0  }
0x37: {  	_ =	swait.ge [sflag:s18], $0x4E20  }
0x38: {  	[sflag:s18] =	ssyncset.done $0x0  }
0x39: {  	[sflag:s18] =	ssyncadd.s32 $0xFFFFB1E0  }
0x3a: {  	s26 =	simm.s32 $0x0;
	[bflag:$0x0] =	sbarrier.arrive $0xFFFF  }
0x3b: {  	[tilespmem:s20], [sflag:$0x3] =	stream.indirect.gather [hbm4b:s1+s19], $0x40, s26, s19, $0xb8;
	[tilespmem:$0x1C040] =	vst v63  }
0x3c: {  	_ = 	snop  }
0x3d: {  	[tilespmem:s21], [sflag:$0x4] =	stream.indirect.gather [hbm4b:s1+s19], $0x40, s19, s19, $0xb8;
	[tilespmem:$0x1C040] =	vst v63  }
0x3e: {  	s24 =	simm.s32 $0xA0  }
0x3f: {  	[tilespmem:s23], [sflag:$0x5] =	stream.indirect.gather [hbm4b:s1+s19], $0x40, s24, s19, $0xb8;
	[tilespmem:$0x1C040] =	vst v63  }
0x40: {  	s26 =	simm.s32 $0xF0  }
0x41: {  	[tilespmem:s25], [sflag:$0x6] =	stream.indirect.gather [hbm4b:s1+s19], $0x40, s26, s19, $0xb8;
	[tilespmem:$0x1C040] =	vst v63  }
0x42: {  	s24 =	simm.s32 $0x140  }
0x43: {  	[tilespmem:s28], [sflag:$0x7] =	stream.indirect.gather [hbm4b:s1+s19], $0x40, s24, s19, $0xb8;
	[tilespmem:$0x1C040] =	vst v63  }
0x44: {  	_ =	swait.ge [sflag:s29], $0x1400  }
0x45: {  	[sflag:s29] =	ssyncset.done $0x0  }
0x46: {  	s26 =	simm.s32 $0x4E20;
	[sflag:s29] =	ssyncadd.s32 $0xFFFFEC00  }
0x47: {  	[spmem:s3] =	stream.indirect.scatter.add.f32 [tilespmem:s20], [sflag:$0x8], $0x40, s26, s19, $0xb8;
	[tilespmem:$0x1C040] =	vst v63  }
0x48: {  	_ =	swait.ge [sflag:s16], $0x1400  }
0x49: {  	[sflag:s16] =	ssyncset.done $0x0  }
0x4a: {  	s24 =	simm.s32 $0x190;
	[sflag:s16] =	ssyncadd.s32 $0xFFFFEC00  }
0x4b: {  	[tilespmem:s20], [sflag:$0x3] =	stream.indirect.gather [hbm4b:s1+s19], $0x40, s24, s19, $0xb8;
	[tilespmem:$0x1C040] =	vst v63  }
0x4c: {  	_ =	swait.ge [sflag:s30], $0x1400  }
0x4d: {  	[sflag:s30] =	ssyncset.done $0x0  }
0x4e: {  	s26 =	simm.s32 $0x4E70;
	[sflag:s30] =	ssyncadd.s32 $0xFFFFEC00  }
0x4f: {  	[spmem:s3] =	stream.indirect.scatter.add.f32 [tilespmem:s21], [sflag:$0x8], $0x40, s26, s19, $0xb8;
	[tilespmem:$0x1C040] =	vst v63  }
0x50: {  	_ =	swait.ge [sflag:s16], $0x1400  }
0x51: {  	[sflag:s16] =	ssyncset.done $0x0  }
0x52: {  	s24 =	simm.s32 $0x1E0;
	[sflag:s16] =	ssyncadd.s32 $0xFFFFEC00  }
0x53: {  	[tilespmem:s21], [sflag:$0x4] =	stream.indirect.gather [hbm4b:s1+s19], $0x40, s24, s19, $0xb8;
	[tilespmem:$0x1C040] =	vst v63  }
0x54: {  	_ =	swait.ge [sflag:s31], $0x1400  }
0x55: {  	[sflag:s31] =	ssyncset.done $0x0  }
0x56: {  	s26 =	simm.s32 $0x4EC0;
	[sflag:s31] =	ssyncadd.s32 $0xFFFFEC00  }
0x57: {  	[spmem:s3] =	stream.indirect.scatter.add.f32 [tilespmem:s23], [sflag:$0x8], $0x40, s26, s19, $0xb8;
	[tilespmem:$0x1C040] =	vst v63  }
0x58: {  	_ =	swait.ge [sflag:s16], $0x1400  }
0x59: {  	[sflag:s16] =	ssyncset.done $0x0  }
0x5a: {  	s24 =	simm.s32 $0x230;
	[sflag:s16] =	ssyncadd.s32 $0xFFFFEC00  }
0x5b: {  	[tilespmem:s23], [sflag:$0x5] =	stream.indirect.gather [hbm4b:s1+s19], $0x40, s24, s19, $0xb8;
	[tilespmem:$0x1C040] =	vst v63  }
0x5c: {  	_ =	swait.ge [sflag:s2], $0x1400  }
0x5d: {  	[sflag:s2] =	ssyncset.done $0x0  }
0x5e: {  	s26 =	simm.s32 $0x4F10;
	[sflag:s2] =	ssyncadd.s32 $0xFFFFEC00  }
0x5f: {  	[spmem:s3] =	stream.indirect.scatter.add.f32 [tilespmem:s25], [sflag:$0x8], $0x40, s26, s19, $0xb8;
	[tilespmem:$0x1C040] =	vst v63  }
0x60: {  	_ =	swait.ge [sflag:s16], $0x1400  }
0x61: {  	[sflag:s16] =	ssyncset.done $0x0  }
0x62: {  	s24 =	simm.s32 $0x280;
	[sflag:s16] =	ssyncadd.s32 $0xFFFFEC00  }
0x63: {  	[tilespmem:s25], [sflag:$0x6] =	stream.indirect.gather [hbm4b:s1+s19], $0x40, s24, s19, $0xb8;
	[tilespmem:$0x1C040] =	vst v63  }
0x64: {  	_ =	swait.ge [sflag:s14], $0x1400  }
0x65: {  	[sflag:s14] =	ssyncset.done $0x0  }
0x66: {  	s26 =	simm.s32 $0x4F60;
	[sflag:s14] =	ssyncadd.s32 $0xFFFFEC00  }
0x67: {  	[spmem:s3] =	stream.indirect.scatter.add.f32 [tilespmem:s28], [sflag:$0x8], $0x40, s26, s19, $0xb8;
	[tilespmem:$0x1C040] =	vst v63  }
0x68: {  	_ =	swait.ge [sflag:s16], $0x1400  }
0x69: {  	[sflag:s16] =	ssyncset.done $0x0  }
0x6a: {  	s22 =	simm.s32 $0x2D0;
	s26 =	simm.s32 $0x640;
	[sflag:s16] =	ssyncadd.s32 $0xFFFFEC00  }
.LBB2_4:
0x6b: {  	[tilespmem:s28], [sflag:$0x7] =	stream.indirect.gather [hbm4b:s1+s19], $0x40, s22, s19, $0xb8;
	[tilespmem:$0x1C040] =	vst v63  }
0x6c: {  	s22 =	smov.u32 s26  }
0x6d: {  	p0 =	sne.s32 s26, $0x12C00;
	s26 =	sadd.s32 $0x640, s26;
	_ =	swait.ge [sflag:s29], $0x1400  }
0x6e: {  	s22 =	sshra.s32 s22, $0x2;
	[sflag:s29] =	ssyncset.done $0x0  }
0x6f: {  	s24 =	sadd.s32 $0x4E20, s22;
	[sflag:s29] =	ssyncadd.s32 $0xFFFFEC00  }
0x70: {  	[spmem:s3] =	stream.indirect.scatter.add.f32 [tilespmem:s20], [sflag:$0x8], $0x40, s24, s19, $0xb8;
	[tilespmem:$0x1C040] =	vst v63  }
0x71: {  	_ =	swait.ge [sflag:s16], $0x1400  }
0x72: {  	[sflag:s16] =	ssyncset.done $0x0  }
0x73: {  	s24 =	sadd.s32 $0x190, s22;
	[sflag:s16] =	ssyncadd.s32 $0xFFFFEC00  }
0x74: {  	[tilespmem:s20], [sflag:$0x3] =	stream.indirect.gather [hbm4b:s1+s19], $0x40, s24, s19, $0xb8;
	[tilespmem:$0x1C040] =	vst v63  }
0x75: {  	_ =	swait.ge [sflag:s30], $0x1400  }
0x76: {  	[sflag:s30] =	ssyncset.done $0x0  }
0x77: {  	s24 =	sadd.s32 $0x4E70, s22;
	[sflag:s30] =	ssyncadd.s32 $0xFFFFEC00  }
0x78: {  	[spmem:s3] =	stream.indirect.scatter.add.f32 [tilespmem:s21], [sflag:$0x8], $0x40, s24, s19, $0xb8;
	[tilespmem:$0x1C040] =	vst v63  }
0x79: {  	_ =	swait.ge [sflag:s16], $0x1400  }
0x7a: {  	[sflag:s16] =	ssyncset.done $0x0  }
0x7b: {  	s24 =	sadd.s32 $0x1E0, s22;
	[sflag:s16] =	ssyncadd.s32 $0xFFFFEC00  }
0x7c: {  	[tilespmem:s21], [sflag:$0x4] =	stream.indirect.gather [hbm4b:s1+s19], $0x40, s24, s19, $0xb8;
	[tilespmem:$0x1C040] =	vst v63  }
0x7d: {  	_ =	swait.ge [sflag:s31], $0x1400  }
0x7e: {  	[sflag:s31] =	ssyncset.done $0x0  }
0x7f: {  	s24 =	sadd.s32 $0x4EC0, s22;
	[sflag:s31] =	ssyncadd.s32 $0xFFFFEC00  }
0x80: {  	[spmem:s3] =	stream.indirect.scatter.add.f32 [tilespmem:s23], [sflag:$0x8], $0x40, s24, s19, $0xb8;
	[tilespmem:$0x1C040] =	vst v63  }
0x81: {  	_ =	swait.ge [sflag:s16], $0x1400  }
0x82: {  	[sflag:s16] =	ssyncset.done $0x0  }
0x83: {  	s24 =	sadd.s32 $0x230, s22;
	[sflag:s16] =	ssyncadd.s32 $0xFFFFEC00  }
0x84: {  	[tilespmem:s23], [sflag:$0x5] =	stream.indirect.gather [hbm4b:s1+s19], $0x40, s24, s19, $0xb8;
	[tilespmem:$0x1C040] =	vst v63  }
0x85: {  	_ =	swait.ge [sflag:s2], $0x1400  }
0x86: {  	[sflag:s2] =	ssyncset.done $0x0  }
0x87: {  	s24 =	sadd.s32 $0x4F10, s22;
	[sflag:s2] =	ssyncadd.s32 $0xFFFFEC00  }
0x88: {  	[spmem:s3] =	stream.indirect.scatter.add.f32 [tilespmem:s25], [sflag:$0x8], $0x40, s24, s19, $0xb8;
	[tilespmem:$0x1C040] =	vst v63  }
0x89: {  	_ =	swait.ge [sflag:s16], $0x1400  }
0x8a: {  	[sflag:s16] =	ssyncset.done $0x0  }
0x8b: {  	s24 =	sadd.s32 $0x280, s22;
	[sflag:s16] =	ssyncadd.s32 $0xFFFFEC00  }
0x8c: {  	[tilespmem:s25], [sflag:$0x6] =	stream.indirect.gather [hbm4b:s1+s19], $0x40, s24, s19, $0xb8;
	[tilespmem:$0x1C040] =	vst v63  }
0x8d: {  	_ =	swait.ge [sflag:s14], $0x1400  }
0x8e: {  	[sflag:s14] =	ssyncset.done $0x0  }
.Ltmp1:
0x8f: {  	s24 =	sadd.s32 $0x4F60, s22;
	[sflag:s14] =	ssyncadd.s32 $0xFFFFEC00;
	(pc) =	sbr.rel @p0 .LBB2_4-.Ltmp1, $4  }
0x90: {  	[spmem:s3] =	stream.indirect.scatter.add.f32 [tilespmem:s28], [sflag:$0x8], $0x40, s24, s19, $0xb8;
	[tilespmem:$0x1C040] =	vst v63  }
0x91: {  	_ =	swait.ge [sflag:s16], $0x1400  }
0x92: {  	[sflag:s16] =	ssyncset.done $0x0  }
0x93: {  	s22 =	sadd.s32 $0x2D0, s22;
	[sflag:s16] =	ssyncadd.s32 $0xFFFFEC00  }
0x94: {  	[tilespmem:s28], [sflag:$0x7] =	stream.indirect.gather [hbm4b:s1+s19], $0x40, s22, s19, $0xb8;
	[tilespmem:$0x1C040] =	vst v63  }
0x95: {  	_ =	swait.ge [sflag:s29], $0x1400  }
0x96: {  	[sflag:s29] =	ssyncset.done $0x0  }
0x97: {  	s24 =	simm.s32 $0x9AB0;
	[sflag:s29] =	ssyncadd.s32 $0xFFFFEC00  }
0x98: {  	[spmem:s3] =	stream.indirect.scatter.add.f32 [tilespmem:s20], [sflag:$0x8], $0x40, s24, s19, $0xb8;
	[tilespmem:$0x1C040] =	vst v63  }
0x99: {  	_ =	swait.ge [sflag:s16], $0x1400  }
0x9a: {  	[sflag:s16] =	ssyncset.done $0x0  }
0x9b: {  	[sflag:s16] =	ssyncadd.s32 $0xFFFFEC00  }
0x9c: {  	_ =	swait.ge [sflag:s30], $0x1400  }
0x9d: {  	[sflag:s30] =	ssyncset.done $0x0  }
0x9e: {  	s26 =	simm.s32 $0x9B00;
	[sflag:s30] =	ssyncadd.s32 $0xFFFFEC00  }
0x9f: {  	[spmem:s3] =	stream.indirect.scatter.add.f32 [tilespmem:s21], [sflag:$0x8], $0x40, s26, s19, $0xb8;
	[tilespmem:$0x1C040] =	vst v63  }
0xa0: {  	_ =	swait.ge [sflag:s16], $0x1400  }
0xa1: {  	[sflag:s16] =	ssyncset.done $0x0  }
0xa2: {  	[sflag:s16] =	ssyncadd.s32 $0xFFFFEC00  }
0xa3: {  	_ =	swait.ge [sflag:s31], $0x1400  }
0xa4: {  	[sflag:s31] =	ssyncset.done $0x0  }
0xa5: {  	s24 =	simm.s32 $0x9B50;
	[sflag:s31] =	ssyncadd.s32 $0xFFFFEC00  }
0xa6: {  	[spmem:s3] =	stream.indirect.scatter.add.f32 [tilespmem:s23], [sflag:$0x8], $0x40, s24, s19, $0xb8;
	[tilespmem:$0x1C040] =	vst v63  }
0xa7: {  	_ =	swait.ge [sflag:s16], $0x1400  }
0xa8: {  	[sflag:s16] =	ssyncset.done $0x0  }
0xa9: {  	[sflag:s16] =	ssyncadd.s32 $0xFFFFEC00  }
0xaa: {  	_ =	swait.ge [sflag:s2], $0x1400  }
0xab: {  	[sflag:s2] =	ssyncset.done $0x0  }
0xac: {  	s26 =	simm.s32 $0x9BA0;
	[sflag:s2] =	ssyncadd.s32 $0xFFFFEC00  }
0xad: {  	[spmem:s3] =	stream.indirect.scatter.add.f32 [tilespmem:s25], [sflag:$0x8], $0x40, s26, s19, $0xb8;
	[tilespmem:$0x1C040] =	vst v63  }
0xae: {  	_ =	swait.ge [sflag:s16], $0x1400  }
0xaf: {  	[sflag:s16] =	ssyncset.done $0x0  }
0xb0: {  	[sflag:s16] =	ssyncadd.s32 $0xFFFFEC00  }
0xb1: {  	_ =	swait.ge [sflag:s14], $0x1400  }
0xb2: {  	[sflag:s14] =	ssyncset.done $0x0  }
0xb3: {  	s24 =	simm.s32 $0x9BF0;
	[sflag:s14] =	ssyncadd.s32 $0xFFFFEC00  }
0xb4: {  	[spmem:s3] =	stream.indirect.scatter.add.f32 [tilespmem:s28], [sflag:$0x8], $0x40, s24, s19, $0xb8;
	[tilespmem:$0x1C040] =	vst v63  }
0xb5: {  	s0 =	sadd.s32 $0x1, s0;
	s26 =	stileid.u32;
	_ =	swait.ge [sflag:s16], $0x1400  }
0xb6: {  	p0 =	sne.s32 s0, s9;
	s22 =	sshll.u32 s26, $0x6;
	[sflag:s16] =	ssyncset.done $0x0  }
0xb7: {  	s26 =	simm.s32 $0x10;
	s22 =	sor.u32 $0x1C08, s22;
	[sflag:s16] =	ssyncadd.s32 $0xFFFFEC00  }
.Ltmp2:
0xb8: {  	s24 =	sshrl.u32 s7, $0x3;
	[bflag:$0x0] =	sbarrier.arrive $0xFFFF;
	(pc) =	sbr.rel @p0 .LBB2_1-.Ltmp2, $4  }
0xb9: {  	[hbm:s8@s26], [sflag:s22] =	dma.strided [spmem:s24@s16], $0x1400, s17, $0x8   }
0xba: {  	_ =	swait.ge [sflag:s16], $0x1400  }
0xbb: {  	[sflag:s16] =	ssyncset.done $0x0  }
0xbc: {  	[sflag:s16] =	ssyncadd.s32 $0xFFFFEC00  }
0xbd: {  	_ =	sfence.sel $0x180000  }
0xbe: {  	[bflag:$0x0] =	sbarrier.arrive $0xFFFF  }
0xbf: {  	_ =	strace $0x9000004A  }
0xc0: {  	s0 =	stileid.u32;
	[bflag:$0x2] =	sbarrier.arrive $0xFFFF  }
0xc1: {  	p0 =	sne.s32 s0, $0x0;
	s0 =	rddreg [dreg:$0x3]  }
0xc2: {  	s0 =	sadd.s32 @!p0 $0x100000, s0  }
0xc3: {  	[sflag:s0] =	ssyncadd.tile.s32 @!p0 $0x1;
	_ =	shalt  }
.Lfunc_end2:
_tile_overlayer_lowered:
.L_overlay_start_2:
0xc4: {  	(tag) =	ssettag $0x2  }
0xc5: {  	s0 =	rddreg [dreg:$0x0];
	s2 =	stileid.u32  }
0xc6: {  	s1 =	rddreg [dreg:$0x1];
	p0 =	sne.s32 s2, $0x0  }
0xc7: {  	s3 =	rddreg [dreg:$0x2];
	[bflag:$0x3] =	sbarrier.arrive $0xFFFF;
	s2 =	simm.s32 @!p0 $0x1C08  }
0xc8: {  	[timem:s3], [sflag:s2] =	dma.local @!p0 [hbm:s0], s1  }
0xc9: {  	s0 =	simm.s32 @!p0 $0x8  }
0xca: {  	_ =	swait.ge @!p0 [sflag:s0], s1  }
0xcb: {  	s1 =	ssub.s32 @!p0 $0x0, s1;
	[sflag:s0] =	ssyncset.done @!p0 $0x0  }
0xcc: {  	[sflag:s0] =	ssyncadd.s32 @!p0 s1  }
0xcd: {  	[bflag:$0x3] =	sbarrier.arrive $0xFFFF  }
0xce: {  	_ =	shalt  }

// kernel: kernel.16.cloned.1.call-start
scs
__scs_entry_jumppad:
0x0: {  	(pc) =	sbr.rel $0x88, $3  }
0x1: {  	(tag) =	ssettag $0x0;
	lr =	simm.s32 $0x1  }
0x2: {  	[smem:$0x3F98] =	sst lr;
	_ =	strace $0xD0000000  }
0x3: {  	_ = 	snop  }
0x4: {  	_ = 	snop  }
0x5: {  	_ = 	snop  }
0x6: {  	_ = 	snop  }
0x7: {  	_ = 	snop  }
__scs_overlays_trampoline_lowered:
0x8: {  	[smem:$0x3FA7] =	sst s0  }
0x9: {  	[smem:$0x3FA8] =	sst s1  }
0xa: {  	[smem:$0x3FA9] =	sst s2  }
0xb: {  	[smem:$0x3FAA] =	sst s3  }
0xc: {  	[smem:$0x3FAB] =	sst s4  }
0xd: {  	[smem:$0x3FAC] =	sst s5  }
0xe: {  	[smem:$0x3FAD] =	sst s6  }
0xf: {  	[smem:$0x3FAE] =	sst s7  }
0x10: {  	[smem:$0x3FAF] =	sst s8  }
0x11: {  	[smem:$0x3FB0] =	sst s9;
	s0 =	simm.s32 @!p0 $0x0  }
0x12: {  	s1 =	sld [smem:$0x3F96];
	s0 =	simm.s32 @p0 $0x1  }
0x13: {  	[smem:$0x3FB1] =	sst s0;
	s0 =	simm.s32 @!p1 $0x0  }
0x14: {  	s2 =	sld [smem:$0x3F95];
	s0 =	simm.s32 @p1 $0x1  }
0x15: {  	[smem:$0x3FB2] =	sst s0;
	s0 =	simm.s32 @!p2 $0x0  }
0x16: {  	s3 =	sld [smem:$0x3FDB];
	s0 =	simm.s32 @p2 $0x1  }
0x17: {  	s4 =	simm.s32 $0x1BF5;
	[smem:$0x3FB4] =	sst s0  }
0x18: {  	s0 =	sld [smem:$0x3F97];
	_ =	swait.ge [sflag:s4], $0x0  }
0x19: {  	s7 =	sld [smem:$0x3F98]  }
0x1a: {  	s8 =	sadd.s32 $0xFFFFE003, lr  }
0x1b: {  	s9 =	sadd.s32 $0xFFFFFEF7, lr;
	s5 =	simm.s32 $0xFFFFFFFF;
	p2 =	slt.u32 s8, $0xFFFFF086  }
0x1c: {  	p1 =	slt.u32 s9, $0xF7A;
	s5 =	simm.s32 @!p2 $0x0  }
0x1d: {  	s5 =	simm.s32 @p1 $0x1;
	p0 =	seq.s32 s7, s2  }
0x1e: {  	s7 =	smul.u32 @!p0 $0xF7A, s2;
	p2 =	seq.s32 @!p0 s5, $0x0  }
0x1f: {  	s9 =	smul.u32 $0xF7A, s1;
	s8 =	simm.s32 @!p0 $0x1BF5;
	p2 =	por !p2, p0  }
0x20: {  	[sflag:s8] =	ssyncset.s32 @!p0 $0xFFFFF086;
	s6 =	sadd.s32 @!p0 s3, s7;
	s7 =	simm.s32 @!p0 $0x108  }
0x21: {  	s3 =	sadd.s32 s3, s9;
	s6 =	sadd.s32 @!p0 $0x88, s6;
	s7 =	simm.s32 @p2 $0x1082  }
0x22: {  	[simem:s7], [sflag:s8] =	dma.local @!p0 [hbm:s6], $0xF7A  }
0x23: {  	s9 =	sor.u32 $0xD0000000, s2;
	s6 =	simm.s32 $0x108;
	_ =	swait.ge @!p0 [sflag:s8], $0x0  }
0x24: {  	s3 =	sadd.s32 $0x88, s3;
	s6 =	simm.s32 @!p1 $0x1082;
	[sflag:s4] =	ssyncset.s32 $0xFFFFF086  }
0x25: {  	[simem:s6], [sflag:s4] =	dma.local [hbm:s3], $0xF7A  }
0x26: {  	[smem:$0x3F98] =	sst s1;
	(tag) =	ssettag s2;
	_ =	strace s9  }
0x27: {  	s1 =	sld [smem:$0x3FA8]  }
0x28: {  	s2 =	sld [smem:$0x3FA9]  }
0x29: {  	s4 =	sld [smem:$0x3FAB]  }
0x2a: {  	p0 =	seq.s32 s5, $0x0;
	s5 =	sld [smem:$0x3FAC]  }
0x2b: {  	s6 =	sld [smem:$0x3FAD]  }
0x2c: {  	s7 =	sld [smem:$0x3FAE]  }
0x2d: {  	s3 =	simm.s32 $0x108;
	s8 =	sld [smem:$0x3FAF]  }
0x2e: {  	s3 =	simm.s32 @!p0 $0x1082;
	s9 =	sld [smem:$0x3FB0]  }
0x2f: {  	lr =	sadd.s32 s0, s3;
	s0 =	sld [smem:$0x3FA7]  }
0x30: {  	s3 =	sld [smem:$0x3FAA]  }
0x31: {  	[smem:$0x3FB3] =	sst s10  }
0x32: {  	s10 =	sld [smem:$0x3FB1];
	_ =	sdelay $0x3  }
0x33: {  	p0 =	seq.s32 s10, $0x1;
	s10 =	sld [smem:$0x3FB3];
	_ =	sdelay $0x3  }
0x34: {  	[smem:$0x3FB3] =	sst s10  }
0x35: {  	s10 =	sld [smem:$0x3FB2];
	_ =	sdelay $0x3  }
0x36: {  	p1 =	seq.s32 s10, $0x1;
	s10 =	sld [smem:$0x3FB3];
	_ =	sdelay $0x3  }
0x37: {  	[smem:$0x3FB3] =	sst s10  }
0x38: {  	s10 =	sld [smem:$0x3FB4]  }
0x39: {  	_ = 	snop;
	(pc) =	sbr.ind lr, $3  }
0x3a: {  	_ = 	snop  }
0x3b: {  	_ = 	snop  }
0x3c: {  	p2 =	seq.s32 s10, $0x1;
	s10 =	sld [smem:$0x3FB3]  }
0x3d: {  	_ =	shalt  }
0x3e: {  	_ =	shalt  }
0x3f: {  	_ =	shalt  }
0x40: {  	_ =	shalt  }
0x41: {  	_ =	shalt  }
0x42: {  	_ =	shalt  }
0x43: {  	_ =	shalt  }
0x44: {  	_ =	shalt  }
0x45: {  	_ =	shalt  }
0x46: {  	_ =	shalt  }
0x47: {  	_ =	shalt  }
0x48: {  	_ =	shalt  }
0x49: {  	_ =	shalt  }
0x4a: {  	_ =	shalt  }
0x4b: {  	_ =	shalt  }
0x4c: {  	_ =	shalt  }
0x4d: {  	_ =	shalt  }
0x4e: {  	_ =	shalt  }
0x4f: {  	_ =	shalt  }
0x50: {  	_ =	shalt  }
0x51: {  	_ =	shalt  }
0x52: {  	_ =	shalt  }
0x53: {  	_ =	shalt  }
0x54: {  	_ =	shalt  }
0x55: {  	_ =	shalt  }
0x56: {  	_ =	shalt  }
0x57: {  	_ =	shalt  }
0x58: {  	_ =	shalt  }
0x59: {  	_ =	shalt  }
0x5a: {  	_ =	shalt  }
0x5b: {  	_ =	shalt  }
0x5c: {  	_ =	shalt  }
0x5d: {  	_ =	shalt  }
0x5e: {  	_ =	shalt  }
0x5f: {  	_ =	shalt  }
0x60: {  	_ =	shalt  }
0x61: {  	_ =	shalt  }
0x62: {  	_ =	shalt  }
0x63: {  	_ =	shalt  }
0x64: {  	_ =	shalt  }
0x65: {  	_ =	shalt  }
0x66: {  	_ =	shalt  }
0x67: {  	_ =	shalt  }
0x68: {  	_ =	shalt  }
0x69: {  	_ =	shalt  }
0x6a: {  	_ =	shalt  }
0x6b: {  	_ =	shalt  }
0x6c: {  	_ =	shalt  }
0x6d: {  	_ =	shalt  }
0x6e: {  	_ =	shalt  }
0x6f: {  	_ =	shalt  }
0x70: {  	_ =	shalt  }
0x71: {  	_ =	shalt  }
0x72: {  	_ =	shalt  }
0x73: {  	_ =	shalt  }
0x74: {  	_ =	shalt  }
0x75: {  	_ =	shalt  }
0x76: {  	_ =	shalt  }
0x77: {  	_ =	shalt  }
0x78: {  	_ =	shalt  }
0x79: {  	_ =	shalt  }
0x7a: {  	_ =	shalt  }
0x7b: {  	_ =	shalt  }
0x7c: {  	_ =	shalt  }
0x7d: {  	_ =	shalt  }
0x7e: {  	_ =	shalt  }
0x7f: {  	_ =	shalt  }
0x80: {  	_ =	shalt  }
0x81: {  	_ =	shalt  }
0x82: {  	_ =	shalt  }
0x83: {  	_ =	shalt  }
0x84: {  	_ =	shalt  }
0x85: {  	_ =	shalt  }
0x86: {  	_ =	shalt  }
0x87: {  	_ =	shalt  }
.Lfunc_end0:
.L_simem_size_0:
called_computation.2_lowered:
.L_overlay_start_0:
0x88: {  	s2 =	sld [smem:$0x3FD9]  }
0x89: {  	s3 =	sld [smem:$0x3FFE];
	_ =	sdelay $0x1  }
0x8a: {  	s1 =	srdreg.scid  }
0x8b: {  	s0 =	sand.u32 $0x1, s1  }
0x8c: {  	s17 =	sshll.u32 s0, $0xA;
	s2 =	sadd.s32 s3, s2  }
0x8d: {  	s2 =	sadd.s32 s2, s17  }
0x8e: {  	[smem:$0x3FBF] =	sst s2  }
0x8f: {  	_ = 	snop  }
0x90: {  	s2 =	sld [smem:$0x3FD0];
	(tm) =	ssettm $0x1  }
0x91: {  	s18 =	sld [smem:$0x3FFB];
	_ =	sdelay $0x3  }
0x92: {  	_ =	strace s18  }
0x93: {  	s3 =	sld [smem:$0x3FFC];
	_ =	sdelay $0x3  }
0x94: {  	_ =	strace s3  }
0x95: {  	s3 =	sld [smem:$0x3FFD];
	_ =	sdelay $0x3  }
0x96: {  	_ =	strace s3  }
0x97: {  	_ =	strace $0x8FFFFFFF  }
0x98: {  	s19 =	sld [smem:$0x3FDB];
	_ =	sdelay $0x1  }
0x99: {  	s4 =	simm.s32 $_scs_section_size  }
0x9a: {  	s5 =	simm.s32 $_size__tile_overlayer_lowered;
	s6 =	simm.s32 $_tile_overlayer_lowered  }
0x9b: {  	s22 =	simm.s32 $0x1BFF;
	s21 =	sshll.u32 s6, $0x1;
	s3 =	sadd.s32 s4, s19  }
0x9c: {  	s7 =	simm.s32 $0x0;
	s20 =	sshll.u32 s5, $0x1;
	s5 =	sadd.s32 s21, s3  }
0x9d: {  	[timem:s7], [sflag:s22] =	dma.local [hbm:s5], s20  }
0x9e: {  	_ =	swait.ge [sflag:s22], s20  }
0x9f: {  	s4 =	ssub.s32 $0x0, s20;
	[sflag:s22] =	ssyncset.done $0x0  }
0xa0: {  	[sflag:s22] =	ssyncadd.s32 s4;
	_ =	sdelay $0x1  }
0xa1: {  	s23 =	simm.s32 $0x1B8B  }
0xa2: {  	_ =	swait.ge [sflag:s23], $0x1  }
0xa3: {  	[sflag:s23] =	ssyncset.done $0x0  }
0xa4: {  	s25 =	simm.s32 $0x1B8E;
	s24 =	sld [smem:$0x3FFE];
	[sflag:s23] =	ssyncadd.s32 $0xFFFFFFFF  }
0xa5: {  	s26 =	simm.s32 $execute0_lowered;
	[smem:$0x3FD2] =	sst s25  }
0xa6: {  	s5 =	sshll.u32 s26, $0x1;
	_ =	strace $0x8000004C;
	[dreg:$0x1] =	wrdreg $0xFFFFFFFF  }
0xa7: {  	s28 =	simm.s32 $_size_execute0_lowered;
	s3 =	sadd.s32 s3, s5;
	[dreg:$0x0] =	wrdreg $0x0  }
0xa8: {  	s5 =	sshll.u32 s28, $0x1;
	[dreg:$0x2] =	wrdreg s3  }
0xa9: {  	[dreg:$0x3] =	wrdreg s5  }
0xaa: {  	[dreg:$0x4] =	wrdreg $0xC0  }
0xab: {  	_ =	task [dreg:s7], $0x5FFFF  }
0xac: {  	[dreg:$0x1] =	wrdreg $0xFFFFFFFF  }
0xad: {  	[dreg:$0x0] =	wrdreg $0x60  }
0xae: {  	[dreg:$0x2] =	wrdreg s2  }
0xaf: {  	[dreg:$0x3] =	wrdreg s24  }
0xb0: {  	[dreg:$0x4] =	wrdreg $0x120400  }
0xb1: {  	[dreg:$0x5] =	wrdreg $0x9  }
0xb2: {  	_ =	task.clear_ibuf [dreg:s7], $0x6FFFF;
	_ =	strace $0x9000004C  }
0xb3: {  	s29 =	simm.s32 $0x9;
	_ =	strace $0x8000004E  }
0xb4: {  	_ =	swait.ge [sflag:s29], $0x1  }
0xb5: {  	[sflag:s29] =	ssyncadd.s32 $0xFFFFFFFF  }
0xb6: {  	_ =	strace $0x9000004E  }
0xb7: {  	_ =	sfence  }
0xb8: {  	s30 =	sld [smem:$0x0];
	_ =	sdelay $0x2  }
0xb9: {  	s31 =	sshll.u32 s1, $0xD;
	s1 =	sshrl.u32 s1, $0x2  }
0xba: {  	s3 =	sand.u32 $0x4000, s31;
	s1 =	sadd.s32 s1, s30  }
0xbb: {  	s0 =	sor.u32 s3, s0;
	s1 =	sshll.u32 s1, $0x11  }
0xbc: {  	s0 =	sor.u32 s1, s0  }
0xbd: {  	s0 =	sadd.s32 $0x8F2B, s0  }
0xbe: {  	[sflag:s0] =	ssyncadd.remote.s32 $0x1  }
0xbf: {  	_ =	sfence.sel $0xFFFF  }
0xc0: {  	[dreg:$0x0] =	wrdreg $0xFFFFFFFF;
	(pc) =	sbr.abs _section_cstart, $3  }
0xc1: {  	[dreg:$0x1] =	wrdreg $0xFFFFFFFF  }
0xc2: {  	_ =	task.clear_ibuf [dreg:s7], $0x2FFFF;
	_ =	strace $0x9FFFFFFF  }
0xc3: {  	(tm) =	ssettm $0x7FFFFFFF  }
tec
execute0_lowered:
.L_overlay_start_1:
0x0: {  	(tag) =	ssettag $0x1  }
0x1: {  	s1 =	rddreg [dreg:$0x0]  }
0x2: {  	s0 =	srdreg.scid;
	s2 =	rddreg [dreg:$0x1]  }
0x3: {  	s9 =	stileid.u32;
	s3 =	rddreg [dreg:$0x2]  }
0x4: {  	s15 =	simm.s32 $0x10040;
	s16 =	simm.s32 $0x8;
	s17 =	simm.s32 $0x1  }
0x5: {  	s18 =	simm.s32 $0x2;
	s19 =	simm.s32 $0x50;
	s20 =	simm.s32 $0x9C40  }
0x6: {  	s21 =	simm.s32 $0xB040;
	s23 =	simm.s32 $0xC440;
	s28 =	simm.s32 $0xEC40  }
0x7: {  	s29 =	simm.s32 $0x3;
	s30 =	simm.s32 $0x4;
	s31 =	simm.s32 $0x5  }
0x8: {  	s14 =	simm.s32 $0x7;
	s0 =	sand.u32 $0x1, s0;
	s6 =	smul.u32 $0x14000, s9  }
0x9: {  	s8 =	smul.u32 $0x9C4, s9;
	s4 =	sshll.u32 s0, $0x4;
	s7 =	sshll.u32 s0, $0x6  }
0xa: {  	s0 =	ssub.s32 $0x2, s0;
	s5 =	sor.u32 s9, s4;
	s4 =	simm.s32 $0x0  }
0xb: {  	s6 =	sor.u32 s7, s6;
	s25 =	sshrl.u32 s0, $0x1;
	s9 =	smul.u32 $0x28000, s9  }
0xc: {  	s8 =	sadd.s32 s8, s2;
	s5 =	smul.u32 $0x9C4, s5;
	[smem:$0x7FF] =	sst s4  }
0xd: {  	s6 =	sshrl.u32 s6, $0x3;
	s0 =	ssub.s32 s0, s25;
	s25 =	simm.s32 $0xD840  }
0xe: {  	_ =	strace $0x8000004D;
	s26 =	sshrl.u32 s9, $0x2;
	s9 =	smax.u32 s0, $0x1  }
0xf: {  	s0 =	simm.s32 $0x0;
	s5 =	sadd.s32 s5, s2;
	s2 =	sadd.s32 s6, s2  }
0x10: {  	s6 =	sadd.s32 $0x4C00, s8;
	s7 =	sadd.s32 s26, s3;
	s5 =	sadd.s32 $0xEA00, s5  }
0x11: {  	s8 =	sadd.s32 $0x22400, s2;
	s10 =	sadd.s32 $0x2000, s7;
	s11 =	sadd.s32 $0x4000, s7  }
0x12: {  	v0 =	vimm.f32 $0.0e+00;
	s12 =	sadd.s32 $0x6000, s7;
	s13 =	sadd.s32 $0x8000, s7;
	s2 =	simm.s32 $0x6  }
.LBB2_1:
0x13: {  	[tilespmem:s4], [sflag:$0x1] =	stream.linear.gather [hbm4b:s5+s4], $0x4E20, $0x38;
	[tilespmem:$0x1C040] =	vst v63  }
0x14: {  	s22 =	simm.s32 $0x4E20  }
0x15: {  	[tilespmem:s22], [sflag:$0x2] =	stream.linear.gather [hbm4b:s6+s4], $0x4E20, $0x38;
	[tilespmem:$0x1C040] =	vst v63  }
0x16: {  	s26 =	simm.s32 $0x100;
	s22 =	simm.s32 $0x0  }
.LBB2_2:
0x17: {  	p0 =	sne.s32 s26, $0x7F00;
	[tilespmem:s22+$0x10070] =	vst v0;
	s24 =	smov.u32 s26;
	s26 =	sadd.s32 $0x100, s26  }
.Ltmp0:
0x18: {  	[tilespmem:s22+$0x10060] =	vst v0;
	(pc) =	sbr.rel @p0 .LBB2_2-.Ltmp0, $3  }
0x19: {  	[tilespmem:s22+$0x10040] =	vst v0  }
0x1a: {  	[tilespmem:s22+$0x10050] =	vst v0;
	_ =	sdelay $0x1  }
0x1b: {  	s22 =	sshra.s32 s24, $0x2  }
0x1c: {  	[tilespmem:s22+$0x10070] =	vst v0  }
0x1d: {  	[tilespmem:s22+$0x10060] =	vst v0  }
0x1e: {  	[tilespmem:s22+$0x10040] =	vst v0  }
0x1f: {  	[tilespmem:s22+$0x10050] =	vst v0  }
0x20: {  	[spmem:s7] =	stream.linear.scatter [tilespmem:s15], [sflag:$0x8], $0x2000, $0x38;
	[tilespmem:$0x1C040] =	vst v63  }
0x21: {  	_ =	swait.ge [sflag:s16], $0x2000  }
0x22: {  	[sflag:s16] =	ssyncset.done $0x0  }
0x23: {  	[sflag:s16] =	ssyncadd.s32 $0xFFFFE000  }
0x24: {  	[spmem:s10] =	stream.linear.scatter [tilespmem:s15], [sflag:$0x8], $0x2000, $0x38;
	[tilespmem:$0x1C040] =	vst v63  }
0x25: {  	_ =	swait.ge [sflag:s16], $0x2000  }
0x26: {  	[sflag:s16] =	ssyncset.done $0x0  }
0x27: {  	[sflag:s16] =	ssyncadd.s32 $0xFFFFE000  }
0x28: {  	[spmem:s11] =	stream.linear.scatter [tilespmem:s15], [sflag:$0x8], $0x2000, $0x38;
	[tilespmem:$0x1C040] =	vst v63  }
0x29: {  	_ =	swait.ge [sflag:s16], $0x2000  }
0x2a: {  	[sflag:s16] =	ssyncset.done $0x0  }
0x2b: {  	[sflag:s16] =	ssyncadd.s32 $0xFFFFE000  }
0x2c: {  	[spmem:s12] =	stream.linear.scatter [tilespmem:s15], [sflag:$0x8], $0x2000, $0x38;
	[tilespmem:$0x1C040] =	vst v63  }
0x2d: {  	_ =	swait.ge [sflag:s16], $0x2000  }
0x2e: {  	[sflag:s16] =	ssyncset.done $0x0  }
0x2f: {  	[sflag:s16] =	ssyncadd.s32 $0xFFFFE000  }
0x30: {  	[spmem:s13] =	stream.linear.scatter [tilespmem:s15], [sflag:$0x8], $0x2000, $0x38;
	[tilespmem:$0x1C040] =	vst v63  }
0x31: {  	_ =	swait.ge [sflag:s16], $0x2000  }
0x32: {  	[sflag:s16] =	ssyncset.done $0x0  }
0x33: {  	[sflag:s16] =	ssyncadd.s32 $0xFFFFE000  }
0x34: {  	_ =	swait.ge [sflag:s17], $0x4E20  }
0x35: {  	[sflag:s17] =	ssyncset.done $0x0  }
0x36: {  	[sflag:s17] =	ssyncadd.s32 $0xFFFFB1E0  }
0x37: {  	_ =	swait.ge [sflag:s18], $0x4E20  }
0x38: {  	[sflag:s18] =	ssyncset.done $0x0  }
0x39: {  	[sflag:s18] =	ssyncadd.s32 $0xFFFFB1E0  }
0x3a: {  	s26 =	simm.s32 $0x0;
	[bflag:$0x0] =	sbarrier.arrive $0xFFFF  }
0x3b: {  	[tilespmem:s20], [sflag:$0x3] =	stream.indirect.gather [hbm4b:s1+s19], $0x40, s26, s19, $0xb8;
	[tilespmem:$0x1C040] =	vst v63  }
0x3c: {  	_ = 	snop  }
0x3d: {  	[tilespmem:s21], [sflag:$0x4] =	stream.indirect.gather [hbm4b:s1+s19], $0x40, s19, s19, $0xb8;
	[tilespmem:$0x1C040] =	vst v63  }
0x3e: {  	s24 =	simm.s32 $0xA0  }
0x3f: {  	[tilespmem:s23], [sflag:$0x5] =	stream.indirect.gather [hbm4b:s1+s19], $0x40, s24, s19, $0xb8;
	[tilespmem:$0x1C040] =	vst v63  }
0x40: {  	s26 =	simm.s32 $0xF0  }
0x41: {  	[tilespmem:s25], [sflag:$0x6] =	stream.indirect.gather [hbm4b:s1+s19], $0x40, s26, s19, $0xb8;
	[tilespmem:$0x1C040] =	vst v63  }
0x42: {  	s24 =	simm.s32 $0x140  }
0x43: {  	[tilespmem:s28], [sflag:$0x7] =	stream.indirect.gather [hbm4b:s1+s19], $0x40, s24, s19, $0xb8;
	[tilespmem:$0x1C040] =	vst v63  }
0x44: {  	_ =	swait.ge [sflag:s29], $0x1400  }
0x45: {  	[sflag:s29] =	ssyncset.done $0x0  }
0x46: {  	s26 =	simm.s32 $0x4E20;
	[sflag:s29] =	ssyncadd.s32 $0xFFFFEC00  }
0x47: {  	[spmem:s3] =	stream.indirect.scatter.add.f32 [tilespmem:s20], [sflag:$0x8], $0x40, s26, s19, $0xb8;
	[tilespmem:$0x1C040] =	vst v63  }
0x48: {  	_ =	swait.ge [sflag:s16], $0x1400  }
0x49: {  	[sflag:s16] =	ssyncset.done $0x0  }
0x4a: {  	s24 =	simm.s32 $0x190;
	[sflag:s16] =	ssyncadd.s32 $0xFFFFEC00  }
0x4b: {  	[tilespmem:s20], [sflag:$0x3] =	stream.indirect.gather [hbm4b:s1+s19], $0x40, s24, s19, $0xb8;
	[tilespmem:$0x1C040] =	vst v63  }
0x4c: {  	_ =	swait.ge [sflag:s30], $0x1400  }
0x4d: {  	[sflag:s30] =	ssyncset.done $0x0  }
0x4e: {  	s26 =	simm.s32 $0x4E70;
	[sflag:s30] =	ssyncadd.s32 $0xFFFFEC00  }
0x4f: {  	[spmem:s3] =	stream.indirect.scatter.add.f32 [tilespmem:s21], [sflag:$0x8], $0x40, s26, s19, $0xb8;
	[tilespmem:$0x1C040] =	vst v63  }
0x50: {  	_ =	swait.ge [sflag:s16], $0x1400  }
0x51: {  	[sflag:s16] =	ssyncset.done $0x0  }
0x52: {  	s24 =	simm.s32 $0x1E0;
	[sflag:s16] =	ssyncadd.s32 $0xFFFFEC00  }
0x53: {  	[tilespmem:s21], [sflag:$0x4] =	stream.indirect.gather [hbm4b:s1+s19], $0x40, s24, s19, $0xb8;
	[tilespmem:$0x1C040] =	vst v63  }
0x54: {  	_ =	swait.ge [sflag:s31], $0x1400  }
0x55: {  	[sflag:s31] =	ssyncset.done $0x0  }
0x56: {  	s26 =	simm.s32 $0x4EC0;
	[sflag:s31] =	ssyncadd.s32 $0xFFFFEC00  }
0x57: {  	[spmem:s3] =	stream.indirect.scatter.add.f32 [tilespmem:s23], [sflag:$0x8], $0x40, s26, s19, $0xb8;
	[tilespmem:$0x1C040] =	vst v63  }
0x58: {  	_ =	swait.ge [sflag:s16], $0x1400  }
0x59: {  	[sflag:s16] =	ssyncset.done $0x0  }
0x5a: {  	s24 =	simm.s32 $0x230;
	[sflag:s16] =	ssyncadd.s32 $0xFFFFEC00  }
0x5b: {  	[tilespmem:s23], [sflag:$0x5] =	stream.indirect.gather [hbm4b:s1+s19], $0x40, s24, s19, $0xb8;
	[tilespmem:$0x1C040] =	vst v63  }
0x5c: {  	_ =	swait.ge [sflag:s2], $0x1400  }
0x5d: {  	[sflag:s2] =	ssyncset.done $0x0  }
0x5e: {  	s26 =	simm.s32 $0x4F10;
	[sflag:s2] =	ssyncadd.s32 $0xFFFFEC00  }
0x5f: {  	[spmem:s3] =	stream.indirect.scatter.add.f32 [tilespmem:s25], [sflag:$0x8], $0x40, s26, s19, $0xb8;
	[tilespmem:$0x1C040] =	vst v63  }
0x60: {  	_ =	swait.ge [sflag:s16], $0x1400  }
0x61: {  	[sflag:s16] =	ssyncset.done $0x0  }
0x62: {  	s24 =	simm.s32 $0x280;
	[sflag:s16] =	ssyncadd.s32 $0xFFFFEC00  }
0x63: {  	[tilespmem:s25], [sflag:$0x6] =	stream.indirect.gather [hbm4b:s1+s19], $0x40, s24, s19, $0xb8;
	[tilespmem:$0x1C040] =	vst v63  }
0x64: {  	_ =	swait.ge [sflag:s14], $0x1400  }
0x65: {  	[sflag:s14] =	ssyncset.done $0x0  }
0x66: {  	s26 =	simm.s32 $0x4F60;
	[sflag:s14] =	ssyncadd.s32 $0xFFFFEC00  }
0x67: {  	[spmem:s3] =	stream.indirect.scatter.add.f32 [tilespmem:s28], [sflag:$0x8], $0x40, s26, s19, $0xb8;
	[tilespmem:$0x1C040] =	vst v63  }
0x68: {  	_ =	swait.ge [sflag:s16], $0x1400  }
0x69: {  	[sflag:s16] =	ssyncset.done $0x0  }
0x6a: {  	s22 =	simm.s32 $0x2D0;
	s26 =	simm.s32 $0x640;
	[sflag:s16] =	ssyncadd.s32 $0xFFFFEC00  }
.LBB2_4:
0x6b: {  	[tilespmem:s28], [sflag:$0x7] =	stream.indirect.gather [hbm4b:s1+s19], $0x40, s22, s19, $0xb8;
	[tilespmem:$0x1C040] =	vst v63  }
0x6c: {  	s22 =	smov.u32 s26  }
0x6d: {  	p0 =	sne.s32 s26, $0x12C00;
	s26 =	sadd.s32 $0x640, s26;
	_ =	swait.ge [sflag:s29], $0x1400  }
0x6e: {  	s22 =	sshra.s32 s22, $0x2;
	[sflag:s29] =	ssyncset.done $0x0  }
0x6f: {  	s24 =	sadd.s32 $0x4E20, s22;
	[sflag:s29] =	ssyncadd.s32 $0xFFFFEC00  }
0x70: {  	[spmem:s3] =	stream.indirect.scatter.add.f32 [tilespmem:s20], [sflag:$0x8], $0x40, s24, s19, $0xb8;
	[tilespmem:$0x1C040] =	vst v63  }
0x71: {  	_ =	swait.ge [sflag:s16], $0x1400  }
0x72: {  	[sflag:s16] =	ssyncset.done $0x0  }
0x73: {  	s24 =	sadd.s32 $0x190, s22;
	[sflag:s16] =	ssyncadd.s32 $0xFFFFEC00  }
0x74: {  	[tilespmem:s20], [sflag:$0x3] =	stream.indirect.gather [hbm4b:s1+s19], $0x40, s24, s19, $0xb8;
	[tilespmem:$0x1C040] =	vst v63  }
0x75: {  	_ =	swait.ge [sflag:s30], $0x1400  }
0x76: {  	[sflag:s30] =	ssyncset.done $0x0  }
0x77: {  	s24 =	sadd.s32 $0x4E70, s22;
	[sflag:s30] =	ssyncadd.s32 $0xFFFFEC00  }
0x78: {  	[spmem:s3] =	stream.indirect.scatter.add.f32 [tilespmem:s21], [sflag:$0x8], $0x40, s24, s19, $0xb8;
	[tilespmem:$0x1C040] =	vst v63  }
0x79: {  	_ =	swait.ge [sflag:s16], $0x1400  }
0x7a: {  	[sflag:s16] =	ssyncset.done $0x0  }
0x7b: {  	s24 =	sadd.s32 $0x1E0, s22;
	[sflag:s16] =	ssyncadd.s32 $0xFFFFEC00  }
0x7c: {  	[tilespmem:s21], [sflag:$0x4] =	stream.indirect.gather [hbm4b:s1+s19], $0x40, s24, s19, $0xb8;
	[tilespmem:$0x1C040] =	vst v63  }
0x7d: {  	_ =	swait.ge [sflag:s31], $0x1400  }
0x7e: {  	[sflag:s31] =	ssyncset.done $0x0  }
0x7f: {  	s24 =	sadd.s32 $0x4EC0, s22;
	[sflag:s31] =	ssyncadd.s32 $0xFFFFEC00  }
0x80: {  	[spmem:s3] =	stream.indirect.scatter.add.f32 [tilespmem:s23], [sflag:$0x8], $0x40, s24, s19, $0xb8;
	[tilespmem:$0x1C040] =	vst v63  }
0x81: {  	_ =	swait.ge [sflag:s16], $0x1400  }
0x82: {  	[sflag:s16] =	ssyncset.done $0x0  }
0x83: {  	s24 =	sadd.s32 $0x230, s22;
	[sflag:s16] =	ssyncadd.s32 $0xFFFFEC00  }
0x84: {  	[tilespmem:s23], [sflag:$0x5] =	stream.indirect.gather [hbm4b:s1+s19], $0x40, s24, s19, $0xb8;
	[tilespmem:$0x1C040] =	vst v63  }
0x85: {  	_ =	swait.ge [sflag:s2], $0x1400  }
0x86: {  	[sflag:s2] =	ssyncset.done $0x0  }
0x87: {  	s24 =	sadd.s32 $0x4F10, s22;
	[sflag:s2] =	ssyncadd.s32 $0xFFFFEC00  }
0x88: {  	[spmem:s3] =	stream.indirect.scatter.add.f32 [tilespmem:s25], [sflag:$0x8], $0x40, s24, s19, $0xb8;
	[tilespmem:$0x1C040] =	vst v63  }
0x89: {  	_ =	swait.ge [sflag:s16], $0x1400  }
0x8a: {  	[sflag:s16] =	ssyncset.done $0x0  }
0x8b: {  	s24 =	sadd.s32 $0x280, s22;
	[sflag:s16] =	ssyncadd.s32 $0xFFFFEC00  }
0x8c: {  	[tilespmem:s25], [sflag:$0x6] =	stream.indirect.gather [hbm4b:s1+s19], $0x40, s24, s19, $0xb8;
	[tilespmem:$0x1C040] =	vst v63  }
0x8d: {  	_ =	swait.ge [sflag:s14], $0x1400  }
0x8e: {  	[sflag:s14] =	ssyncset.done $0x0  }
.Ltmp1:
0x8f: {  	s24 =	sadd.s32 $0x4F60, s22;
	[sflag:s14] =	ssyncadd.s32 $0xFFFFEC00;
	(pc) =	sbr.rel @p0 .LBB2_4-.Ltmp1, $4  }
0x90: {  	[spmem:s3] =	stream.indirect.scatter.add.f32 [tilespmem:s28], [sflag:$0x8], $0x40, s24, s19, $0xb8;
	[tilespmem:$0x1C040] =	vst v63  }
0x91: {  	_ =	swait.ge [sflag:s16], $0x1400  }
0x92: {  	[sflag:s16] =	ssyncset.done $0x0  }
0x93: {  	s22 =	sadd.s32 $0x2D0, s22;
	[sflag:s16] =	ssyncadd.s32 $0xFFFFEC00  }
0x94: {  	[tilespmem:s28], [sflag:$0x7] =	stream.indirect.gather [hbm4b:s1+s19], $0x40, s22, s19, $0xb8;
	[tilespmem:$0x1C040] =	vst v63  }
0x95: {  	_ =	swait.ge [sflag:s29], $0x1400  }
0x96: {  	[sflag:s29] =	ssyncset.done $0x0  }
0x97: {  	s24 =	simm.s32 $0x9AB0;
	[sflag:s29] =	ssyncadd.s32 $0xFFFFEC00  }
0x98: {  	[spmem:s3] =	stream.indirect.scatter.add.f32 [tilespmem:s20], [sflag:$0x8], $0x40, s24, s19, $0xb8;
	[tilespmem:$0x1C040] =	vst v63  }
0x99: {  	_ =	swait.ge [sflag:s16], $0x1400  }
0x9a: {  	[sflag:s16] =	ssyncset.done $0x0  }
0x9b: {  	[sflag:s16] =	ssyncadd.s32 $0xFFFFEC00  }
0x9c: {  	_ =	swait.ge [sflag:s30], $0x1400  }
0x9d: {  	[sflag:s30] =	ssyncset.done $0x0  }
0x9e: {  	s26 =	simm.s32 $0x9B00;
	[sflag:s30] =	ssyncadd.s32 $0xFFFFEC00  }
0x9f: {  	[spmem:s3] =	stream.indirect.scatter.add.f32 [tilespmem:s21], [sflag:$0x8], $0x40, s26, s19, $0xb8;
	[tilespmem:$0x1C040] =	vst v63  }
0xa0: {  	_ =	swait.ge [sflag:s16], $0x1400  }
0xa1: {  	[sflag:s16] =	ssyncset.done $0x0  }
0xa2: {  	[sflag:s16] =	ssyncadd.s32 $0xFFFFEC00  }
0xa3: {  	_ =	swait.ge [sflag:s31], $0x1400  }
0xa4: {  	[sflag:s31] =	ssyncset.done $0x0  }
0xa5: {  	s24 =	simm.s32 $0x9B50;
	[sflag:s31] =	ssyncadd.s32 $0xFFFFEC00  }
0xa6: {  	[spmem:s3] =	stream.indirect.scatter.add.f32 [tilespmem:s23], [sflag:$0x8], $0x40, s24, s19, $0xb8;
	[tilespmem:$0x1C040] =	vst v63  }
0xa7: {  	_ =	swait.ge [sflag:s16], $0x1400  }
0xa8: {  	[sflag:s16] =	ssyncset.done $0x0  }
0xa9: {  	[sflag:s16] =	ssyncadd.s32 $0xFFFFEC00  }
0xaa: {  	_ =	swait.ge [sflag:s2], $0x1400  }
0xab: {  	[sflag:s2] =	ssyncset.done $0x0  }
0xac: {  	s26 =	simm.s32 $0x9BA0;
	[sflag:s2] =	ssyncadd.s32 $0xFFFFEC00  }
0xad: {  	[spmem:s3] =	stream.indirect.scatter.add.f32 [tilespmem:s25], [sflag:$0x8], $0x40, s26, s19, $0xb8;
	[tilespmem:$0x1C040] =	vst v63  }
0xae: {  	_ =	swait.ge [sflag:s16], $0x1400  }
0xaf: {  	[sflag:s16] =	ssyncset.done $0x0  }
0xb0: {  	[sflag:s16] =	ssyncadd.s32 $0xFFFFEC00  }
0xb1: {  	_ =	swait.ge [sflag:s14], $0x1400  }
0xb2: {  	[sflag:s14] =	ssyncset.done $0x0  }
0xb3: {  	s24 =	simm.s32 $0x9BF0;
	[sflag:s14] =	ssyncadd.s32 $0xFFFFEC00  }
0xb4: {  	[spmem:s3] =	stream.indirect.scatter.add.f32 [tilespmem:s28], [sflag:$0x8], $0x40, s24, s19, $0xb8;
	[tilespmem:$0x1C040] =	vst v63  }
0xb5: {  	s0 =	sadd.s32 $0x1, s0;
	s26 =	stileid.u32;
	_ =	swait.ge [sflag:s16], $0x1400  }
0xb6: {  	p0 =	sne.s32 s0, s9;
	s22 =	sshll.u32 s26, $0x6;
	[sflag:s16] =	ssyncset.done $0x0  }
0xb7: {  	s26 =	simm.s32 $0x10;
	s22 =	sor.u32 $0x1C08, s22;
	[sflag:s16] =	ssyncadd.s32 $0xFFFFEC00  }
.Ltmp2:
0xb8: {  	s24 =	sshrl.u32 s7, $0x3;
	[bflag:$0x0] =	sbarrier.arrive $0xFFFF;
	(pc) =	sbr.rel @p0 .LBB2_1-.Ltmp2, $4  }
0xb9: {  	[hbm:s8@s26], [sflag:s22] =	dma.strided [spmem:s24@s16], $0x1400, s17, $0x8   }
0xba: {  	_ =	swait.ge [sflag:s16], $0x1400  }
0xbb: {  	[sflag:s16] =	ssyncset.done $0x0  }
0xbc: {  	[sflag:s16] =	ssyncadd.s32 $0xFFFFEC00  }
0xbd: {  	_ =	sfence.sel $0x180000  }
0xbe: {  	[bflag:$0x0] =	sbarrier.arrive $0xFFFF  }
0xbf: {  	_ =	strace $0x9000004D  }
0xc0: {  	s0 =	stileid.u32;
	[bflag:$0x2] =	sbarrier.arrive $0xFFFF  }
0xc1: {  	p0 =	sne.s32 s0, $0x0;
	s0 =	rddreg [dreg:$0x3]  }
0xc2: {  	s0 =	sadd.s32 @!p0 $0x100000, s0  }
0xc3: {  	[sflag:s0] =	ssyncadd.tile.s32 @!p0 $0x1;
	_ =	shalt  }
.Lfunc_end2:
_tile_overlayer_lowered:
.L_overlay_start_2:
0xc4: {  	(tag) =	ssettag $0x2  }
0xc5: {  	s0 =	rddreg [dreg:$0x0];
	s2 =	stileid.u32  }
0xc6: {  	s1 =	rddreg [dreg:$0x1];
	p0 =	sne.s32 s2, $0x0  }
0xc7: {  	s3 =	rddreg [dreg:$0x2];
	[bflag:$0x3] =	sbarrier.arrive $0xFFFF;
	s2 =	simm.s32 @!p0 $0x1C08  }
0xc8: {  	[timem:s3], [sflag:s2] =	dma.local @!p0 [hbm:s0], s1  }
0xc9: {  	s0 =	simm.s32 @!p0 $0x8  }
0xca: {  	_ =	swait.ge @!p0 [sflag:s0], s1  }
0xcb: {  	s1 =	ssub.s32 @!p0 $0x0, s1;
	[sflag:s0] =	ssyncset.done @!p0 $0x0  }
0xcc: {  	[sflag:s0] =	ssyncadd.s32 @!p0 s1  }
0xcd: {  	[bflag:$0x3] =	sbarrier.arrive $0xFFFF  }
0xce: {  	_ =	shalt  }

// kernel: kernel.19.cloned.1.call-start
scs
__scs_entry_jumppad:
0x0: {  	(pc) =	sbr.rel $0x88, $3  }
0x1: {  	(tag) =	ssettag $0x0;
	lr =	simm.s32 $0x1  }
0x2: {  	[smem:$0x3F98] =	sst lr;
	_ =	strace $0xD0000000  }
0x3: {  	_ = 	snop  }
0x4: {  	_ = 	snop  }
0x5: {  	_ = 	snop  }
0x6: {  	_ = 	snop  }
0x7: {  	_ = 	snop  }
__scs_overlays_trampoline_lowered:
0x8: {  	[smem:$0x3FA7] =	sst s0  }
0x9: {  	[smem:$0x3FA8] =	sst s1  }
0xa: {  	[smem:$0x3FA9] =	sst s2  }
0xb: {  	[smem:$0x3FAA] =	sst s3  }
0xc: {  	[smem:$0x3FAB] =	sst s4  }
0xd: {  	[smem:$0x3FAC] =	sst s5  }
0xe: {  	[smem:$0x3FAD] =	sst s6  }
0xf: {  	[smem:$0x3FAE] =	sst s7  }
0x10: {  	[smem:$0x3FAF] =	sst s8  }
0x11: {  	[smem:$0x3FB0] =	sst s9;
	s0 =	simm.s32 @!p0 $0x0  }
0x12: {  	s1 =	sld [smem:$0x3F96];
	s0 =	simm.s32 @p0 $0x1  }
0x13: {  	[smem:$0x3FB1] =	sst s0;
	s0 =	simm.s32 @!p1 $0x0  }
0x14: {  	s2 =	sld [smem:$0x3F95];
	s0 =	simm.s32 @p1 $0x1  }
0x15: {  	[smem:$0x3FB2] =	sst s0;
	s0 =	simm.s32 @!p2 $0x0  }
0x16: {  	s3 =	sld [smem:$0x3FDB];
	s0 =	simm.s32 @p2 $0x1  }
0x17: {  	s4 =	simm.s32 $0x1BF5;
	[smem:$0x3FB4] =	sst s0  }
0x18: {  	s0 =	sld [smem:$0x3F97];
	_ =	swait.ge [sflag:s4], $0x0  }
0x19: {  	s7 =	sld [smem:$0x3F98]  }
0x1a: {  	s8 =	sadd.s32 $0xFFFFE003, lr  }
0x1b: {  	s9 =	sadd.s32 $0xFFFFFEF7, lr;
	s5 =	simm.s32 $0xFFFFFFFF;
	p2 =	slt.u32 s8, $0xFFFFF086  }
0x1c: {  	p1 =	slt.u32 s9, $0xF7A;
	s5 =	simm.s32 @!p2 $0x0  }
0x1d: {  	s5 =	simm.s32 @p1 $0x1;
	p0 =	seq.s32 s7, s2  }
0x1e: {  	s7 =	smul.u32 @!p0 $0xF7A, s2;
	p2 =	seq.s32 @!p0 s5, $0x0  }
0x1f: {  	s9 =	smul.u32 $0xF7A, s1;
	s8 =	simm.s32 @!p0 $0x1BF5;
	p2 =	por !p2, p0  }
0x20: {  	[sflag:s8] =	ssyncset.s32 @!p0 $0xFFFFF086;
	s6 =	sadd.s32 @!p0 s3, s7;
	s7 =	simm.s32 @!p0 $0x108  }
0x21: {  	s3 =	sadd.s32 s3, s9;
	s6 =	sadd.s32 @!p0 $0x88, s6;
	s7 =	simm.s32 @p2 $0x1082  }
0x22: {  	[simem:s7], [sflag:s8] =	dma.local @!p0 [hbm:s6], $0xF7A  }
0x23: {  	s9 =	sor.u32 $0xD0000000, s2;
	s6 =	simm.s32 $0x108;
	_ =	swait.ge @!p0 [sflag:s8], $0x0  }
0x24: {  	s3 =	sadd.s32 $0x88, s3;
	s6 =	simm.s32 @!p1 $0x1082;
	[sflag:s4] =	ssyncset.s32 $0xFFFFF086  }
0x25: {  	[simem:s6], [sflag:s4] =	dma.local [hbm:s3], $0xF7A  }
0x26: {  	[smem:$0x3F98] =	sst s1;
	(tag) =	ssettag s2;
	_ =	strace s9  }
0x27: {  	s1 =	sld [smem:$0x3FA8]  }
0x28: {  	s2 =	sld [smem:$0x3FA9]  }
0x29: {  	s4 =	sld [smem:$0x3FAB]  }
0x2a: {  	p0 =	seq.s32 s5, $0x0;
	s5 =	sld [smem:$0x3FAC]  }
0x2b: {  	s6 =	sld [smem:$0x3FAD]  }
0x2c: {  	s7 =	sld [smem:$0x3FAE]  }
0x2d: {  	s3 =	simm.s32 $0x108;
	s8 =	sld [smem:$0x3FAF]  }
0x2e: {  	s3 =	simm.s32 @!p0 $0x1082;
	s9 =	sld [smem:$0x3FB0]  }
0x2f: {  	lr =	sadd.s32 s0, s3;
	s0 =	sld [smem:$0x3FA7]  }
0x30: {  	s3 =	sld [smem:$0x3FAA]  }
0x31: {  	[smem:$0x3FB3] =	sst s10  }
0x32: {  	s10 =	sld [smem:$0x3FB1];
	_ =	sdelay $0x3  }
0x33: {  	p0 =	seq.s32 s10, $0x1;
	s10 =	sld [smem:$0x3FB3];
	_ =	sdelay $0x3  }
0x34: {  	[smem:$0x3FB3] =	sst s10  }
0x35: {  	s10 =	sld [smem:$0x3FB2];
	_ =	sdelay $0x3  }
0x36: {  	p1 =	seq.s32 s10, $0x1;
	s10 =	sld [smem:$0x3FB3];
	_ =	sdelay $0x3  }
0x37: {  	[smem:$0x3FB3] =	sst s10  }
0x38: {  	s10 =	sld [smem:$0x3FB4]  }
0x39: {  	_ = 	snop;
	(pc) =	sbr.ind lr, $3  }
0x3a: {  	_ = 	snop  }
0x3b: {  	_ = 	snop  }
0x3c: {  	p2 =	seq.s32 s10, $0x1;
	s10 =	sld [smem:$0x3FB3]  }
0x3d: {  	_ =	shalt  }
0x3e: {  	_ =	shalt  }
0x3f: {  	_ =	shalt  }
0x40: {  	_ =	shalt  }
0x41: {  	_ =	shalt  }
0x42: {  	_ =	shalt  }
0x43: {  	_ =	shalt  }
0x44: {  	_ =	shalt  }
0x45: {  	_ =	shalt  }
0x46: {  	_ =	shalt  }
0x47: {  	_ =	shalt  }
0x48: {  	_ =	shalt  }
0x49: {  	_ =	shalt  }
0x4a: {  	_ =	shalt  }
0x4b: {  	_ =	shalt  }
0x4c: {  	_ =	shalt  }
0x4d: {  	_ =	shalt  }
0x4e: {  	_ =	shalt  }
0x4f: {  	_ =	shalt  }
0x50: {  	_ =	shalt  }
0x51: {  	_ =	shalt  }
0x52: {  	_ =	shalt  }
0x53: {  	_ =	shalt  }
0x54: {  	_ =	shalt  }
0x55: {  	_ =	shalt  }
0x56: {  	_ =	shalt  }
0x57: {  	_ =	shalt  }
0x58: {  	_ =	shalt  }
0x59: {  	_ =	shalt  }
0x5a: {  	_ =	shalt  }
0x5b: {  	_ =	shalt  }
0x5c: {  	_ =	shalt  }
0x5d: {  	_ =	shalt  }
0x5e: {  	_ =	shalt  }
0x5f: {  	_ =	shalt  }
0x60: {  	_ =	shalt  }
0x61: {  	_ =	shalt  }
0x62: {  	_ =	shalt  }
0x63: {  	_ =	shalt  }
0x64: {  	_ =	shalt  }
0x65: {  	_ =	shalt  }
0x66: {  	_ =	shalt  }
0x67: {  	_ =	shalt  }
0x68: {  	_ =	shalt  }
0x69: {  	_ =	shalt  }
0x6a: {  	_ =	shalt  }
0x6b: {  	_ =	shalt  }
0x6c: {  	_ =	shalt  }
0x6d: {  	_ =	shalt  }
0x6e: {  	_ =	shalt  }
0x6f: {  	_ =	shalt  }
0x70: {  	_ =	shalt  }
0x71: {  	_ =	shalt  }
0x72: {  	_ =	shalt  }
0x73: {  	_ =	shalt  }
0x74: {  	_ =	shalt  }
0x75: {  	_ =	shalt  }
0x76: {  	_ =	shalt  }
0x77: {  	_ =	shalt  }
0x78: {  	_ =	shalt  }
0x79: {  	_ =	shalt  }
0x7a: {  	_ =	shalt  }
0x7b: {  	_ =	shalt  }
0x7c: {  	_ =	shalt  }
0x7d: {  	_ =	shalt  }
0x7e: {  	_ =	shalt  }
0x7f: {  	_ =	shalt  }
0x80: {  	_ =	shalt  }
0x81: {  	_ =	shalt  }
0x82: {  	_ =	shalt  }
0x83: {  	_ =	shalt  }
0x84: {  	_ =	shalt  }
0x85: {  	_ =	shalt  }
0x86: {  	_ =	shalt  }
0x87: {  	_ =	shalt  }
.Lfunc_end0:
.L_simem_size_0:
called_computation.3_lowered:
.L_overlay_start_0:
0x88: {  	s2 =	sld [smem:$0x3FD9]  }
0x89: {  	s3 =	sld [smem:$0x3FFE];
	_ =	sdelay $0x1  }
0x8a: {  	s1 =	srdreg.scid  }
0x8b: {  	s0 =	sand.u32 $0x1, s1  }
0x8c: {  	s17 =	sshll.u32 s0, $0xA;
	s2 =	sadd.s32 s3, s2  }
0x8d: {  	s2 =	sadd.s32 s2, s17  }
0x8e: {  	[smem:$0x3FBF] =	sst s2  }
0x8f: {  	_ = 	snop  }
0x90: {  	s2 =	sld [smem:$0x3FD0];
	(tm) =	ssettm $0x1  }
0x91: {  	s18 =	sld [smem:$0x3FFB];
	_ =	sdelay $0x3  }
0x92: {  	_ =	strace s18  }
0x93: {  	s3 =	sld [smem:$0x3FFC];
	_ =	sdelay $0x3  }
0x94: {  	_ =	strace s3  }
0x95: {  	s3 =	sld [smem:$0x3FFD];
	_ =	sdelay $0x3  }
0x96: {  	_ =	strace s3  }
0x97: {  	_ =	strace $0x8FFFFFFF  }
0x98: {  	s19 =	sld [smem:$0x3FDB];
	_ =	sdelay $0x1  }
0x99: {  	s4 =	simm.s32 $_scs_section_size  }
0x9a: {  	s5 =	simm.s32 $_size__tile_overlayer_lowered;
	s6 =	simm.s32 $_tile_overlayer_lowered  }
0x9b: {  	s22 =	simm.s32 $0x1BFF;
	s21 =	sshll.u32 s6, $0x1;
	s3 =	sadd.s32 s4, s19  }
0x9c: {  	s7 =	simm.s32 $0x0;
	s20 =	sshll.u32 s5, $0x1;
	s5 =	sadd.s32 s21, s3  }
0x9d: {  	[timem:s7], [sflag:s22] =	dma.local [hbm:s5], s20  }
0x9e: {  	_ =	swait.ge [sflag:s22], s20  }
0x9f: {  	s4 =	ssub.s32 $0x0, s20;
	[sflag:s22] =	ssyncset.done $0x0  }
0xa0: {  	[sflag:s22] =	ssyncadd.s32 s4;
	_ =	sdelay $0x1  }
0xa1: {  	s23 =	simm.s32 $0x1B8B  }
0xa2: {  	_ =	swait.ge [sflag:s23], $0x1  }
0xa3: {  	[sflag:s23] =	ssyncset.done $0x0  }
0xa4: {  	s25 =	simm.s32 $0x1B8E;
	s24 =	sld [smem:$0x3FFE];
	[sflag:s23] =	ssyncadd.s32 $0xFFFFFFFF  }
0xa5: {  	s26 =	simm.s32 $execute0_lowered;
	[smem:$0x3FD2] =	sst s25  }
0xa6: {  	s5 =	sshll.u32 s26, $0x1;
	_ =	strace $0x8000004F;
	[dreg:$0x1] =	wrdreg $0xFFFFFFFF  }
0xa7: {  	s28 =	simm.s32 $_size_execute0_lowered;
	s3 =	sadd.s32 s3, s5;
	[dreg:$0x0] =	wrdreg $0x0  }
0xa8: {  	s5 =	sshll.u32 s28, $0x1;
	[dreg:$0x2] =	wrdreg s3  }
0xa9: {  	[dreg:$0x3] =	wrdreg s5  }
0xaa: {  	[dreg:$0x4] =	wrdreg $0xC0  }
0xab: {  	_ =	task [dreg:s7], $0x5FFFF  }
0xac: {  	[dreg:$0x1] =	wrdreg $0xFFFFFFFF  }
0xad: {  	[dreg:$0x0] =	wrdreg $0x60  }
0xae: {  	[dreg:$0x2] =	wrdreg s2  }
0xaf: {  	[dreg:$0x3] =	wrdreg s24  }
0xb0: {  	[dreg:$0x4] =	wrdreg $0x120400  }
0xb1: {  	[dreg:$0x5] =	wrdreg $0x9  }
0xb2: {  	_ =	task.clear_ibuf [dreg:s7], $0x6FFFF;
	_ =	strace $0x9000004F  }
0xb3: {  	s29 =	simm.s32 $0x9;
	_ =	strace $0x80000051  }
0xb4: {  	_ =	swait.ge [sflag:s29], $0x1  }
0xb5: {  	[sflag:s29] =	ssyncadd.s32 $0xFFFFFFFF  }
0xb6: {  	_ =	strace $0x90000051  }
0xb7: {  	_ =	sfence  }
0xb8: {  	s30 =	sld [smem:$0x0];
	_ =	sdelay $0x2  }
0xb9: {  	s31 =	sshll.u32 s1, $0xD;
	s1 =	sshrl.u32 s1, $0x2  }
0xba: {  	s3 =	sand.u32 $0x4000, s31;
	s1 =	sadd.s32 s1, s30  }
0xbb: {  	s0 =	sor.u32 s3, s0;
	s1 =	sshll.u32 s1, $0x11  }
0xbc: {  	s0 =	sor.u32 s1, s0  }
0xbd: {  	s0 =	sadd.s32 $0x8F2B, s0  }
0xbe: {  	[sflag:s0] =	ssyncadd.remote.s32 $0x1  }
0xbf: {  	_ =	sfence.sel $0xFFFF  }
0xc0: {  	[dreg:$0x0] =	wrdreg $0xFFFFFFFF;
	(pc) =	sbr.abs _section_cstart, $3  }
0xc1: {  	[dreg:$0x1] =	wrdreg $0xFFFFFFFF  }
0xc2: {  	_ =	task.clear_ibuf [dreg:s7], $0x2FFFF;
	_ =	strace $0x9FFFFFFF  }
0xc3: {  	(tm) =	ssettm $0x7FFFFFFF  }
tec
execute0_lowered:
.L_overlay_start_1:
0x0: {  	(tag) =	ssettag $0x1  }
0x1: {  	s1 =	rddreg [dreg:$0x0]  }
0x2: {  	s0 =	srdreg.scid;
	s2 =	rddreg [dreg:$0x1]  }
0x3: {  	s9 =	stileid.u32;
	s3 =	rddreg [dreg:$0x2]  }
0x4: {  	s15 =	simm.s32 $0x10040;
	s16 =	simm.s32 $0x8;
	s17 =	simm.s32 $0x1  }
0x5: {  	s18 =	simm.s32 $0x2;
	s19 =	simm.s32 $0x50;
	s20 =	simm.s32 $0x9C40  }
0x6: {  	s21 =	simm.s32 $0xB040;
	s23 =	simm.s32 $0xC440;
	s28 =	simm.s32 $0xEC40  }
0x7: {  	s29 =	simm.s32 $0x3;
	s30 =	simm.s32 $0x4;
	s31 =	simm.s32 $0x5  }
0x8: {  	s14 =	simm.s32 $0x7;
	s0 =	sand.u32 $0x1, s0;
	s6 =	smul.u32 $0x14000, s9  }
0x9: {  	s8 =	smul.u32 $0x9C4, s9;
	s4 =	sshll.u32 s0, $0x4;
	s7 =	sshll.u32 s0, $0x6  }
0xa: {  	s0 =	ssub.s32 $0x2, s0;
	s5 =	sor.u32 s9, s4;
	s4 =	simm.s32 $0x0  }
0xb: {  	s6 =	sor.u32 s7, s6;
	s25 =	sshrl.u32 s0, $0x1;
	s9 =	smul.u32 $0x28000, s9  }
0xc: {  	s8 =	sadd.s32 s8, s2;
	s5 =	smul.u32 $0x9C4, s5;
	[smem:$0x7FF] =	sst s4  }
0xd: {  	s6 =	sshrl.u32 s6, $0x3;
	s0 =	ssub.s32 s0, s25;
	s25 =	simm.s32 $0xD840  }
0xe: {  	_ =	strace $0x80000050;
	s26 =	sshrl.u32 s9, $0x2;
	s9 =	smax.u32 s0, $0x1  }
0xf: {  	s0 =	simm.s32 $0x0;
	s5 =	sadd.s32 s5, s2;
	s2 =	sadd.s32 s6, s2  }
0x10: {  	s6 =	sadd.s32 $0x4C00, s8;
	s7 =	sadd.s32 s26, s3;
	s5 =	sadd.s32 $0xEA00, s5  }
0x11: {  	s8 =	sadd.s32 $0x22400, s2;
	s10 =	sadd.s32 $0x2000, s7;
	s11 =	sadd.s32 $0x4000, s7  }
0x12: {  	v0 =	vimm.f32 $0.0e+00;
	s12 =	sadd.s32 $0x6000, s7;
	s13 =	sadd.s32 $0x8000, s7;
	s2 =	simm.s32 $0x6  }
.LBB2_1:
0x13: {  	[tilespmem:s4], [sflag:$0x1] =	stream.linear.gather [hbm4b:s5+s4], $0x4E20, $0x38;
	[tilespmem:$0x1C040] =	vst v63  }
0x14: {  	s22 =	simm.s32 $0x4E20  }
0x15: {  	[tilespmem:s22], [sflag:$0x2] =	stream.linear.gather [hbm4b:s6+s4], $0x4E20, $0x38;
	[tilespmem:$0x1C040] =	vst v63  }
0x16: {  	s26 =	simm.s32 $0x100;
	s22 =	simm.s32 $0x0  }
.LBB2_2:
0x17: {  	p0 =	sne.s32 s26, $0x7F00;
	[tilespmem:s22+$0x10070] =	vst v0;
	s24 =	smov.u32 s26;
	s26 =	sadd.s32 $0x100, s26  }
.Ltmp0:
0x18: {  	[tilespmem:s22+$0x10060] =	vst v0;
	(pc) =	sbr.rel @p0 .LBB2_2-.Ltmp0, $3  }
0x19: {  	[tilespmem:s22+$0x10040] =	vst v0  }
0x1a: {  	[tilespmem:s22+$0x10050] =	vst v0;
	_ =	sdelay $0x1  }
0x1b: {  	s22 =	sshra.s32 s24, $0x2  }
0x1c: {  	[tilespmem:s22+$0x10070] =	vst v0  }
0x1d: {  	[tilespmem:s22+$0x10060] =	vst v0  }
0x1e: {  	[tilespmem:s22+$0x10040] =	vst v0  }
0x1f: {  	[tilespmem:s22+$0x10050] =	vst v0  }
0x20: {  	[spmem:s7] =	stream.linear.scatter [tilespmem:s15], [sflag:$0x8], $0x2000, $0x38;
	[tilespmem:$0x1C040] =	vst v63  }
0x21: {  	_ =	swait.ge [sflag:s16], $0x2000  }
0x22: {  	[sflag:s16] =	ssyncset.done $0x0  }
0x23: {  	[sflag:s16] =	ssyncadd.s32 $0xFFFFE000  }
0x24: {  	[spmem:s10] =	stream.linear.scatter [tilespmem:s15], [sflag:$0x8], $0x2000, $0x38;
	[tilespmem:$0x1C040] =	vst v63  }
0x25: {  	_ =	swait.ge [sflag:s16], $0x2000  }
0x26: {  	[sflag:s16] =	ssyncset.done $0x0  }
0x27: {  	[sflag:s16] =	ssyncadd.s32 $0xFFFFE000  }
0x28: {  	[spmem:s11] =	stream.linear.scatter [tilespmem:s15], [sflag:$0x8], $0x2000, $0x38;
	[tilespmem:$0x1C040] =	vst v63  }
0x29: {  	_ =	swait.ge [sflag:s16], $0x2000  }
0x2a: {  	[sflag:s16] =	ssyncset.done $0x0  }
0x2b: {  	[sflag:s16] =	ssyncadd.s32 $0xFFFFE000  }
0x2c: {  	[spmem:s12] =	stream.linear.scatter [tilespmem:s15], [sflag:$0x8], $0x2000, $0x38;
	[tilespmem:$0x1C040] =	vst v63  }
0x2d: {  	_ =	swait.ge [sflag:s16], $0x2000  }
0x2e: {  	[sflag:s16] =	ssyncset.done $0x0  }
0x2f: {  	[sflag:s16] =	ssyncadd.s32 $0xFFFFE000  }
0x30: {  	[spmem:s13] =	stream.linear.scatter [tilespmem:s15], [sflag:$0x8], $0x2000, $0x38;
	[tilespmem:$0x1C040] =	vst v63  }
0x31: {  	_ =	swait.ge [sflag:s16], $0x2000  }
0x32: {  	[sflag:s16] =	ssyncset.done $0x0  }
0x33: {  	[sflag:s16] =	ssyncadd.s32 $0xFFFFE000  }
0x34: {  	_ =	swait.ge [sflag:s17], $0x4E20  }
0x35: {  	[sflag:s17] =	ssyncset.done $0x0  }
0x36: {  	[sflag:s17] =	ssyncadd.s32 $0xFFFFB1E0  }
0x37: {  	_ =	swait.ge [sflag:s18], $0x4E20  }
0x38: {  	[sflag:s18] =	ssyncset.done $0x0  }
0x39: {  	[sflag:s18] =	ssyncadd.s32 $0xFFFFB1E0  }
0x3a: {  	s26 =	simm.s32 $0x0;
	[bflag:$0x0] =	sbarrier.arrive $0xFFFF  }
0x3b: {  	[tilespmem:s20], [sflag:$0x3] =	stream.indirect.gather [hbm4b:s1+s19], $0x40, s26, s19, $0xb8;
	[tilespmem:$0x1C040] =	vst v63  }
0x3c: {  	_ = 	snop  }
0x3d: {  	[tilespmem:s21], [sflag:$0x4] =	stream.indirect.gather [hbm4b:s1+s19], $0x40, s19, s19, $0xb8;
	[tilespmem:$0x1C040] =	vst v63  }
0x3e: {  	s24 =	simm.s32 $0xA0  }
0x3f: {  	[tilespmem:s23], [sflag:$0x5] =	stream.indirect.gather [hbm4b:s1+s19], $0x40, s24, s19, $0xb8;
	[tilespmem:$0x1C040] =	vst v63  }
0x40: {  	s26 =	simm.s32 $0xF0  }
0x41: {  	[tilespmem:s25], [sflag:$0x6] =	stream.indirect.gather [hbm4b:s1+s19], $0x40, s26, s19, $0xb8;
	[tilespmem:$0x1C040] =	vst v63  }
0x42: {  	s24 =	simm.s32 $0x140  }
0x43: {  	[tilespmem:s28], [sflag:$0x7] =	stream.indirect.gather [hbm4b:s1+s19], $0x40, s24, s19, $0xb8;
	[tilespmem:$0x1C040] =	vst v63  }
0x44: {  	_ =	swait.ge [sflag:s29], $0x1400  }
0x45: {  	[sflag:s29] =	ssyncset.done $0x0  }
0x46: {  	s26 =	simm.s32 $0x4E20;
	[sflag:s29] =	ssyncadd.s32 $0xFFFFEC00  }
0x47: {  	[spmem:s3] =	stream.indirect.scatter.add.f32 [tilespmem:s20], [sflag:$0x8], $0x40, s26, s19, $0xb8;
	[tilespmem:$0x1C040] =	vst v63  }
0x48: {  	_ =	swait.ge [sflag:s16], $0x1400  }
0x49: {  	[sflag:s16] =	ssyncset.done $0x0  }
0x4a: {  	s24 =	simm.s32 $0x190;
	[sflag:s16] =	ssyncadd.s32 $0xFFFFEC00  }
0x4b: {  	[tilespmem:s20], [sflag:$0x3] =	stream.indirect.gather [hbm4b:s1+s19], $0x40, s24, s19, $0xb8;
	[tilespmem:$0x1C040] =	vst v63  }
0x4c: {  	_ =	swait.ge [sflag:s30], $0x1400  }
0x4d: {  	[sflag:s30] =	ssyncset.done $0x0  }
0x4e: {  	s26 =	simm.s32 $0x4E70;
	[sflag:s30] =	ssyncadd.s32 $0xFFFFEC00  }
0x4f: {  	[spmem:s3] =	stream.indirect.scatter.add.f32 [tilespmem:s21], [sflag:$0x8], $0x40, s26, s19, $0xb8;
	[tilespmem:$0x1C040] =	vst v63  }
0x50: {  	_ =	swait.ge [sflag:s16], $0x1400  }
0x51: {  	[sflag:s16] =	ssyncset.done $0x0  }
0x52: {  	s24 =	simm.s32 $0x1E0;
	[sflag:s16] =	ssyncadd.s32 $0xFFFFEC00  }
0x53: {  	[tilespmem:s21], [sflag:$0x4] =	stream.indirect.gather [hbm4b:s1+s19], $0x40, s24, s19, $0xb8;
	[tilespmem:$0x1C040] =	vst v63  }
0x54: {  	_ =	swait.ge [sflag:s31], $0x1400  }
0x55: {  	[sflag:s31] =	ssyncset.done $0x0  }
0x56: {  	s26 =	simm.s32 $0x4EC0;
	[sflag:s31] =	ssyncadd.s32 $0xFFFFEC00  }
0x57: {  	[spmem:s3] =	stream.indirect.scatter.add.f32 [tilespmem:s23], [sflag:$0x8], $0x40, s26, s19, $0xb8;
	[tilespmem:$0x1C040] =	vst v63  }
0x58: {  	_ =	swait.ge [sflag:s16], $0x1400  }
0x59: {  	[sflag:s16] =	ssyncset.done $0x0  }
0x5a: {  	s24 =	simm.s32 $0x230;
	[sflag:s16] =	ssyncadd.s32 $0xFFFFEC00  }
0x5b: {  	[tilespmem:s23], [sflag:$0x5] =	stream.indirect.gather [hbm4b:s1+s19], $0x40, s24, s19, $0xb8;
	[tilespmem:$0x1C040] =	vst v63  }
0x5c: {  	_ =	swait.ge [sflag:s2], $0x1400  }
0x5d: {  	[sflag:s2] =	ssyncset.done $0x0  }
0x5e: {  	s26 =	simm.s32 $0x4F10;
	[sflag:s2] =	ssyncadd.s32 $0xFFFFEC00  }
0x5f: {  	[spmem:s3] =	stream.indirect.scatter.add.f32 [tilespmem:s25], [sflag:$0x8], $0x40, s26, s19, $0xb8;
	[tilespmem:$0x1C040] =	vst v63  }
0x60: {  	_ =	swait.ge [sflag:s16], $0x1400  }
0x61: {  	[sflag:s16] =	ssyncset.done $0x0  }
0x62: {  	s24 =	simm.s32 $0x280;
	[sflag:s16] =	ssyncadd.s32 $0xFFFFEC00  }
0x63: {  	[tilespmem:s25], [sflag:$0x6] =	stream.indirect.gather [hbm4b:s1+s19], $0x40, s24, s19, $0xb8;
	[tilespmem:$0x1C040] =	vst v63  }
0x64: {  	_ =	swait.ge [sflag:s14], $0x1400  }
0x65: {  	[sflag:s14] =	ssyncset.done $0x0  }
0x66: {  	s26 =	simm.s32 $0x4F60;
	[sflag:s14] =	ssyncadd.s32 $0xFFFFEC00  }
0x67: {  	[spmem:s3] =	stream.indirect.scatter.add.f32 [tilespmem:s28], [sflag:$0x8], $0x40, s26, s19, $0xb8;
	[tilespmem:$0x1C040] =	vst v63  }
0x68: {  	_ =	swait.ge [sflag:s16], $0x1400  }
0x69: {  	[sflag:s16] =	ssyncset.done $0x0  }
0x6a: {  	s22 =	simm.s32 $0x2D0;
	s26 =	simm.s32 $0x640;
	[sflag:s16] =	ssyncadd.s32 $0xFFFFEC00  }
.LBB2_4:
0x6b: {  	[tilespmem:s28], [sflag:$0x7] =	stream.indirect.gather [hbm4b:s1+s19], $0x40, s22, s19, $0xb8;
	[tilespmem:$0x1C040] =	vst v63  }
0x6c: {  	s22 =	smov.u32 s26  }
0x6d: {  	p0 =	sne.s32 s26, $0x12C00;
	s26 =	sadd.s32 $0x640, s26;
	_ =	swait.ge [sflag:s29], $0x1400  }
0x6e: {  	s22 =	sshra.s32 s22, $0x2;
	[sflag:s29] =	ssyncset.done $0x0  }
0x6f: {  	s24 =	sadd.s32 $0x4E20, s22;
	[sflag:s29] =	ssyncadd.s32 $0xFFFFEC00  }
0x70: {  	[spmem:s3] =	stream.indirect.scatter.add.f32 [tilespmem:s20], [sflag:$0x8], $0x40, s24, s19, $0xb8;
	[tilespmem:$0x1C040] =	vst v63  }
0x71: {  	_ =	swait.ge [sflag:s16], $0x1400  }
0x72: {  	[sflag:s16] =	ssyncset.done $0x0  }
0x73: {  	s24 =	sadd.s32 $0x190, s22;
	[sflag:s16] =	ssyncadd.s32 $0xFFFFEC00  }
0x74: {  	[tilespmem:s20], [sflag:$0x3] =	stream.indirect.gather [hbm4b:s1+s19], $0x40, s24, s19, $0xb8;
	[tilespmem:$0x1C040] =	vst v63  }
0x75: {  	_ =	swait.ge [sflag:s30], $0x1400  }
0x76: {  	[sflag:s30] =	ssyncset.done $0x0  }
0x77: {  	s24 =	sadd.s32 $0x4E70, s22;
	[sflag:s30] =	ssyncadd.s32 $0xFFFFEC00  }
0x78: {  	[spmem:s3] =	stream.indirect.scatter.add.f32 [tilespmem:s21], [sflag:$0x8], $0x40, s24, s19, $0xb8;
	[tilespmem:$0x1C040] =	vst v63  }
0x79: {  	_ =	swait.ge [sflag:s16], $0x1400  }
0x7a: {  	[sflag:s16] =	ssyncset.done $0x0  }
0x7b: {  	s24 =	sadd.s32 $0x1E0, s22;
	[sflag:s16] =	ssyncadd.s32 $0xFFFFEC00  }
0x7c: {  	[tilespmem:s21], [sflag:$0x4] =	stream.indirect.gather [hbm4b:s1+s19], $0x40, s24, s19, $0xb8;
	[tilespmem:$0x1C040] =	vst v63  }
0x7d: {  	_ =	swait.ge [sflag:s31], $0x1400  }
0x7e: {  	[sflag:s31] =	ssyncset.done $0x0  }
0x7f: {  	s24 =	sadd.s32 $0x4EC0, s22;
	[sflag:s31] =	ssyncadd.s32 $0xFFFFEC00  }
0x80: {  	[spmem:s3] =	stream.indirect.scatter.add.f32 [tilespmem:s23], [sflag:$0x8], $0x40, s24, s19, $0xb8;
	[tilespmem:$0x1C040] =	vst v63  }
0x81: {  	_ =	swait.ge [sflag:s16], $0x1400  }
0x82: {  	[sflag:s16] =	ssyncset.done $0x0  }
0x83: {  	s24 =	sadd.s32 $0x230, s22;
	[sflag:s16] =	ssyncadd.s32 $0xFFFFEC00  }
0x84: {  	[tilespmem:s23], [sflag:$0x5] =	stream.indirect.gather [hbm4b:s1+s19], $0x40, s24, s19, $0xb8;
	[tilespmem:$0x1C040] =	vst v63  }
0x85: {  	_ =	swait.ge [sflag:s2], $0x1400  }
0x86: {  	[sflag:s2] =	ssyncset.done $0x0  }
0x87: {  	s24 =	sadd.s32 $0x4F10, s22;
	[sflag:s2] =	ssyncadd.s32 $0xFFFFEC00  }
0x88: {  	[spmem:s3] =	stream.indirect.scatter.add.f32 [tilespmem:s25], [sflag:$0x8], $0x40, s24, s19, $0xb8;
	[tilespmem:$0x1C040] =	vst v63  }
0x89: {  	_ =	swait.ge [sflag:s16], $0x1400  }
0x8a: {  	[sflag:s16] =	ssyncset.done $0x0  }
0x8b: {  	s24 =	sadd.s32 $0x280, s22;
	[sflag:s16] =	ssyncadd.s32 $0xFFFFEC00  }
0x8c: {  	[tilespmem:s25], [sflag:$0x6] =	stream.indirect.gather [hbm4b:s1+s19], $0x40, s24, s19, $0xb8;
	[tilespmem:$0x1C040] =	vst v63  }
0x8d: {  	_ =	swait.ge [sflag:s14], $0x1400  }
0x8e: {  	[sflag:s14] =	ssyncset.done $0x0  }
.Ltmp1:
0x8f: {  	s24 =	sadd.s32 $0x4F60, s22;
	[sflag:s14] =	ssyncadd.s32 $0xFFFFEC00;
	(pc) =	sbr.rel @p0 .LBB2_4-.Ltmp1, $4  }
0x90: {  	[spmem:s3] =	stream.indirect.scatter.add.f32 [tilespmem:s28], [sflag:$0x8], $0x40, s24, s19, $0xb8;
	[tilespmem:$0x1C040] =	vst v63  }
0x91: {  	_ =	swait.ge [sflag:s16], $0x1400  }
0x92: {  	[sflag:s16] =	ssyncset.done $0x0  }
0x93: {  	s22 =	sadd.s32 $0x2D0, s22;
	[sflag:s16] =	ssyncadd.s32 $0xFFFFEC00  }
0x94: {  	[tilespmem:s28], [sflag:$0x7] =	stream.indirect.gather [hbm4b:s1+s19], $0x40, s22, s19, $0xb8;
	[tilespmem:$0x1C040] =	vst v63  }
0x95: {  	_ =	swait.ge [sflag:s29], $0x1400  }
0x96: {  	[sflag:s29] =	ssyncset.done $0x0  }
0x97: {  	s24 =	simm.s32 $0x9AB0;
	[sflag:s29] =	ssyncadd.s32 $0xFFFFEC00  }
0x98: {  	[spmem:s3] =	stream.indirect.scatter.add.f32 [tilespmem:s20], [sflag:$0x8], $0x40, s24, s19, $0xb8;
	[tilespmem:$0x1C040] =	vst v63  }
0x99: {  	_ =	swait.ge [sflag:s16], $0x1400  }
0x9a: {  	[sflag:s16] =	ssyncset.done $0x0  }
0x9b: {  	[sflag:s16] =	ssyncadd.s32 $0xFFFFEC00  }
0x9c: {  	_ =	swait.ge [sflag:s30], $0x1400  }
0x9d: {  	[sflag:s30] =	ssyncset.done $0x0  }
0x9e: {  	s26 =	simm.s32 $0x9B00;
	[sflag:s30] =	ssyncadd.s32 $0xFFFFEC00  }
0x9f: {  	[spmem:s3] =	stream.indirect.scatter.add.f32 [tilespmem:s21], [sflag:$0x8], $0x40, s26, s19, $0xb8;
	[tilespmem:$0x1C040] =	vst v63  }
0xa0: {  	_ =	swait.ge [sflag:s16], $0x1400  }
0xa1: {  	[sflag:s16] =	ssyncset.done $0x0  }
0xa2: {  	[sflag:s16] =	ssyncadd.s32 $0xFFFFEC00  }
0xa3: {  	_ =	swait.ge [sflag:s31], $0x1400  }
0xa4: {  	[sflag:s31] =	ssyncset.done $0x0  }
0xa5: {  	s24 =	simm.s32 $0x9B50;
	[sflag:s31] =	ssyncadd.s32 $0xFFFFEC00  }
0xa6: {  	[spmem:s3] =	stream.indirect.scatter.add.f32 [tilespmem:s23], [sflag:$0x8], $0x40, s24, s19, $0xb8;
	[tilespmem:$0x1C040] =	vst v63  }
0xa7: {  	_ =	swait.ge [sflag:s16], $0x1400  }
0xa8: {  	[sflag:s16] =	ssyncset.done $0x0  }
0xa9: {  	[sflag:s16] =	ssyncadd.s32 $0xFFFFEC00  }
0xaa: {  	_ =	swait.ge [sflag:s2], $0x1400  }
0xab: {  	[sflag:s2] =	ssyncset.done $0x0  }
0xac: {  	s26 =	simm.s32 $0x9BA0;
	[sflag:s2] =	ssyncadd.s32 $0xFFFFEC00  }
0xad: {  	[spmem:s3] =	stream.indirect.scatter.add.f32 [tilespmem:s25], [sflag:$0x8], $0x40, s26, s19, $0xb8;
	[tilespmem:$0x1C040] =	vst v63  }
0xae: {  	_ =	swait.ge [sflag:s16], $0x1400  }
0xaf: {  	[sflag:s16] =	ssyncset.done $0x0  }
0xb0: {  	[sflag:s16] =	ssyncadd.s32 $0xFFFFEC00  }
0xb1: {  	_ =	swait.ge [sflag:s14], $0x1400  }
0xb2: {  	[sflag:s14] =	ssyncset.done $0x0  }
0xb3: {  	s24 =	simm.s32 $0x9BF0;
	[sflag:s14] =	ssyncadd.s32 $0xFFFFEC00  }
0xb4: {  	[spmem:s3] =	stream.indirect.scatter.add.f32 [tilespmem:s28], [sflag:$0x8], $0x40, s24, s19, $0xb8;
	[tilespmem:$0x1C040] =	vst v63  }
0xb5: {  	s0 =	sadd.s32 $0x1, s0;
	s26 =	stileid.u32;
	_ =	swait.ge [sflag:s16], $0x1400  }
0xb6: {  	p0 =	sne.s32 s0, s9;
	s22 =	sshll.u32 s26, $0x6;
	[sflag:s16] =	ssyncset.done $0x0  }
0xb7: {  	s26 =	simm.s32 $0x10;
	s22 =	sor.u32 $0x1C08, s22;
	[sflag:s16] =	ssyncadd.s32 $0xFFFFEC00  }
.Ltmp2:
0xb8: {  	s24 =	sshrl.u32 s7, $0x3;
	[bflag:$0x0] =	sbarrier.arrive $0xFFFF;
	(pc) =	sbr.rel @p0 .LBB2_1-.Ltmp2, $4  }
0xb9: {  	[hbm:s8@s26], [sflag:s22] =	dma.strided [spmem:s24@s16], $0x1400, s17, $0x8   }
0xba: {  	_ =	swait.ge [sflag:s16], $0x1400  }
0xbb: {  	[sflag:s16] =	ssyncset.done $0x0  }
0xbc: {  	[sflag:s16] =	ssyncadd.s32 $0xFFFFEC00  }
0xbd: {  	_ =	sfence.sel $0x180000  }
0xbe: {  	[bflag:$0x0] =	sbarrier.arrive $0xFFFF  }
0xbf: {  	_ =	strace $0x90000050  }
0xc0: {  	s0 =	stileid.u32;
	[bflag:$0x2] =	sbarrier.arrive $0xFFFF  }
0xc1: {  	p0 =	sne.s32 s0, $0x0;
	s0 =	rddreg [dreg:$0x3]  }
0xc2: {  	s0 =	sadd.s32 @!p0 $0x100000, s0  }
0xc3: {  	[sflag:s0] =	ssyncadd.tile.s32 @!p0 $0x1;
	_ =	shalt  }
.Lfunc_end2:
_tile_overlayer_lowered:
.L_overlay_start_2:
0xc4: {  	(tag) =	ssettag $0x2  }
0xc5: {  	s0 =	rddreg [dreg:$0x0];
	s2 =	stileid.u32  }
0xc6: {  	s1 =	rddreg [dreg:$0x1];
	p0 =	sne.s32 s2, $0x0  }
0xc7: {  	s3 =	rddreg [dreg:$0x2];
	[bflag:$0x3] =	sbarrier.arrive $0xFFFF;
	s2 =	simm.s32 @!p0 $0x1C08  }
0xc8: {  	[timem:s3], [sflag:s2] =	dma.local @!p0 [hbm:s0], s1  }
0xc9: {  	s0 =	simm.s32 @!p0 $0x8  }
0xca: {  	_ =	swait.ge @!p0 [sflag:s0], s1  }
0xcb: {  	s1 =	ssub.s32 @!p0 $0x0, s1;
	[sflag:s0] =	ssyncset.done @!p0 $0x0  }
0xcc: {  	[sflag:s0] =	ssyncadd.s32 @!p0 s1  }
0xcd: {  	[bflag:$0x3] =	sbarrier.arrive $0xFFFF  }
0xce: {  	_ =	shalt  }

</sc_bundles>
